<compile_context>
chip_gen: v7x
topology: tpu7x:2x2x1
jax: 0.10.2.dev20260603
libtpu: 0.0.44.dev20260713+nightly
codegen_flags: <defaults>
</compile_context>

<pallas_src>
import functools

import jax
import jax.numpy as jnp
from jax import lax
from jax.experimental import pallas as pl
from jax.experimental.pallas import tpu as pltpu
from jax.experimental.pallas import tpu_sc as plsc

N = 10000
NPAD = 10240
D_IN = 128
HID = 32
NCLS = 40
F2 = 48
EPS = 1e-5
E = 320000
CHUNK = 128
NWORK = 32
EPW = E // NWORK
CPW = 78
TAIL = EPW - CPW * CHUNK
NSUB = 16
RPS = NPAD // NSUB
DEGW = 16
NBUF = 6
ZROWS = 128
BLK = 2000

def _fill(ref, value, feat):
    @pl.loop(0, ref.shape[0])
    def _(i):
        for k in range(feat // 16):
            ref[i, pl.ds(k * 16, 16)] = jnp.full((16,), value, jnp.float32)


def _zero_acc(zbuf, acc_sh, s):
    for q in range(RPS // ZROWS):
        pltpu.sync_copy(zbuf, acc_sh.at[pl.ds(s * RPS + q * ZROWS, ZROWS)])



def _mm_scale_body(x_ref, w_ref, degp_ref, g1_ref, dinv_ref):
    h1 = jnp.dot(x_ref[...], w_ref[...], preferred_element_type=jnp.float32)
    deg = degp_ref[0, :, :1] + degp_ref[1, :, :1] + 1.0
    dinv = lax.rsqrt(deg)
    dinv_ref[...] = dinv
    g1_ref[...] = h1 * dinv


def _mm_scale(x, w, degp):
    nb = N // BLK
    return pl.pallas_call(
        _mm_scale_body,
        grid=(nb,),
        in_specs=[pl.BlockSpec((BLK, D_IN), lambda i: (i, 0)),
                  pl.BlockSpec((D_IN, HID), lambda i: (0, 0)),
                  pl.BlockSpec((2, BLK, DEGW), lambda i: (0, i, 0))],
        out_specs=(pl.BlockSpec((BLK, HID), lambda i: (i, 0)),
                   pl.BlockSpec((BLK, 1), lambda i: (i, 0))),
        out_shape=(jax.ShapeDtypeStruct((N, HID), jnp.float32),
                   jax.ShapeDtypeStruct((N, 1), jnp.float32)),
    )(x, w, degp)


def _mid_body(accp_ref, g1_ref, dinv_ref, b1_ref, gam_ref, bet_ref, w2_ref,
              g2_ref):
    s = accp_ref[0] + accp_ref[1] + g1_ref[...]
    h = s * dinv_ref[...] + b1_ref[...]
    mu = jnp.mean(h, axis=0, keepdims=True)
    var = jnp.mean((h - mu) ** 2, axis=0, keepdims=True)
    hn = (h - mu) * lax.rsqrt(var + EPS) * gam_ref[...] + bet_ref[...]
    hr = jnp.maximum(hn, 0.0)
    h2 = jnp.dot(hr, w2_ref[...], preferred_element_type=jnp.float32)
    g2_ref[...] = h2 * dinv_ref[...]


def _mid(accp, g1, dinv, b1r, gammar, betar, w2p):
    return pl.pallas_call(
        _mid_body,
        out_shape=jax.ShapeDtypeStruct((N, F2), jnp.float32),
    )(accp, g1, dinv, b1r, gammar, betar, w2p)


def _final_body(accp_ref, g2_ref, dinv_ref, b2_ref, o_ref):
    s = accp_ref[0] + accp_ref[1] + g2_ref[...]
    res = s * dinv_ref[...] + b2_ref[...]
    o_ref[...] = res[:, :NCLS]


def _final(accp, g2, dinv, b2r):
    nb = N // BLK
    blk = lambda i: (i, 0)
    return pl.pallas_call(
        _final_body,
        grid=(nb,),
        in_specs=[pl.BlockSpec((2, BLK, F2), lambda i: (0, i, 0)),
                  pl.BlockSpec((BLK, F2), blk),
                  pl.BlockSpec((BLK, 1), blk),
                  pl.BlockSpec((1, F2), lambda i: (0, 0))],
        out_specs=pl.BlockSpec((BLK, NCLS), blk),
        out_shape=jax.ShapeDtypeStruct((N, NCLS), jnp.float32),
    )(accp, g2, dinv, b2r)



def _copy_out(acc_sh, out_hbm, c, s):
    @pl.when(s < NSUB - 1)
    def _():
        pltpu.sync_copy(acc_sh.at[pl.ds(s * RPS, RPS)],
                        out_hbm.at[c].at[pl.ds(s * RPS, RPS)])

    @pl.when(s == NSUB - 1)
    def _():
        pltpu.sync_copy(acc_sh.at[pl.ds((NSUB - 1) * RPS, N - (NSUB - 1) * RPS)],
                        out_hbm.at[c].at[pl.ds((NSUB - 1) * RPS,
                                               N - (NSUB - 1) * RPS)])


def _sc_degree(ei):
    mesh = plsc.VectorSubcoreMesh(core_axis_name="c", subcore_axis_name="s")

    @functools.partial(
        pl.kernel,
        out_type=jax.ShapeDtypeStruct((2, N, DEGW), jnp.float32),
        mesh=mesh,
        compiler_params=pltpu.CompilerParams(use_tc_tiling_on_sc=False),
        scratch_types=[
            pltpu.VMEM((EPW,), jnp.int32),
            pltpu.VMEM((CHUNK, DEGW), jnp.float32),
            pltpu.VMEM((ZROWS, DEGW), jnp.float32),
            pltpu.VMEM_SHARED((NPAD, DEGW), jnp.float32),
            pltpu.SemaphoreType.DMA,
        ],
    )
    def k(ei_hbm, out_hbm, idx_v, ones_v, zbuf_v, acc_sh, sem):
        c = lax.axis_index("c")
        s = lax.axis_index("s")
        w = c * NSUB + s
        pltpu.async_copy(ei_hbm.at[1].at[pl.ds(w * EPW, EPW)], idx_v, sem)
        _fill(ones_v, 1.0, DEGW)
        _fill(zbuf_v, 0.0, DEGW)
        _zero_acc(zbuf_v, acc_sh, s)
        pltpu.make_async_copy(ei_hbm.at[1].at[pl.ds(w * EPW, EPW)], idx_v,
                              sem).wait()
        plsc.subcore_barrier()

        @pl.loop(0, CPW, step=6)
        def _(j0):
            for u in range(6):
                pltpu.async_copy(
                    ones_v, acc_sh.at[idx_v.at[pl.ds((j0 + u) * CHUNK, CHUNK)]],
                    sem, add=True)
            for _u in range(6):
                pltpu.make_async_copy(
                    ones_v, acc_sh.at[idx_v.at[pl.ds(j0 * CHUNK, CHUNK)]],
                    sem).wait()

        pltpu.sync_copy(ones_v.at[pl.ds(0, TAIL)],
                        acc_sh.at[idx_v.at[pl.ds(CPW * CHUNK, TAIL)]],
                        add=True)
        plsc.subcore_barrier()
        _copy_out(acc_sh, out_hbm, c, s)

    return k(ei)


def _sc_edge(g, ei, feat):
    mesh = plsc.VectorSubcoreMesh(core_axis_name="c", subcore_axis_name="s")

    @functools.partial(
        pl.kernel,
        out_type=jax.ShapeDtypeStruct((2, N, feat), jnp.float32),
        mesh=mesh,
        compiler_params=pltpu.CompilerParams(use_tc_tiling_on_sc=False),
        scratch_types=[
            pltpu.VMEM((EPW,), jnp.int32),
            pltpu.VMEM((EPW,), jnp.int32),
            pltpu.VMEM((TAIL, feat), jnp.float32),
            pltpu.VMEM((ZROWS, feat), jnp.float32),
        ] + [pltpu.VMEM((CHUNK, feat), jnp.float32)] * NBUF + [
            pltpu.VMEM_SHARED((NPAD, feat), jnp.float32),
        ] + [pltpu.SemaphoreType.DMA] * (NBUF + 2),
    )
    def k(g_hbm, ei_hbm, out_hbm, src_v, dst_v, tail_v, zbuf_v, *rest):
        bufs = rest[:NBUF]
        acc_sh = rest[NBUF]
        sems = rest[NBUF + 1:NBUF + 1 + NBUF]
        isem = rest[NBUF + 1 + NBUF]
        tsem = rest[NBUF + 2 + NBUF]
        c = lax.axis_index("c")
        s = lax.axis_index("s")
        w = c * NSUB + s
        pltpu.async_copy(ei_hbm.at[0].at[pl.ds(w * EPW, EPW)], src_v, isem)
        pltpu.async_copy(ei_hbm.at[1].at[pl.ds(w * EPW, EPW)], dst_v, isem)
        _fill(zbuf_v, 0.0, feat)
        _zero_acc(zbuf_v, acc_sh, s)
        pltpu.make_async_copy(ei_hbm.at[0].at[pl.ds(w * EPW, EPW)], src_v,
                              isem).wait()
        pltpu.make_async_copy(ei_hbm.at[1].at[pl.ds(w * EPW, EPW)], dst_v,
                              isem).wait()
        plsc.subcore_barrier()

        def gidx(j):
            return src_v.at[pl.ds(j * CHUNK, CHUNK)]

        def sidx(j):
            return dst_v.at[pl.ds(j * CHUNK, CHUNK)]

        for u in range(NBUF):
            pltpu.async_copy(g_hbm.at[gidx(u)], bufs[u], sems[u])
        pltpu.async_copy(g_hbm.at[src_v.at[pl.ds(CPW * CHUNK, TAIL)]], tail_v,
                         tsem)

        @pl.loop(0, CPW - NBUF, step=NBUF)
        def _(j):
            for u in range(NBUF):
                pltpu.make_async_copy(g_hbm.at[gidx(j + u)], bufs[u],
                                      sems[u]).wait()
                pltpu.sync_copy(bufs[u], acc_sh.at[sidx(j + u)], add=True)
                pltpu.async_copy(g_hbm.at[gidx(j + NBUF + u)], bufs[u],
                                 sems[u])

        for u in range(NBUF):
            j = CPW - NBUF + u
            pltpu.make_async_copy(g_hbm.at[gidx(j)], bufs[u], sems[u]).wait()
            pltpu.sync_copy(bufs[u], acc_sh.at[sidx(j)], add=True)

        pltpu.make_async_copy(g_hbm.at[src_v.at[pl.ds(CPW * CHUNK, TAIL)]],
                              tail_v, tsem).wait()
        pltpu.sync_copy(tail_v, acc_sh.at[dst_v.at[pl.ds(CPW * CHUNK, TAIL)]],
                        add=True)

        plsc.subcore_barrier()
        _copy_out(acc_sh, out_hbm, c, s)

    return k(g, ei)



def kernel(x, edge_index, W1, b1, gamma, beta, W2, b2):
    w2p = jnp.pad(W2, ((0, 0), (0, F2 - NCLS)))
    b2r = jnp.pad(b2, (0, F2 - NCLS)).reshape(1, F2)
    b1r = b1.reshape(1, HID)
    gammar = gamma.reshape(1, HID)
    betar = beta.reshape(1, HID)

    degp = _sc_degree(edge_index)
    g1, dinv = _mm_scale(x, W1, degp)
    acc1 = _sc_edge(g1, edge_index, HID)
    g2 = _mid(acc1, g1, dinv, b1r, gammar, betar, w2p)
    acc2 = _sc_edge(g2, edge_index, F2)
    return _final(acc2, g2, dinv, b2r)

# --- scband reference (transcript-rebuilt; emitter-appended) ---
"""Pipeline reference for scband-gcn-12721693131256 (READ-ONLY COPY).

The authoritative reference and input builder live on the scoring server;
editing this copy changes nothing except your own understanding.
"""

import jax, jax.numpy as jnp
import numpy as np

N = 10000
E = 320000
D_IN = 128
HID = 32
NCLS = 40
EPS = 1e-5


def setup_inputs(seed: int = 0) -> dict:
    key = jax.random.key(seed)
    ks = jax.random.split(key, 8)
    x = jax.random.normal(ks[0], (N, D_IN), dtype=jnp.float32)
    edge_index = jax.random.randint(ks[1], (2, E), 0, N, dtype=jnp.int32)
    W1 = jax.random.normal(ks[2], (D_IN, HID), dtype=jnp.float32) * (1.0 / np.sqrt(D_IN))
    b1 = jnp.zeros((HID,), dtype=jnp.float32)
    gamma = jnp.ones((HID,), dtype=jnp.float32)
    beta = jnp.zeros((HID,), dtype=jnp.float32)
    W2 = jax.random.normal(ks[3], (HID, NCLS), dtype=jnp.float32) * (1.0 / np.sqrt(HID))
    b2 = jnp.zeros((NCLS,), dtype=jnp.float32)
    return {"x": x, "edge_index": edge_index, "W1": W1, "b1": b1,
            "gamma": gamma, "beta": beta, "W2": W2, "b2": b2}


def gcn_conv(x, src, dst, W, b):
    # symmetric-normalized GCN conv with self-loops already folded into src/dst
    deg = jnp.zeros((N,), dtype=jnp.float32).at[dst].add(1.0)
    dinv = jnp.where(deg > 0, 1.0 / jnp.sqrt(deg), 0.0)
    norm = dinv[src] * dinv[dst]
    h = x @ W
    msg = h[src] * norm[:, None]
    out = jnp.zeros((N, W.shape[1]), dtype=jnp.float32).at[dst].add(msg)
    return out + b


def reference(x, edge_index, W1, b1, gamma, beta, W2, b2):
    loop = jnp.arange(N, dtype=edge_index.dtype)
    src = jnp.concatenate([edge_index[0], loop])
    dst = jnp.concatenate([edge_index[1], loop])
    h = gcn_conv(x, src, dst, W1, b1)
    # BatchNorm1d with batch statistics (training-style, no running stats provided)
    mu = jnp.mean(h, axis=0)
    var = jnp.var(h, axis=0)
    h = (h - mu) / jnp.sqrt(var + EPS) * gamma + beta
    h = jax.nn.relu(h)
    # dropout is identity in eval mode
    out = gcn_conv(h, src, dst, W2, b2)
    return out

if __name__ == "__main__":
    import jax
    _d = setup_inputs()
    print(jax.jit(kernel)(*tuple(_d.values())))

</pallas_src>

<mosaic_0001>
#map = affine_map<(d0, d1) -> (0, 0)>
#map1 = affine_map<(d0, d1) -> (0, 0, 0)>
module attributes {stable_mosaic.version = 14 : i64} {
  func.func @k(%arg0: i32, %arg1: i32, %arg2: memref<2x320000xi32, #tpu.memory_space<hbm>>, %arg3: memref<2x10000x16xf32, #tpu.memory_space<hbm>>, %arg4: memref<10000xi32, #tpu.memory_space<vmem>>, %arg5: memref<128x16xf32, #tpu.memory_space<vmem>>, %arg6: memref<128x16xf32, #tpu.memory_space<vmem>>, %arg7: memref<10240x16xf32, #tpu.memory_space<vmem_shared>>, %arg8: memref<!tpu.dma_semaphore, #tpu.memory_space<semaphore_mem>>) attributes {dimension_semantics = [#tpu.dimension_semantics<core_parallel>, #tpu.dimension_semantics<subcore_parallel>], iteration_bounds = array<i64: 2, 16>, scalar_prefetch = 0 : i64, scratch_operands = 5 : i64, tpu.core_type = #tpu.core_type<sc_vector_subcore>, window_params = [{transform_indices = #map}, {transform_indices = #map1}]} {
    %mul3A = arith.constant 16 : i32
    %mul3A_0 = arith.muli %arg0, %mul3A : i32
    %add3A = arith.addi %mul3A_0, %arg1 : i32
    %mul3A_1 = arith.constant 10000 : i32
    %mul3A_2 = arith.muli %add3A, %mul3A_1 : i32
    %dma_start3A = arith.constant 1 : i32
    %dma_start3A_3 = arith.constant 0 : i32
    %dma_start3A_4 = tpu.memref_slice %arg2[%dma_start3A, %dma_start3A_3] : memref<2x320000xi32, #tpu.memory_space<hbm>> -> memref<1x320000xi32, #tpu.memory_space<hbm>>
    %dma_start3A_5 = tpu.memref_squeeze %dma_start3A_4 : memref<1x320000xi32, #tpu.memory_space<hbm>> -> memref<320000xi32, #tpu.memory_space<hbm>>
    %dma_start3A_6 = tpu.memref_slice %dma_start3A_5[%mul3A_2] : memref<320000xi32, #tpu.memory_space<hbm>> -> memref<10000xi32, #tpu.memory_space<hbm>>
    %dma_start3A_7 = arith.constant 0 : i32
    %dma_start3A_8 = tpu.memref_slice %arg2[%dma_start3A, %dma_start3A_7] : memref<2x320000xi32, #tpu.memory_space<hbm>> -> memref<1x320000xi32, #tpu.memory_space<hbm>>
    %dma_start3A_9 = tpu.memref_squeeze %dma_start3A_8 : memref<1x320000xi32, #tpu.memory_space<hbm>> -> memref<320000xi32, #tpu.memory_space<hbm>>
    %dma_start3A_10 = tpu.memref_slice %dma_start3A_9[%mul3A_2] : memref<320000xi32, #tpu.memory_space<hbm>> -> memref<10000xi32, #tpu.memory_space<hbm>>
    tpu.enqueue_dma source(%dma_start3A_10 : memref<10000xi32, #tpu.memory_space<hbm>>) target(%arg4 : memref<10000xi32, #tpu.memory_space<vmem>>) target_semaphore(%arg8 : memref<!tpu.dma_semaphore, #tpu.memory_space<semaphore_mem>>)
    %scan3A = arith.constant 0 : i32
    %scan3A_11 = arith.constant 128 : i32
    %scan3A_12 = arith.addi %scan3A, %scan3A_11 : i32
    %scan3A_13 = arith.constant 1 : i32
    scf.for %scan3A_62 = %scan3A to %scan3A_12 step %scan3A_13  : i32 {
      %mul3A_63 = arith.constant 1 : i32
      %mul3A_64 = arith.muli %scan3A_62, %mul3A_63 : i32
      %add3A_65 = arith.constant 0 : i32
      %add3A_66 = arith.addi %add3A_65, %mul3A_64 : i32
      %broadcast_in_dim3A = arith.constant 1.000000e+00 : f32
      %broadcast_in_dim3A_67 = vector.broadcast %broadcast_in_dim3A : f32 to vector<16xf32>
      %swap3A = arith.index_cast %add3A_66 : i32 to index
      %swap3A_68 = arith.constant 0 : index
      %swap3A_69 = tpu.vector_load %arg5[%swap3A, %swap3A_68] {strides = array<i32>} : memref<128x16xf32, #tpu.memory_space<vmem>>, vector<1x16xf32>,
      %swap3A_70 = vector.shape_cast %swap3A_69 : vector<1x16xf32> to vector<16xf32>
      %swap3A_71 = vector.shape_cast %broadcast_in_dim3A_67 : vector<16xf32> to vector<1x16xf32>
      tpu.vector_store %arg5[%swap3A, %swap3A_68], %swap3A_71 {strides = array<i32>} : memref<128x16xf32, #tpu.memory_space<vmem>>, vector<1x16xf32>,
    }
    %scan3A_14 = arith.constant 128 : i32
    %scan3A_15 = arith.constant 0 : i32
    %scan3A_16 = arith.constant 128 : i32
    %scan3A_17 = arith.addi %scan3A_15, %scan3A_16 : i32
    %scan3A_18 = arith.constant 1 : i32
    scf.for %scan3A_62 = %scan3A_15 to %scan3A_17 step %scan3A_18  : i32 {
      %mul3A_63 = arith.constant 1 : i32
      %mul3A_64 = arith.muli %scan3A_62, %mul3A_63 : i32
      %add3A_65 = arith.constant 0 : i32
      %add3A_66 = arith.addi %add3A_65, %mul3A_64 : i32
      %broadcast_in_dim3A = arith.constant 0.000000e+00 : f32
      %broadcast_in_dim3A_67 = vector.broadcast %broadcast_in_dim3A : f32 to vector<16xf32>
      %swap3A = arith.index_cast %add3A_66 : i32 to index
      %swap3A_68 = arith.constant 0 : index
      %swap3A_69 = tpu.vector_load %arg6[%swap3A, %swap3A_68] {strides = array<i32>} : memref<128x16xf32, #tpu.memory_space<vmem>>, vector<1x16xf32>,
      %swap3A_70 = vector.shape_cast %swap3A_69 : vector<1x16xf32> to vector<16xf32>
      %swap3A_71 = vector.shape_cast %broadcast_in_dim3A_67 : vector<16xf32> to vector<1x16xf32>
      tpu.vector_store %arg6[%swap3A, %swap3A_68], %swap3A_71 {strides = array<i32>} : memref<128x16xf32, #tpu.memory_space<vmem>>, vector<1x16xf32>,
    }
    %scan3A_19 = arith.constant 128 : i32
    %mul3A_20 = arith.constant 640 : i32
    %mul3A_21 = arith.muli %arg1, %mul3A_20 : i32
    %add3A_22 = arith.constant 0 : i32
    %add3A_23 = arith.addi %mul3A_21, %add3A_22 : i32
    "tpu.region"() ({
      %run_scoped3A = tpu.sem_alloc : memref<!tpu.dma_semaphore, #tpu.memory_space<semaphore_mem>>
      %dma_start3A_62 = arith.constant 0 : i32
      %dma_start3A_63 = tpu.memref_slice %arg7[%add3A_23, %dma_start3A_62] : memref<10240x16xf32, #tpu.memory_space<vmem_shared>> -> memref<128x16xf32, #tpu.memory_space<vmem_shared>>
      %dma_start3A_64 = arith.constant 0 : i32
      %dma_start3A_65 = tpu.memref_slice %arg7[%add3A_23, %dma_start3A_64] : memref<10240x16xf32, #tpu.memory_space<vmem_shared>> -> memref<128x16xf32, #tpu.memory_space<vmem_shared>>
      tpu.enqueue_dma source(%arg6 : memref<128x16xf32, #tpu.memory_space<vmem>>) target(%dma_start3A_65 : memref<128x16xf32, #tpu.memory_space<vmem_shared>>) target_semaphore(%run_scoped3A : memref<!tpu.dma_semaphore, #tpu.memory_space<semaphore_mem>>)
      %dma_wait3A_66 = arith.constant 0 : i32
      %dma_wait3A_67 = tpu.memref_slice %arg7[%add3A_23, %dma_wait3A_66] : memref<10240x16xf32, #tpu.memory_space<vmem_shared>> -> memref<128x16xf32, #tpu.memory_space<vmem_shared>>
      %dma_wait3A_68 = arith.constant 0 : i32
      %dma_wait3A_69 = tpu.memref_slice %arg7[%add3A_23, %dma_wait3A_68] : memref<10240x16xf32, #tpu.memory_space<vmem_shared>> -> memref<128x16xf32, #tpu.memory_space<vmem_shared>>
      tpu.wait_dma2 semaphore(%run_scoped3A : memref<!tpu.dma_semaphore, #tpu.memory_space<semaphore_mem>>) src(%arg6 : memref<128x16xf32, #tpu.memory_space<vmem>>) dst(%dma_wait3A_69 : memref<128x16xf32, #tpu.memory_space<vmem_shared>>)
      tpu.yield
    }) : () -> ()
    %mul3A_24 = arith.constant 640 : i32
    %mul3A_25 = arith.muli %arg1, %mul3A_24 : i32
    %add3A_26 = arith.constant 128 : i32
    %add3A_27 = arith.addi %mul3A_25, %add3A_26 : i32
    "tpu.region"() ({
      %run_scoped3A = tpu.sem_alloc : memref<!tpu.dma_semaphore, #tpu.memory_space<semaphore_mem>>
      %dma_start3A_62 = arith.constant 0 : i32
      %dma_start3A_63 = tpu.memref_slice %arg7[%add3A_27, %dma_start3A_62] : memref<10240x16xf32, #tpu.memory_space<vmem_shared>> -> memref<128x16xf32, #tpu.memory_space<vmem_shared>>
      %dma_start3A_64 = arith.constant 0 : i32
      %dma_start3A_65 = tpu.memref_slice %arg7[%add3A_27, %dma_start3A_64] : memref<10240x16xf32, #tpu.memory_space<vmem_shared>> -> memref<128x16xf32, #tpu.memory_space<vmem_shared>>
      tpu.enqueue_dma source(%arg6 : memref<128x16xf32, #tpu.memory_space<vmem>>) target(%dma_start3A_65 : memref<128x16xf32, #tpu.memory_space<vmem_shared>>) target_semaphore(%run_scoped3A : memref<!tpu.dma_semaphore, #tpu.memory_space<semaphore_mem>>)
      %dma_wait3A_66 = arith.constant 0 : i32
      %dma_wait3A_67 = tpu.memref_slice %arg7[%add3A_27, %dma_wait3A_66] : memref<10240x16xf32, #tpu.memory_space<vmem_shared>> -> memref<128x16xf32, #tpu.memory_space<vmem_shared>>
      %dma_wait3A_68 = arith.constant 0 : i32
      %dma_wait3A_69 = tpu.memref_slice %arg7[%add3A_27, %dma_wait3A_68] : memref<10240x16xf32, #tpu.memory_space<vmem_shared>> -> memref<128x16xf32, #tpu.memory_space<vmem_shared>>
      tpu.wait_dma2 semaphore(%run_scoped3A : memref<!tpu.dma_semaphore, #tpu.memory_space<semaphore_mem>>) src(%arg6 : memref<128x16xf32, #tpu.memory_space<vmem>>) dst(%dma_wait3A_69 : memref<128x16xf32, #tpu.memory_space<vmem_shared>>)
      tpu.yield
    }) : () -> ()
    %mul3A_28 = arith.constant 640 : i32
    %mul3A_29 = arith.muli %arg1, %mul3A_28 : i32
    %add3A_30 = arith.constant 256 : i32
    %add3A_31 = arith.addi %mul3A_29, %add3A_30 : i32
    "tpu.region"() ({
      %run_scoped3A = tpu.sem_alloc : memref<!tpu.dma_semaphore, #tpu.memory_space<semaphore_mem>>
      %dma_start3A_62 = arith.constant 0 : i32
      %dma_start3A_63 = tpu.memref_slice %arg7[%add3A_31, %dma_start3A_62] : memref<10240x16xf32, #tpu.memory_space<vmem_shared>> -> memref<128x16xf32, #tpu.memory_space<vmem_shared>>
      %dma_start3A_64 = arith.constant 0 : i32
      %dma_start3A_65 = tpu.memref_slice %arg7[%add3A_31, %dma_start3A_64] : memref<10240x16xf32, #tpu.memory_space<vmem_shared>> -> memref<128x16xf32, #tpu.memory_space<vmem_shared>>
      tpu.enqueue_dma source(%arg6 : memref<128x16xf32, #tpu.memory_space<vmem>>) target(%dma_start3A_65 : memref<128x16xf32, #tpu.memory_space<vmem_shared>>) target_semaphore(%run_scoped3A : memref<!tpu.dma_semaphore, #tpu.memory_space<semaphore_mem>>)
      %dma_wait3A_66 = arith.constant 0 : i32
      %dma_wait3A_67 = tpu.memref_slice %arg7[%add3A_31, %dma_wait3A_66] : memref<10240x16xf32, #tpu.memory_space<vmem_shared>> -> memref<128x16xf32, #tpu.memory_space<vmem_shared>>
      %dma_wait3A_68 = arith.constant 0 : i32
      %dma_wait3A_69 = tpu.memref_slice %arg7[%add3A_31, %dma_wait3A_68] : memref<10240x16xf32, #tpu.memory_space<vmem_shared>> -> memref<128x16xf32, #tpu.memory_space<vmem_shared>>
      tpu.wait_dma2 semaphore(%run_scoped3A : memref<!tpu.dma_semaphore, #tpu.memory_space<semaphore_mem>>) src(%arg6 : memref<128x16xf32, #tpu.memory_space<vmem>>) dst(%dma_wait3A_69 : memref<128x16xf32, #tpu.memory_space<vmem_shared>>)
      tpu.yield
    }) : () -> ()
    %mul3A_32 = arith.constant 640 : i32
    %mul3A_33 = arith.muli %arg1, %mul3A_32 : i32
    %add3A_34 = arith.constant 384 : i32
    %add3A_35 = arith.addi %mul3A_33, %add3A_34 : i32
    "tpu.region"() ({
      %run_scoped3A = tpu.sem_alloc : memref<!tpu.dma_semaphore, #tpu.memory_space<semaphore_mem>>
      %dma_start3A_62 = arith.constant 0 : i32
      %dma_start3A_63 = tpu.memref_slice %arg7[%add3A_35, %dma_start3A_62] : memref<10240x16xf32, #tpu.memory_space<vmem_shared>> -> memref<128x16xf32, #tpu.memory_space<vmem_shared>>
      %dma_start3A_64 = arith.constant 0 : i32
      %dma_start3A_65 = tpu.memref_slice %arg7[%add3A_35, %dma_start3A_64] : memref<10240x16xf32, #tpu.memory_space<vmem_shared>> -> memref<128x16xf32, #tpu.memory_space<vmem_shared>>
      tpu.enqueue_dma source(%arg6 : memref<128x16xf32, #tpu.memory_space<vmem>>) target(%dma_start3A_65 : memref<128x16xf32, #tpu.memory_space<vmem_shared>>) target_semaphore(%run_scoped3A : memref<!tpu.dma_semaphore, #tpu.memory_space<semaphore_mem>>)
      %dma_wait3A_66 = arith.constant 0 : i32
      %dma_wait3A_67 = tpu.memref_slice %arg7[%add3A_35, %dma_wait3A_66] : memref<10240x16xf32, #tpu.memory_space<vmem_shared>> -> memref<128x16xf32, #tpu.memory_space<vmem_shared>>
      %dma_wait3A_68 = arith.constant 0 : i32
      %dma_wait3A_69 = tpu.memref_slice %arg7[%add3A_35, %dma_wait3A_68] : memref<10240x16xf32, #tpu.memory_space<vmem_shared>> -> memref<128x16xf32, #tpu.memory_space<vmem_shared>>
      tpu.wait_dma2 semaphore(%run_scoped3A : memref<!tpu.dma_semaphore, #tpu.memory_space<semaphore_mem>>) src(%arg6 : memref<128x16xf32, #tpu.memory_space<vmem>>) dst(%dma_wait3A_69 : memref<128x16xf32, #tpu.memory_space<vmem_shared>>)
      tpu.yield
    }) : () -> ()
    %mul3A_36 = arith.constant 640 : i32
    %mul3A_37 = arith.muli %arg1, %mul3A_36 : i32
    %add3A_38 = arith.constant 512 : i32
    %add3A_39 = arith.addi %mul3A_37, %add3A_38 : i32
    "tpu.region"() ({
      %run_scoped3A = tpu.sem_alloc : memref<!tpu.dma_semaphore, #tpu.memory_space<semaphore_mem>>
      %dma_start3A_62 = arith.constant 0 : i32
      %dma_start3A_63 = tpu.memref_slice %arg7[%add3A_39, %dma_start3A_62] : memref<10240x16xf32, #tpu.memory_space<vmem_shared>> -> memref<128x16xf32, #tpu.memory_space<vmem_shared>>
      %dma_start3A_64 = arith.constant 0 : i32
      %dma_start3A_65 = tpu.memref_slice %arg7[%add3A_39, %dma_start3A_64] : memref<10240x16xf32, #tpu.memory_space<vmem_shared>> -> memref<128x16xf32, #tpu.memory_space<vmem_shared>>
      tpu.enqueue_dma source(%arg6 : memref<128x16xf32, #tpu.memory_space<vmem>>) target(%dma_start3A_65 : memref<128x16xf32, #tpu.memory_space<vmem_shared>>) target_semaphore(%run_scoped3A : memref<!tpu.dma_semaphore, #tpu.memory_space<semaphore_mem>>)
      %dma_wait3A_66 = arith.constant 0 : i32
      %dma_wait3A_67 = tpu.memref_slice %arg7[%add3A_39, %dma_wait3A_66] : memref<10240x16xf32, #tpu.memory_space<vmem_shared>> -> memref<128x16xf32, #tpu.memory_space<vmem_shared>>
      %dma_wait3A_68 = arith.constant 0 : i32
      %dma_wait3A_69 = tpu.memref_slice %arg7[%add3A_39, %dma_wait3A_68] : memref<10240x16xf32, #tpu.memory_space<vmem_shared>> -> memref<128x16xf32, #tpu.memory_space<vmem_shared>>
      tpu.wait_dma2 semaphore(%run_scoped3A : memref<!tpu.dma_semaphore, #tpu.memory_space<semaphore_mem>>) src(%arg6 : memref<128x16xf32, #tpu.memory_space<vmem>>) dst(%dma_wait3A_69 : memref<128x16xf32, #tpu.memory_space<vmem_shared>>)
      tpu.yield
    }) : () -> ()
    %mul3A_40 = arith.constant 10000 : i32
    %mul3A_41 = arith.muli %add3A, %mul3A_40 : i32
    %dma_wait3A = arith.constant 1 : i32
    %dma_wait3A_42 = arith.constant 0 : i32
    %dma_wait3A_43 = tpu.memref_slice %arg2[%dma_wait3A, %dma_wait3A_42] : memref<2x320000xi32, #tpu.memory_space<hbm>> -> memref<1x320000xi32, #tpu.memory_space<hbm>>
    %dma_wait3A_44 = tpu.memref_squeeze %dma_wait3A_43 : memref<1x320000xi32, #tpu.memory_space<hbm>> -> memref<320000xi32, #tpu.memory_space<hbm>>
    %dma_wait3A_45 = tpu.memref_slice %dma_wait3A_44[%mul3A_41] : memref<320000xi32, #tpu.memory_space<hbm>> -> memref<10000xi32, #tpu.memory_space<hbm>>
    %dma_wait3A_46 = arith.constant 0 : i32
    %dma_wait3A_47 = tpu.memref_slice %arg2[%dma_wait3A, %dma_wait3A_46] : memref<2x320000xi32, #tpu.memory_space<hbm>> -> memref<1x320000xi32, #tpu.memory_space<hbm>>
    %dma_wait3A_48 = tpu.memref_squeeze %dma_wait3A_47 : memref<1x320000xi32, #tpu.memory_space<hbm>> -> memref<320000xi32, #tpu.memory_space<hbm>>
    %dma_wait3A_49 = tpu.memref_slice %dma_wait3A_48[%mul3A_41] : memref<320000xi32, #tpu.memory_space<hbm>> -> memref<10000xi32, #tpu.memory_space<hbm>>
    tpu.wait_dma2 semaphore(%arg8 : memref<!tpu.dma_semaphore, #tpu.memory_space<semaphore_mem>>) src(%dma_wait3A_49 : memref<10000xi32, #tpu.memory_space<hbm>>) dst(%arg4 : memref<10000xi32, #tpu.memory_space<vmem>>)
    %barrier3A = arith.constant 0 : index
    tpu.barrier barrier_id(%barrier3A)
    %scan3A_50 = arith.constant 0 : i32
    %scan3A_51 = arith.constant 13 : i32
    %scan3A_52 = arith.addi %scan3A_50, %scan3A_51 : i32
    %scan3A_53 = arith.constant 1 : i32
    scf.for %scan3A_62 = %scan3A_50 to %scan3A_52 step %scan3A_53  : i32 {
      %mul3A_63 = arith.constant 6 : i32
      %mul3A_64 = arith.muli %scan3A_62, %mul3A_63 : i32
      %add3A_65 = arith.constant 0 : i32
      %add3A_66 = arith.addi %add3A_65, %mul3A_64 : i32
      %add3A_67 = arith.constant 0 : i32
      %add3A_68 = arith.addi %add3A_66, %add3A_67 : i32
      %mul3A_69 = arith.constant 128 : i32
      %mul3A_70 = arith.muli %add3A_68, %mul3A_69 : i32
      %dma_start3A_71 = tpu.memref_slice %arg4[%mul3A_70] : memref<10000xi32, #tpu.memory_space<vmem>> -> memref<128xi32, #tpu.memory_space<vmem>>
      %dma_start3A_72 = arith.constant 0 : i32
      %dma_start3A_73 = arith.constant 0 : i32
      %dma_start3A_74 = tpu.memref_slice %arg7[%dma_start3A_72, %dma_start3A_73] : memref<10240x16xf32, #tpu.memory_space<vmem_shared>> -> memref<10240x16xf32, #tpu.memory_space<vmem_shared>>
      tpu.enqueue_indirect_dma source(%arg5 : memref<128x16xf32, #tpu.memory_space<vmem>>) target(%dma_start3A_74 : memref<10240x16xf32, #tpu.memory_space<vmem_shared>>) offsets(%dma_start3A_71 : memref<128xi32, #tpu.memory_space<vmem>>) semaphore(%arg8 : memref<!tpu.dma_semaphore, #tpu.memory_space<semaphore_mem>>) {add = true}
      %add3A_75 = arith.constant 1 : i32
      %add3A_76 = arith.addi %add3A_66, %add3A_75 : i32
      %mul3A_77 = arith.constant 128 : i32
      %mul3A_78 = arith.muli %add3A_76, %mul3A_77 : i32
      %dma_start3A_79 = tpu.memref_slice %arg4[%mul3A_78] : memref<10000xi32, #tpu.memory_space<vmem>> -> memref<128xi32, #tpu.memory_space<vmem>>
      %dma_start3A_80 = arith.constant 0 : i32
      %dma_start3A_81 = arith.constant 0 : i32
      %dma_start3A_82 = tpu.memref_slice %arg7[%dma_start3A_80, %dma_start3A_81] : memref<10240x16xf32, #tpu.memory_space<vmem_shared>> -> memref<10240x16xf32, #tpu.memory_space<vmem_shared>>
      tpu.enqueue_indirect_dma source(%arg5 : memref<128x16xf32, #tpu.memory_space<vmem>>) target(%dma_start3A_82 : memref<10240x16xf32, #tpu.memory_space<vmem_shared>>) offsets(%dma_start3A_79 : memref<128xi32, #tpu.memory_space<vmem>>) semaphore(%arg8 : memref<!tpu.dma_semaphore, #tpu.memory_space<semaphore_mem>>) {add = true}
      %add3A_83 = arith.constant 2 : i32
      %add3A_84 = arith.addi %add3A_66, %add3A_83 : i32
      %mul3A_85 = arith.constant 128 : i32
      %mul3A_86 = arith.muli %add3A_84, %mul3A_85 : i32
      %dma_start3A_87 = tpu.memref_slice %arg4[%mul3A_86] : memref<10000xi32, #tpu.memory_space<vmem>> -> memref<128xi32, #tpu.memory_space<vmem>>
      %dma_start3A_88 = arith.constant 0 : i32
      %dma_start3A_89 = arith.constant 0 : i32
      %dma_start3A_90 = tpu.memref_slice %arg7[%dma_start3A_88, %dma_start3A_89] : memref<10240x16xf32, #tpu.memory_space<vmem_shared>> -> memref<10240x16xf32, #tpu.memory_space<vmem_shared>>
      tpu.enqueue_indirect_dma source(%arg5 : memref<128x16xf32, #tpu.memory_space<vmem>>) target(%dma_start3A_90 : memref<10240x16xf32, #tpu.memory_space<vmem_shared>>) offsets(%dma_start3A_87 : memref<128xi32, #tpu.memory_space<vmem>>) semaphore(%arg8 : memref<!tpu.dma_semaphore, #tpu.memory_space<semaphore_mem>>) {add = true}
      %add3A_91 = arith.constant 3 : i32
      %add3A_92 = arith.addi %add3A_66, %add3A_91 : i32
      %mul3A_93 = arith.constant 128 : i32
      %mul3A_94 = arith.muli %add3A_92, %mul3A_93 : i32
      %dma_start3A_95 = tpu.memref_slice %arg4[%mul3A_94] : memref<10000xi32, #tpu.memory_space<vmem>> -> memref<128xi32, #tpu.memory_space<vmem>>
      %dma_start3A_96 = arith.constant 0 : i32
      %dma_start3A_97 = arith.constant 0 : i32
      %dma_start3A_98 = tpu.memref_slice %arg7[%dma_start3A_96, %dma_start3A_97] : memref<10240x16xf32, #tpu.memory_space<vmem_shared>> -> memref<10240x16xf32, #tpu.memory_space<vmem_shared>>
      tpu.enqueue_indirect_dma source(%arg5 : memref<128x16xf32, #tpu.memory_space<vmem>>) target(%dma_start3A_98 : memref<10240x16xf32, #tpu.memory_space<vmem_shared>>) offsets(%dma_start3A_95 : memref<128xi32, #tpu.memory_space<vmem>>) semaphore(%arg8 : memref<!tpu.dma_semaphore, #tpu.memory_space<semaphore_mem>>) {add = true}
      %add3A_99 = arith.constant 4 : i32
      %add3A_100 = arith.addi %add3A_66, %add3A_99 : i32
      %mul3A_101 = arith.constant 128 : i32
      %mul3A_102 = arith.muli %add3A_100, %mul3A_101 : i32
      %dma_start3A_103 = tpu.memref_slice %arg4[%mul3A_102] : memref<10000xi32, #tpu.memory_space<vmem>> -> memref<128xi32, #tpu.memory_space<vmem>>
      %dma_start3A_104 = arith.constant 0 : i32
      %dma_start3A_105 = arith.constant 0 : i32
      %dma_start3A_106 = tpu.memref_slice %arg7[%dma_start3A_104, %dma_start3A_105] : memref<10240x16xf32, #tpu.memory_space<vmem_shared>> -> memref<10240x16xf32, #tpu.memory_space<vmem_shared>>
      tpu.enqueue_indirect_dma source(%arg5 : memref<128x16xf32, #tpu.memory_space<vmem>>) target(%dma_start3A_106 : memref<10240x16xf32, #tpu.memory_space<vmem_shared>>) offsets(%dma_start3A_103 : memref<128xi32, #tpu.memory_space<vmem>>) semaphore(%arg8 : memref<!tpu.dma_semaphore, #tpu.memory_space<semaphore_mem>>) {add = true}
      %add3A_107 = arith.constant 5 : i32
      %add3A_108 = arith.addi %add3A_66, %add3A_107 : i32
      %mul3A_109 = arith.constant 128 : i32
      %mul3A_110 = arith.muli %add3A_108, %mul3A_109 : i32
      %dma_start3A_111 = tpu.memref_slice %arg4[%mul3A_110] : memref<10000xi32, #tpu.memory_space<vmem>> -> memref<128xi32, #tpu.memory_space<vmem>>
      %dma_start3A_112 = arith.constant 0 : i32
      %dma_start3A_113 = arith.constant 0 : i32
      %dma_start3A_114 = tpu.memref_slice %arg7[%dma_start3A_112, %dma_start3A_113] : memref<10240x16xf32, #tpu.memory_space<vmem_shared>> -> memref<10240x16xf32, #tpu.memory_space<vmem_shared>>
      tpu.enqueue_indirect_dma source(%arg5 : memref<128x16xf32, #tpu.memory_space<vmem>>) target(%dma_start3A_114 : memref<10240x16xf32, #tpu.memory_space<vmem_shared>>) offsets(%dma_start3A_111 : memref<128xi32, #tpu.memory_space<vmem>>) semaphore(%arg8 : memref<!tpu.dma_semaphore, #tpu.memory_space<semaphore_mem>>) {add = true}
      %mul3A_115 = arith.constant 128 : i32
      %mul3A_116 = arith.muli %add3A_66, %mul3A_115 : i32
      %dma_wait3A_117 = tpu.memref_slice %arg4[%mul3A_116] : memref<10000xi32, #tpu.memory_space<vmem>> -> memref<128xi32, #tpu.memory_space<vmem>>
      %dma_wait3A_118 = arith.constant 0 : i32
      %dma_wait3A_119 = arith.constant 0 : i32
      %dma_wait3A_120 = tpu.memref_slice %arg7[%dma_wait3A_118, %dma_wait3A_119] : memref<10240x16xf32, #tpu.memory_space<vmem_shared>> -> memref<10240x16xf32, #tpu.memory_space<vmem_shared>>
      tpu.wait_indirect_dma semaphore(%arg8 : memref<!tpu.dma_semaphore, #tpu.memory_space<semaphore_mem>>) src(%arg5 : memref<128x16xf32, #tpu.memory_space<vmem>>) dst(%dma_wait3A_120 : memref<10240x16xf32, #tpu.memory_space<vmem_shared>>)
      %mul3A_121 = arith.constant 128 : i32
      %mul3A_122 = arith.muli %add3A_66, %mul3A_121 : i32
      %dma_wait3A_123 = tpu.memref_slice %arg4[%mul3A_122] : memref<10000xi32, #tpu.memory_space<vmem>> -> memref<128xi32, #tpu.memory_space<vmem>>
      %dma_wait3A_124 = arith.constant 0 : i32
      %dma_wait3A_125 = arith.constant 0 : i32
      %dma_wait3A_126 = tpu.memref_slice %arg7[%dma_wait3A_124, %dma_wait3A_125] : memref<10240x16xf32, #tpu.memory_space<vmem_shared>> -> memref<10240x16xf32, #tpu.memory_space<vmem_shared>>
      tpu.wait_indirect_dma semaphore(%arg8 : memref<!tpu.dma_semaphore, #tpu.memory_space<semaphore_mem>>) src(%arg5 : memref<128x16xf32, #tpu.memory_space<vmem>>) dst(%dma_wait3A_126 : memref<10240x16xf32, #tpu.memory_space<vmem_shared>>)
      %mul3A_127 = arith.constant 128 : i32
      %mul3A_128 = arith.muli %add3A_66, %mul3A_127 : i32
      %dma_wait3A_129 = tpu.memref_slice %arg4[%mul3A_128] : memref<10000xi32, #tpu.memory_space<vmem>> -> memref<128xi32, #tpu.memory_space<vmem>>
      %dma_wait3A_130 = arith.constant 0 : i32
      %dma_wait3A_131 = arith.constant 0 : i32
      %dma_wait3A_132 = tpu.memref_slice %arg7[%dma_wait3A_130, %dma_wait3A_131] : memref<10240x16xf32, #tpu.memory_space<vmem_shared>> -> memref<10240x16xf32, #tpu.memory_space<vmem_shared>>
      tpu.wait_indirect_dma semaphore(%arg8 : memref<!tpu.dma_semaphore, #tpu.memory_space<semaphore_mem>>) src(%arg5 : memref<128x16xf32, #tpu.memory_space<vmem>>) dst(%dma_wait3A_132 : memref<10240x16xf32, #tpu.memory_space<vmem_shared>>)
      %mul3A_133 = arith.constant 128 : i32
      %mul3A_134 = arith.muli %add3A_66, %mul3A_133 : i32
      %dma_wait3A_135 = tpu.memref_slice %arg4[%mul3A_134] : memref<10000xi32, #tpu.memory_space<vmem>> -> memref<128xi32, #tpu.memory_space<vmem>>
      %dma_wait3A_136 = arith.constant 0 : i32
      %dma_wait3A_137 = arith.constant 0 : i32
      %dma_wait3A_138 = tpu.memref_slice %arg7[%dma_wait3A_136, %dma_wait3A_137] : memref<10240x16xf32, #tpu.memory_space<vmem_shared>> -> memref<10240x16xf32, #tpu.memory_space<vmem_shared>>
      tpu.wait_indirect_dma semaphore(%arg8 : memref<!tpu.dma_semaphore, #tpu.memory_space<semaphore_mem>>) src(%arg5 : memref<128x16xf32, #tpu.memory_space<vmem>>) dst(%dma_wait3A_138 : memref<10240x16xf32, #tpu.memory_space<vmem_shared>>)
      %mul3A_139 = arith.constant 128 : i32
      %mul3A_140 = arith.muli %add3A_66, %mul3A_139 : i32
      %dma_wait3A_141 = tpu.memref_slice %arg4[%mul3A_140] : memref<10000xi32, #tpu.memory_space<vmem>> -> memref<128xi32, #tpu.memory_space<vmem>>
      %dma_wait3A_142 = arith.constant 0 : i32
      %dma_wait3A_143 = arith.constant 0 : i32
      %dma_wait3A_144 = tpu.memref_slice %arg7[%dma_wait3A_142, %dma_wait3A_143] : memref<10240x16xf32, #tpu.memory_space<vmem_shared>> -> memref<10240x16xf32, #tpu.memory_space<vmem_shared>>
      tpu.wait_indirect_dma semaphore(%arg8 : memref<!tpu.dma_semaphore, #tpu.memory_space<semaphore_mem>>) src(%arg5 : memref<128x16xf32, #tpu.memory_space<vmem>>) dst(%dma_wait3A_144 : memref<10240x16xf32, #tpu.memory_space<vmem_shared>>)
      %mul3A_145 = arith.constant 128 : i32
      %mul3A_146 = arith.muli %add3A_66, %mul3A_145 : i32
      %dma_wait3A_147 = tpu.memref_slice %arg4[%mul3A_146] : memref<10000xi32, #tpu.memory_space<vmem>> -> memref<128xi32, #tpu.memory_space<vmem>>
      %dma_wait3A_148 = arith.constant 0 : i32
      %dma_wait3A_149 = arith.constant 0 : i32
      %dma_wait3A_150 = tpu.memref_slice %arg7[%dma_wait3A_148, %dma_wait3A_149] : memref<10240x16xf32, #tpu.memory_space<vmem_shared>> -> memref<10240x16xf32, #tpu.memory_space<vmem_shared>>
      tpu.wait_indirect_dma semaphore(%arg8 : memref<!tpu.dma_semaphore, #tpu.memory_space<semaphore_mem>>) src(%arg5 : memref<128x16xf32, #tpu.memory_space<vmem>>) dst(%dma_wait3A_150 : memref<10240x16xf32, #tpu.memory_space<vmem_shared>>)
    }
    %scan3A_54 = arith.constant 13 : i32
    "tpu.region"() ({
      %run_scoped3A = tpu.sem_alloc : memref<!tpu.dma_semaphore, #tpu.memory_space<semaphore_mem>>
      %dma_start3A_62 = arith.constant 0 : i32
      %dma_start3A_63 = arith.constant 0 : i32
      %dma_start3A_64 = tpu.memref_slice %arg5[%dma_start3A_62, %dma_start3A_63] : memref<128x16xf32, #tpu.memory_space<vmem>> -> memref<16x16xf32, #tpu.memory_space<vmem>>
      %dma_start3A_65 = arith.constant 9984 : i32
      %dma_start3A_66 = tpu.memref_slice %arg4[%dma_start3A_65] : memref<10000xi32, #tpu.memory_space<vmem>> -> memref<16xi32, #tpu.memory_space<vmem>>
      %dma_start3A_67 = arith.constant 0 : i32
      %dma_start3A_68 = arith.constant 0 : i32
      %dma_start3A_69 = tpu.memref_slice %arg7[%dma_start3A_67, %dma_start3A_68] : memref<10240x16xf32, #tpu.memory_space<vmem_shared>> -> memref<10240x16xf32, #tpu.memory_space<vmem_shared>>
      tpu.enqueue_indirect_dma source(%dma_start3A_64 : memref<16x16xf32, #tpu.memory_space<vmem>>) target(%dma_start3A_69 : memref<10240x16xf32, #tpu.memory_space<vmem_shared>>) offsets(%dma_start3A_66 : memref<16xi32, #tpu.memory_space<vmem>>) semaphore(%run_scoped3A : memref<!tpu.dma_semaphore, #tpu.memory_space<semaphore_mem>>) {add = true}
      %dma_wait3A_70 = arith.constant 0 : i32
      %dma_wait3A_71 = arith.constant 0 : i32
      %dma_wait3A_72 = tpu.memref_slice %arg5[%dma_wait3A_70, %dma_wait3A_71] : memref<128x16xf32, #tpu.memory_space<vmem>> -> memref<16x16xf32, #tpu.memory_space<vmem>>
      %dma_wait3A_73 = arith.constant 9984 : i32
      %dma_wait3A_74 = tpu.memref_slice %arg4[%dma_wait3A_73] : memref<10000xi32, #tpu.memory_space<vmem>> -> memref<16xi32, #tpu.memory_space<vmem>>
      %dma_wait3A_75 = arith.constant 0 : i32
      %dma_wait3A_76 = arith.constant 0 : i32
      %dma_wait3A_77 = tpu.memref_slice %arg7[%dma_wait3A_75, %dma_wait3A_76] : memref<10240x16xf32, #tpu.memory_space<vmem_shared>> -> memref<10240x16xf32, #tpu.memory_space<vmem_shared>>
      tpu.wait_indirect_dma semaphore(%run_scoped3A : memref<!tpu.dma_semaphore, #tpu.memory_space<semaphore_mem>>) src(%dma_wait3A_72 : memref<16x16xf32, #tpu.memory_space<vmem>>) dst(%dma_wait3A_77 : memref<10240x16xf32, #tpu.memory_space<vmem_shared>>)
      tpu.yield
    }) : () -> ()
    %barrier3A_55 = arith.constant 0 : index
    tpu.barrier barrier_id(%barrier3A_55)
    %lt3A = arith.constant 15 : i32
    %lt3A_56 = arith.cmpi slt, %arg1, %lt3A : i32
    %convert_element_type3A = arith.extui %lt3A_56 : i1 to i32
    %cond3A = arith.constant 0 : i32
    %cond3A_57 = arith.cmpi ne, %convert_element_type3A, %cond3A : i32
    scf.if %cond3A_57 {
      %mul3A_62 = arith.constant 640 : i32
      %mul3A_63 = arith.muli %arg1, %mul3A_62 : i32
      %mul3A_64 = arith.constant 640 : i32
      %mul3A_65 = arith.muli %arg1, %mul3A_64 : i32
      "tpu.region"() ({
        %run_scoped3A = tpu.sem_alloc : memref<!tpu.dma_semaphore, #tpu.memory_space<semaphore_mem>>
        %dma_start3A_66 = arith.constant 0 : i32
        %dma_start3A_67 = arith.constant 0 : i32
        %dma_start3A_68 = tpu.memref_slice %arg3[%arg0, %dma_start3A_66, %dma_start3A_67] : memref<2x10000x16xf32, #tpu.memory_space<hbm>> -> memref<1x10000x16xf32, #tpu.memory_space<hbm>>
        %dma_start3A_69 = tpu.memref_squeeze %dma_start3A_68 : memref<1x10000x16xf32, #tpu.memory_space<hbm>> -> memref<10000x16xf32, #tpu.memory_space<hbm>>
        %dma_start3A_70 = arith.constant 0 : i32
        %dma_start3A_71 = tpu.memref_slice %dma_start3A_69[%mul3A_65, %dma_start3A_70] : memref<10000x16xf32, #tpu.memory_space<hbm>> -> memref<640x16xf32, #tpu.memory_space<hbm>>
        %dma_start3A_72 = arith.constant 0 : i32
        %dma_start3A_73 = tpu.memref_slice %arg7[%mul3A_63, %dma_start3A_72] : memref<10240x16xf32, #tpu.memory_space<vmem_shared>> -> memref<640x16xf32, #tpu.memory_space<vmem_shared>>
        tpu.enqueue_dma source(%dma_start3A_73 : memref<640x16xf32, #tpu.memory_space<vmem_shared>>) target(%dma_start3A_71 : memref<640x16xf32, #tpu.memory_space<hbm>>) target_semaphore(%run_scoped3A : memref<!tpu.dma_semaphore, #tpu.memory_space<semaphore_mem>>)
        %dma_wait3A_74 = arith.constant 0 : i32
        %dma_wait3A_75 = arith.constant 0 : i32
        %dma_wait3A_76 = tpu.memref_slice %arg3[%arg0, %dma_wait3A_74, %dma_wait3A_75] : memref<2x10000x16xf32, #tpu.memory_space<hbm>> -> memref<1x10000x16xf32, #tpu.memory_space<hbm>>
        %dma_wait3A_77 = tpu.memref_squeeze %dma_wait3A_76 : memref<1x10000x16xf32, #tpu.memory_space<hbm>> -> memref<10000x16xf32, #tpu.memory_space<hbm>>
        %dma_wait3A_78 = arith.constant 0 : i32
        %dma_wait3A_79 = tpu.memref_slice %dma_wait3A_77[%mul3A_65, %dma_wait3A_78] : memref<10000x16xf32, #tpu.memory_space<hbm>> -> memref<640x16xf32, #tpu.memory_space<hbm>>
        %dma_wait3A_80 = arith.constant 0 : i32
        %dma_wait3A_81 = tpu.memref_slice %arg7[%mul3A_63, %dma_wait3A_80] : memref<10240x16xf32, #tpu.memory_space<vmem_shared>> -> memref<640x16xf32, #tpu.memory_space<vmem_shared>>
        tpu.wait_dma2 semaphore(%run_scoped3A : memref<!tpu.dma_semaphore, #tpu.memory_space<semaphore_mem>>) src(%dma_wait3A_81 : memref<640x16xf32, #tpu.memory_space<vmem_shared>>) dst(%dma_wait3A_79 : memref<640x16xf32, #tpu.memory_space<hbm>>)
        tpu.yield
      }) : () -> ()
    } else {
    }
    %eq3A = arith.constant 15 : i32
    %eq3A_58 = arith.cmpi eq, %arg1, %eq3A : i32
    %convert_element_type3A_59 = arith.extui %eq3A_58 : i1 to i32
    %cond3A_60 = arith.constant 0 : i32
    %cond3A_61 = arith.cmpi ne, %convert_element_type3A_59, %cond3A_60 : i32
    scf.if %cond3A_61 {
      "tpu.region"() ({
        %run_scoped3A = tpu.sem_alloc : memref<!tpu.dma_semaphore, #tpu.memory_space<semaphore_mem>>
        %dma_start3A_62 = arith.constant 0 : i32
        %dma_start3A_63 = arith.constant 0 : i32
        %dma_start3A_64 = tpu.memref_slice %arg3[%arg0, %dma_start3A_62, %dma_start3A_63] : memref<2x10000x16xf32, #tpu.memory_space<hbm>> -> memref<1x10000x16xf32, #tpu.memory_space<hbm>>
        %dma_start3A_65 = tpu.memref_squeeze %dma_start3A_64 : memref<1x10000x16xf32, #tpu.memory_space<hbm>> -> memref<10000x16xf32, #tpu.memory_space<hbm>>
        %dma_start3A_66 = arith.constant 9600 : i32
        %dma_start3A_67 = arith.constant 0 : i32
        %dma_start3A_68 = tpu.memref_slice %dma_start3A_65[%dma_start3A_66, %dma_start3A_67] : memref<10000x16xf32, #tpu.memory_space<hbm>> -> memref<400x16xf32, #tpu.memory_space<hbm>>
        %dma_start3A_69 = arith.constant 9600 : i32
        %dma_start3A_70 = arith.constant 0 : i32
        %dma_start3A_71 = tpu.memref_slice %arg7[%dma_start3A_69, %dma_start3A_70] : memref<10240x16xf32, #tpu.memory_space<vmem_shared>> -> memref<400x16xf32, #tpu.memory_space<vmem_shared>>
        tpu.enqueue_dma source(%dma_start3A_71 : memref<400x16xf32, #tpu.memory_space<vmem_shared>>) target(%dma_start3A_68 : memref<400x16xf32, #tpu.memory_space<hbm>>) target_semaphore(%run_scoped3A : memref<!tpu.dma_semaphore, #tpu.memory_space<semaphore_mem>>)
        %dma_wait3A_72 = arith.constant 0 : i32
        %dma_wait3A_73 = arith.constant 0 : i32
        %dma_wait3A_74 = tpu.memref_slice %arg3[%arg0, %dma_wait3A_72, %dma_wait3A_73] : memref<2x10000x16xf32, #tpu.memory_space<hbm>> -> memref<1x10000x16xf32, #tpu.memory_space<hbm>>
        %dma_wait3A_75 = tpu.memref_squeeze %dma_wait3A_74 : memref<1x10000x16xf32, #tpu.memory_space<hbm>> -> memref<10000x16xf32, #tpu.memory_space<hbm>>
        %dma_wait3A_76 = arith.constant 9600 : i32
        %dma_wait3A_77 = arith.constant 0 : i32
        %dma_wait3A_78 = tpu.memref_slice %dma_wait3A_75[%dma_wait3A_76, %dma_wait3A_77] : memref<10000x16xf32, #tpu.memory_space<hbm>> -> memref<400x16xf32, #tpu.memory_space<hbm>>
        %dma_wait3A_79 = arith.constant 9600 : i32
        %dma_wait3A_80 = arith.constant 0 : i32
        %dma_wait3A_81 = tpu.memref_slice %arg7[%dma_wait3A_79, %dma_wait3A_80] : memref<10240x16xf32, #tpu.memory_space<vmem_shared>> -> memref<400x16xf32, #tpu.memory_space<vmem_shared>>
        tpu.wait_dma2 semaphore(%run_scoped3A : memref<!tpu.dma_semaphore, #tpu.memory_space<semaphore_mem>>) src(%dma_wait3A_81 : memref<400x16xf32, #tpu.memory_space<vmem_shared>>) dst(%dma_wait3A_78 : memref<400x16xf32, #tpu.memory_space<hbm>>)
        tpu.yield
      }) : () -> ()
    } else {
    }
    return
  }
}

#map = affine_map<(d0, d1) -> (0, 0)>
#map1 = affine_map<(d0, d1) -> (0, 0, 0)>
module attributes {stable_mosaic.version = 14 : i64} {
  func.func @k(%arg0: i32, %arg1: i32, %arg2: memref<10000x32xf32, #tpu.memory_space<hbm>>, %arg3: memref<2x320000xi32, #tpu.memory_space<hbm>>, %arg4: memref<2x10000x32xf32, #tpu.memory_space<hbm>>, %arg5: memref<10000xi32, #tpu.memory_space<vmem>>, %arg6: memref<10000xi32, #tpu.memory_space<vmem>>, %arg7: memref<16x32xf32, #tpu.memory_space<vmem>>, %arg8: memref<128x32xf32, #tpu.memory_space<vmem>>, %arg9: memref<128x32xf32, #tpu.memory_space<vmem>>, %arg10: memref<128x32xf32, #tpu.memory_space<vmem>>, %arg11: memref<128x32xf32, #tpu.memory_space<vmem>>, %arg12: memref<128x32xf32, #tpu.memory_space<vmem>>, %arg13: memref<128x32xf32, #tpu.memory_space<vmem>>, %arg14: memref<128x32xf32, #tpu.memory_space<vmem>>, %arg15: memref<10240x32xf32, #tpu.memory_space<vmem_shared>>, %arg16: memref<!tpu.dma_semaphore, #tpu.memory_space<semaphore_mem>>, %arg17: memref<!tpu.dma_semaphore, #tpu.memory_space<semaphore_mem>>, %arg18: memref<!tpu.dma_semaphore, #tpu.memory_space<semaphore_mem>>, %arg19: memref<!tpu.dma_semaphore, #tpu.memory_space<semaphore_mem>>, %arg20: memref<!tpu.dma_semaphore, #tpu.memory_space<semaphore_mem>>, %arg21: memref<!tpu.dma_semaphore, #tpu.memory_space<semaphore_mem>>, %arg22: memref<!tpu.dma_semaphore, #tpu.memory_space<semaphore_mem>>, %arg23: memref<!tpu.dma_semaphore, #tpu.memory_space<semaphore_mem>>) attributes {dimension_semantics = [#tpu.dimension_semantics<core_parallel>, #tpu.dimension_semantics<subcore_parallel>], iteration_bounds = array<i64: 2, 16>, scalar_prefetch = 0 : i64, scratch_operands = 19 : i64, tpu.core_type = #tpu.core_type<sc_vector_subcore>, window_params = [{transform_indices = #map}, {transform_indices = #map}, {transform_indices = #map1}]} {
    %mul3A = arith.constant 16 : i32
    %mul3A_0 = arith.muli %arg0, %mul3A : i32
    %add3A = arith.addi %mul3A_0, %arg1 : i32
    %mul3A_1 = arith.constant 10000 : i32
    %mul3A_2 = arith.muli %add3A, %mul3A_1 : i32
    %dma_start3A = arith.constant 0 : i32
    %dma_start3A_3 = arith.constant 0 : i32
    %dma_start3A_4 = tpu.memref_slice %arg3[%dma_start3A, %dma_start3A_3] : memref<2x320000xi32, #tpu.memory_space<hbm>> -> memref<1x320000xi32, #tpu.memory_space<hbm>>
    %dma_start3A_5 = tpu.memref_squeeze %dma_start3A_4 : memref<1x320000xi32, #tpu.memory_space<hbm>> -> memref<320000xi32, #tpu.memory_space<hbm>>
    %dma_start3A_6 = tpu.memref_slice %dma_start3A_5[%mul3A_2] : memref<320000xi32, #tpu.memory_space<hbm>> -> memref<10000xi32, #tpu.memory_space<hbm>>
    %dma_start3A_7 = arith.constant 0 : i32
    %dma_start3A_8 = tpu.memref_slice %arg3[%dma_start3A, %dma_start3A_7] : memref<2x320000xi32, #tpu.memory_space<hbm>> -> memref<1x320000xi32, #tpu.memory_space<hbm>>
    %dma_start3A_9 = tpu.memref_squeeze %dma_start3A_8 : memref<1x320000xi32, #tpu.memory_space<hbm>> -> memref<320000xi32, #tpu.memory_space<hbm>>
    %dma_start3A_10 = tpu.memref_slice %dma_start3A_9[%mul3A_2] : memref<320000xi32, #tpu.memory_space<hbm>> -> memref<10000xi32, #tpu.memory_space<hbm>>
    tpu.enqueue_dma source(%dma_start3A_10 : memref<10000xi32, #tpu.memory_space<hbm>>) target(%arg5 : memref<10000xi32, #tpu.memory_space<vmem>>) target_semaphore(%arg22 : memref<!tpu.dma_semaphore, #tpu.memory_space<semaphore_mem>>)
    %mul3A_11 = arith.constant 10000 : i32
    %mul3A_12 = arith.muli %add3A, %mul3A_11 : i32
    %dma_start3A_13 = arith.constant 1 : i32
    %dma_start3A_14 = arith.constant 0 : i32
    %dma_start3A_15 = tpu.memref_slice %arg3[%dma_start3A_13, %dma_start3A_14] : memref<2x320000xi32, #tpu.memory_space<hbm>> -> memref<1x320000xi32, #tpu.memory_space<hbm>>
    %dma_start3A_16 = tpu.memref_squeeze %dma_start3A_15 : memref<1x320000xi32, #tpu.memory_space<hbm>> -> memref<320000xi32, #tpu.memory_space<hbm>>
    %dma_start3A_17 = tpu.memref_slice %dma_start3A_16[%mul3A_12] : memref<320000xi32, #tpu.memory_space<hbm>> -> memref<10000xi32, #tpu.memory_space<hbm>>
    %dma_start3A_18 = arith.constant 0 : i32
    %dma_start3A_19 = tpu.memref_slice %arg3[%dma_start3A_13, %dma_start3A_18] : memref<2x320000xi32, #tpu.memory_space<hbm>> -> memref<1x320000xi32, #tpu.memory_space<hbm>>
    %dma_start3A_20 = tpu.memref_squeeze %dma_start3A_19 : memref<1x320000xi32, #tpu.memory_space<hbm>> -> memref<320000xi32, #tpu.memory_space<hbm>>
    %dma_start3A_21 = tpu.memref_slice %dma_start3A_20[%mul3A_12] : memref<320000xi32, #tpu.memory_space<hbm>> -> memref<10000xi32, #tpu.memory_space<hbm>>
    tpu.enqueue_dma source(%dma_start3A_21 : memref<10000xi32, #tpu.memory_space<hbm>>) target(%arg6 : memref<10000xi32, #tpu.memory_space<vmem>>) target_semaphore(%arg22 : memref<!tpu.dma_semaphore, #tpu.memory_space<semaphore_mem>>)
    %scan3A = arith.constant 0 : i32
    %scan3A_22 = arith.constant 128 : i32
    %scan3A_23 = arith.addi %scan3A, %scan3A_22 : i32
    %scan3A_24 = arith.constant 1 : i32
    scf.for %scan3A_149 = %scan3A to %scan3A_23 step %scan3A_24  : i32 {
      %mul3A_150 = arith.constant 1 : i32
      %mul3A_151 = arith.muli %scan3A_149, %mul3A_150 : i32
      %add3A_152 = arith.constant 0 : i32
      %add3A_153 = arith.addi %add3A_152, %mul3A_151 : i32
      %broadcast_in_dim3A = arith.constant 0.000000e+00 : f32
      %broadcast_in_dim3A_154 = vector.broadcast %broadcast_in_dim3A : f32 to vector<16xf32>
      %swap3A = arith.index_cast %add3A_153 : i32 to index
      %swap3A_155 = arith.constant 0 : index
      %swap3A_156 = tpu.vector_load %arg8[%swap3A, %swap3A_155] {strides = array<i32>} : memref<128x32xf32, #tpu.memory_space<vmem>>, vector<1x16xf32>,
      %swap3A_157 = vector.shape_cast %swap3A_156 : vector<1x16xf32> to vector<16xf32>
      %swap3A_158 = vector.shape_cast %broadcast_in_dim3A_154 : vector<16xf32> to vector<1x16xf32>
      tpu.vector_store %arg8[%swap3A, %swap3A_155], %swap3A_158 {strides = array<i32>} : memref<128x32xf32, #tpu.memory_space<vmem>>, vector<1x16xf32>,
      %broadcast_in_dim3A_159 = arith.constant 0.000000e+00 : f32
      %broadcast_in_dim3A_160 = vector.broadcast %broadcast_in_dim3A_159 : f32 to vector<16xf32>
      %swap3A_161 = arith.index_cast %add3A_153 : i32 to index
      %swap3A_162 = arith.constant 16 : index
      %swap3A_163 = tpu.vector_load %arg8[%swap3A_161, %swap3A_162] {strides = array<i32>} : memref<128x32xf32, #tpu.memory_space<vmem>>, vector<1x16xf32>,
      %swap3A_164 = vector.shape_cast %swap3A_163 : vector<1x16xf32> to vector<16xf32>
      %swap3A_165 = vector.shape_cast %broadcast_in_dim3A_160 : vector<16xf32> to vector<1x16xf32>
      tpu.vector_store %arg8[%swap3A_161, %swap3A_162], %swap3A_165 {strides = array<i32>} : memref<128x32xf32, #tpu.memory_space<vmem>>, vector<1x16xf32>,
    }
    %scan3A_25 = arith.constant 128 : i32
    %mul3A_26 = arith.constant 640 : i32
    %mul3A_27 = arith.muli %arg1, %mul3A_26 : i32
    %add3A_28 = arith.constant 0 : i32
    %add3A_29 = arith.addi %mul3A_27, %add3A_28 : i32
    "tpu.region"() ({
      %run_scoped3A = tpu.sem_alloc : memref<!tpu.dma_semaphore, #tpu.memory_space<semaphore_mem>>
      %dma_start3A_149 = arith.constant 0 : i32
      %dma_start3A_150 = tpu.memref_slice %arg15[%add3A_29, %dma_start3A_149] : memref<10240x32xf32, #tpu.memory_space<vmem_shared>> -> memref<128x32xf32, #tpu.memory_space<vmem_shared>>
      %dma_start3A_151 = arith.constant 0 : i32
      %dma_start3A_152 = tpu.memref_slice %arg15[%add3A_29, %dma_start3A_151] : memref<10240x32xf32, #tpu.memory_space<vmem_shared>> -> memref<128x32xf32, #tpu.memory_space<vmem_shared>>
      tpu.enqueue_dma source(%arg8 : memref<128x32xf32, #tpu.memory_space<vmem>>) target(%dma_start3A_152 : memref<128x32xf32, #tpu.memory_space<vmem_shared>>) target_semaphore(%run_scoped3A : memref<!tpu.dma_semaphore, #tpu.memory_space<semaphore_mem>>)
      %dma_wait3A_153 = arith.constant 0 : i32
      %dma_wait3A_154 = tpu.memref_slice %arg15[%add3A_29, %dma_wait3A_153] : memref<10240x32xf32, #tpu.memory_space<vmem_shared>> -> memref<128x32xf32, #tpu.memory_space<vmem_shared>>
      %dma_wait3A_155 = arith.constant 0 : i32
      %dma_wait3A_156 = tpu.memref_slice %arg15[%add3A_29, %dma_wait3A_155] : memref<10240x32xf32, #tpu.memory_space<vmem_shared>> -> memref<128x32xf32, #tpu.memory_space<vmem_shared>>
      tpu.wait_dma2 semaphore(%run_scoped3A : memref<!tpu.dma_semaphore, #tpu.memory_space<semaphore_mem>>) src(%arg8 : memref<128x32xf32, #tpu.memory_space<vmem>>) dst(%dma_wait3A_156 : memref<128x32xf32, #tpu.memory_space<vmem_shared>>)
      tpu.yield
    }) : () -> ()
    %mul3A_30 = arith.constant 640 : i32
    %mul3A_31 = arith.muli %arg1, %mul3A_30 : i32
    %add3A_32 = arith.constant 128 : i32
    %add3A_33 = arith.addi %mul3A_31, %add3A_32 : i32
    "tpu.region"() ({
      %run_scoped3A = tpu.sem_alloc : memref<!tpu.dma_semaphore, #tpu.memory_space<semaphore_mem>>
      %dma_start3A_149 = arith.constant 0 : i32
      %dma_start3A_150 = tpu.memref_slice %arg15[%add3A_33, %dma_start3A_149] : memref<10240x32xf32, #tpu.memory_space<vmem_shared>> -> memref<128x32xf32, #tpu.memory_space<vmem_shared>>
      %dma_start3A_151 = arith.constant 0 : i32
      %dma_start3A_152 = tpu.memref_slice %arg15[%add3A_33, %dma_start3A_151] : memref<10240x32xf32, #tpu.memory_space<vmem_shared>> -> memref<128x32xf32, #tpu.memory_space<vmem_shared>>
      tpu.enqueue_dma source(%arg8 : memref<128x32xf32, #tpu.memory_space<vmem>>) target(%dma_start3A_152 : memref<128x32xf32, #tpu.memory_space<vmem_shared>>) target_semaphore(%run_scoped3A : memref<!tpu.dma_semaphore, #tpu.memory_space<semaphore_mem>>)
      %dma_wait3A_153 = arith.constant 0 : i32
      %dma_wait3A_154 = tpu.memref_slice %arg15[%add3A_33, %dma_wait3A_153] : memref<10240x32xf32, #tpu.memory_space<vmem_shared>> -> memref<128x32xf32, #tpu.memory_space<vmem_shared>>
      %dma_wait3A_155 = arith.constant 0 : i32
      %dma_wait3A_156 = tpu.memref_slice %arg15[%add3A_33, %dma_wait3A_155] : memref<10240x32xf32, #tpu.memory_space<vmem_shared>> -> memref<128x32xf32, #tpu.memory_space<vmem_shared>>
      tpu.wait_dma2 semaphore(%run_scoped3A : memref<!tpu.dma_semaphore, #tpu.memory_space<semaphore_mem>>) src(%arg8 : memref<128x32xf32, #tpu.memory_space<vmem>>) dst(%dma_wait3A_156 : memref<128x32xf32, #tpu.memory_space<vmem_shared>>)
      tpu.yield
    }) : () -> ()
    %mul3A_34 = arith.constant 640 : i32
    %mul3A_35 = arith.muli %arg1, %mul3A_34 : i32
    %add3A_36 = arith.constant 256 : i32
    %add3A_37 = arith.addi %mul3A_35, %add3A_36 : i32
    "tpu.region"() ({
      %run_scoped3A = tpu.sem_alloc : memref<!tpu.dma_semaphore, #tpu.memory_space<semaphore_mem>>
      %dma_start3A_149 = arith.constant 0 : i32
      %dma_start3A_150 = tpu.memref_slice %arg15[%add3A_37, %dma_start3A_149] : memref<10240x32xf32, #tpu.memory_space<vmem_shared>> -> memref<128x32xf32, #tpu.memory_space<vmem_shared>>
      %dma_start3A_151 = arith.constant 0 : i32
      %dma_start3A_152 = tpu.memref_slice %arg15[%add3A_37, %dma_start3A_151] : memref<10240x32xf32, #tpu.memory_space<vmem_shared>> -> memref<128x32xf32, #tpu.memory_space<vmem_shared>>
      tpu.enqueue_dma source(%arg8 : memref<128x32xf32, #tpu.memory_space<vmem>>) target(%dma_start3A_152 : memref<128x32xf32, #tpu.memory_space<vmem_shared>>) target_semaphore(%run_scoped3A : memref<!tpu.dma_semaphore, #tpu.memory_space<semaphore_mem>>)
      %dma_wait3A_153 = arith.constant 0 : i32
      %dma_wait3A_154 = tpu.memref_slice %arg15[%add3A_37, %dma_wait3A_153] : memref<10240x32xf32, #tpu.memory_space<vmem_shared>> -> memref<128x32xf32, #tpu.memory_space<vmem_shared>>
      %dma_wait3A_155 = arith.constant 0 : i32
      %dma_wait3A_156 = tpu.memref_slice %arg15[%add3A_37, %dma_wait3A_155] : memref<10240x32xf32, #tpu.memory_space<vmem_shared>> -> memref<128x32xf32, #tpu.memory_space<vmem_shared>>
      tpu.wait_dma2 semaphore(%run_scoped3A : memref<!tpu.dma_semaphore, #tpu.memory_space<semaphore_mem>>) src(%arg8 : memref<128x32xf32, #tpu.memory_space<vmem>>) dst(%dma_wait3A_156 : memref<128x32xf32, #tpu.memory_space<vmem_shared>>)
      tpu.yield
    }) : () -> ()
    %mul3A_38 = arith.constant 640 : i32
    %mul3A_39 = arith.muli %arg1, %mul3A_38 : i32
    %add3A_40 = arith.constant 384 : i32
    %add3A_41 = arith.addi %mul3A_39, %add3A_40 : i32
    "tpu.region"() ({
      %run_scoped3A = tpu.sem_alloc : memref<!tpu.dma_semaphore, #tpu.memory_space<semaphore_mem>>
      %dma_start3A_149 = arith.constant 0 : i32
      %dma_start3A_150 = tpu.memref_slice %arg15[%add3A_41, %dma_start3A_149] : memref<10240x32xf32, #tpu.memory_space<vmem_shared>> -> memref<128x32xf32, #tpu.memory_space<vmem_shared>>
      %dma_start3A_151 = arith.constant 0 : i32
      %dma_start3A_152 = tpu.memref_slice %arg15[%add3A_41, %dma_start3A_151] : memref<10240x32xf32, #tpu.memory_space<vmem_shared>> -> memref<128x32xf32, #tpu.memory_space<vmem_shared>>
      tpu.enqueue_dma source(%arg8 : memref<128x32xf32, #tpu.memory_space<vmem>>) target(%dma_start3A_152 : memref<128x32xf32, #tpu.memory_space<vmem_shared>>) target_semaphore(%run_scoped3A : memref<!tpu.dma_semaphore, #tpu.memory_space<semaphore_mem>>)
      %dma_wait3A_153 = arith.constant 0 : i32
      %dma_wait3A_154 = tpu.memref_slice %arg15[%add3A_41, %dma_wait3A_153] : memref<10240x32xf32, #tpu.memory_space<vmem_shared>> -> memref<128x32xf32, #tpu.memory_space<vmem_shared>>
      %dma_wait3A_155 = arith.constant 0 : i32
      %dma_wait3A_156 = tpu.memref_slice %arg15[%add3A_41, %dma_wait3A_155] : memref<10240x32xf32, #tpu.memory_space<vmem_shared>> -> memref<128x32xf32, #tpu.memory_space<vmem_shared>>
      tpu.wait_dma2 semaphore(%run_scoped3A : memref<!tpu.dma_semaphore, #tpu.memory_space<semaphore_mem>>) src(%arg8 : memref<128x32xf32, #tpu.memory_space<vmem>>) dst(%dma_wait3A_156 : memref<128x32xf32, #tpu.memory_space<vmem_shared>>)
      tpu.yield
    }) : () -> ()
    %mul3A_42 = arith.constant 640 : i32
    %mul3A_43 = arith.muli %arg1, %mul3A_42 : i32
    %add3A_44 = arith.constant 512 : i32
    %add3A_45 = arith.addi %mul3A_43, %add3A_44 : i32
    "tpu.region"() ({
      %run_scoped3A = tpu.sem_alloc : memref<!tpu.dma_semaphore, #tpu.memory_space<semaphore_mem>>
      %dma_start3A_149 = arith.constant 0 : i32
      %dma_start3A_150 = tpu.memref_slice %arg15[%add3A_45, %dma_start3A_149] : memref<10240x32xf32, #tpu.memory_space<vmem_shared>> -> memref<128x32xf32, #tpu.memory_space<vmem_shared>>
      %dma_start3A_151 = arith.constant 0 : i32
      %dma_start3A_152 = tpu.memref_slice %arg15[%add3A_45, %dma_start3A_151] : memref<10240x32xf32, #tpu.memory_space<vmem_shared>> -> memref<128x32xf32, #tpu.memory_space<vmem_shared>>
      tpu.enqueue_dma source(%arg8 : memref<128x32xf32, #tpu.memory_space<vmem>>) target(%dma_start3A_152 : memref<128x32xf32, #tpu.memory_space<vmem_shared>>) target_semaphore(%run_scoped3A : memref<!tpu.dma_semaphore, #tpu.memory_space<semaphore_mem>>)
      %dma_wait3A_153 = arith.constant 0 : i32
      %dma_wait3A_154 = tpu.memref_slice %arg15[%add3A_45, %dma_wait3A_153] : memref<10240x32xf32, #tpu.memory_space<vmem_shared>> -> memref<128x32xf32, #tpu.memory_space<vmem_shared>>
      %dma_wait3A_155 = arith.constant 0 : i32
      %dma_wait3A_156 = tpu.memref_slice %arg15[%add3A_45, %dma_wait3A_155] : memref<10240x32xf32, #tpu.memory_space<vmem_shared>> -> memref<128x32xf32, #tpu.memory_space<vmem_shared>>
      tpu.wait_dma2 semaphore(%run_scoped3A : memref<!tpu.dma_semaphore, #tpu.memory_space<semaphore_mem>>) src(%arg8 : memref<128x32xf32, #tpu.memory_space<vmem>>) dst(%dma_wait3A_156 : memref<128x32xf32, #tpu.memory_space<vmem_shared>>)
      tpu.yield
    }) : () -> ()
    %mul3A_46 = arith.constant 10000 : i32
    %mul3A_47 = arith.muli %add3A, %mul3A_46 : i32
    %dma_wait3A = arith.constant 0 : i32
    %dma_wait3A_48 = arith.constant 0 : i32
    %dma_wait3A_49 = tpu.memref_slice %arg3[%dma_wait3A, %dma_wait3A_48] : memref<2x320000xi32, #tpu.memory_space<hbm>> -> memref<1x320000xi32, #tpu.memory_space<hbm>>
    %dma_wait3A_50 = tpu.memref_squeeze %dma_wait3A_49 : memref<1x320000xi32, #tpu.memory_space<hbm>> -> memref<320000xi32, #tpu.memory_space<hbm>>
    %dma_wait3A_51 = tpu.memref_slice %dma_wait3A_50[%mul3A_47] : memref<320000xi32, #tpu.memory_space<hbm>> -> memref<10000xi32, #tpu.memory_space<hbm>>
    %dma_wait3A_52 = arith.constant 0 : i32
    %dma_wait3A_53 = tpu.memref_slice %arg3[%dma_wait3A, %dma_wait3A_52] : memref<2x320000xi32, #tpu.memory_space<hbm>> -> memref<1x320000xi32, #tpu.memory_space<hbm>>
    %dma_wait3A_54 = tpu.memref_squeeze %dma_wait3A_53 : memref<1x320000xi32, #tpu.memory_space<hbm>> -> memref<320000xi32, #tpu.memory_space<hbm>>
    %dma_wait3A_55 = tpu.memref_slice %dma_wait3A_54[%mul3A_47] : memref<320000xi32, #tpu.memory_space<hbm>> -> memref<10000xi32, #tpu.memory_space<hbm>>
    tpu.wait_dma2 semaphore(%arg22 : memref<!tpu.dma_semaphore, #tpu.memory_space<semaphore_mem>>) src(%dma_wait3A_55 : memref<10000xi32, #tpu.memory_space<hbm>>) dst(%arg5 : memref<10000xi32, #tpu.memory_space<vmem>>)
    %mul3A_56 = arith.constant 10000 : i32
    %mul3A_57 = arith.muli %add3A, %mul3A_56 : i32
    %dma_wait3A_58 = arith.constant 1 : i32
    %dma_wait3A_59 = arith.constant 0 : i32
    %dma_wait3A_60 = tpu.memref_slice %arg3[%dma_wait3A_58, %dma_wait3A_59] : memref<2x320000xi32, #tpu.memory_space<hbm>> -> memref<1x320000xi32, #tpu.memory_space<hbm>>
    %dma_wait3A_61 = tpu.memref_squeeze %dma_wait3A_60 : memref<1x320000xi32, #tpu.memory_space<hbm>> -> memref<320000xi32, #tpu.memory_space<hbm>>
    %dma_wait3A_62 = tpu.memref_slice %dma_wait3A_61[%mul3A_57] : memref<320000xi32, #tpu.memory_space<hbm>> -> memref<10000xi32, #tpu.memory_space<hbm>>
    %dma_wait3A_63 = arith.constant 0 : i32
    %dma_wait3A_64 = tpu.memref_slice %arg3[%dma_wait3A_58, %dma_wait3A_63] : memref<2x320000xi32, #tpu.memory_space<hbm>> -> memref<1x320000xi32, #tpu.memory_space<hbm>>
    %dma_wait3A_65 = tpu.memref_squeeze %dma_wait3A_64 : memref<1x320000xi32, #tpu.memory_space<hbm>> -> memref<320000xi32, #tpu.memory_space<hbm>>
    %dma_wait3A_66 = tpu.memref_slice %dma_wait3A_65[%mul3A_57] : memref<320000xi32, #tpu.memory_space<hbm>> -> memref<10000xi32, #tpu.memory_space<hbm>>
    tpu.wait_dma2 semaphore(%arg22 : memref<!tpu.dma_semaphore, #tpu.memory_space<semaphore_mem>>) src(%dma_wait3A_66 : memref<10000xi32, #tpu.memory_space<hbm>>) dst(%arg6 : memref<10000xi32, #tpu.memory_space<vmem>>)
    %barrier3A = arith.constant 0 : index
    tpu.barrier barrier_id(%barrier3A)
    %dma_start3A_67 = arith.constant 0 : i32
    %dma_start3A_68 = tpu.memref_slice %arg5[%dma_start3A_67] : memref<10000xi32, #tpu.memory_space<vmem>> -> memref<128xi32, #tpu.memory_space<vmem>>
    %dma_start3A_69 = arith.constant 0 : i32
    %dma_start3A_70 = arith.constant 0 : i32
    %dma_start3A_71 = tpu.memref_slice %arg2[%dma_start3A_69, %dma_start3A_70] : memref<10000x32xf32, #tpu.memory_space<hbm>> -> memref<10000x32xf32, #tpu.memory_space<hbm>>
    tpu.enqueue_indirect_dma source(%dma_start3A_71 : memref<10000x32xf32, #tpu.memory_space<hbm>>) target(%arg9 : memref<128x32xf32, #tpu.memory_space<vmem>>) offsets(%dma_start3A_68 : memref<128xi32, #tpu.memory_space<vmem>>) semaphore(%arg16 : memref<!tpu.dma_semaphore, #tpu.memory_space<semaphore_mem>>)
    %dma_start3A_72 = arith.constant 128 : i32
    %dma_start3A_73 = tpu.memref_slice %arg5[%dma_start3A_72] : memref<10000xi32, #tpu.memory_space<vmem>> -> memref<128xi32, #tpu.memory_space<vmem>>
    %dma_start3A_74 = arith.constant 0 : i32
    %dma_start3A_75 = arith.constant 0 : i32
    %dma_start3A_76 = tpu.memref_slice %arg2[%dma_start3A_74, %dma_start3A_75] : memref<10000x32xf32, #tpu.memory_space<hbm>> -> memref<10000x32xf32, #tpu.memory_space<hbm>>
    tpu.enqueue_indirect_dma source(%dma_start3A_76 : memref<10000x32xf32, #tpu.memory_space<hbm>>) target(%arg10 : memref<128x32xf32, #tpu.memory_space<vmem>>) offsets(%dma_start3A_73 : memref<128xi32, #tpu.memory_space<vmem>>) semaphore(%arg17 : memref<!tpu.dma_semaphore, #tpu.memory_space<semaphore_mem>>)
    %dma_start3A_77 = arith.constant 256 : i32
    %dma_start3A_78 = tpu.memref_slice %arg5[%dma_start3A_77] : memref<10000xi32, #tpu.memory_space<vmem>> -> memref<128xi32, #tpu.memory_space<vmem>>
    %dma_start3A_79 = arith.constant 0 : i32
    %dma_start3A_80 = arith.constant 0 : i32
    %dma_start3A_81 = tpu.memref_slice %arg2[%dma_start3A_79, %dma_start3A_80] : memref<10000x32xf32, #tpu.memory_space<hbm>> -> memref<10000x32xf32, #tpu.memory_space<hbm>>
    tpu.enqueue_indirect_dma source(%dma_start3A_81 : memref<10000x32xf32, #tpu.memory_space<hbm>>) target(%arg11 : memref<128x32xf32, #tpu.memory_space<vmem>>) offsets(%dma_start3A_78 : memref<128xi32, #tpu.memory_space<vmem>>) semaphore(%arg18 : memref<!tpu.dma_semaphore, #tpu.memory_space<semaphore_mem>>)
    %dma_start3A_82 = arith.constant 384 : i32
    %dma_start3A_83 = tpu.memref_slice %arg5[%dma_start3A_82] : memref<10000xi32, #tpu.memory_space<vmem>> -> memref<128xi32, #tpu.memory_space<vmem>>
    %dma_start3A_84 = arith.constant 0 : i32
    %dma_start3A_85 = arith.constant 0 : i32
    %dma_start3A_86 = tpu.memref_slice %arg2[%dma_start3A_84, %dma_start3A_85] : memref<10000x32xf32, #tpu.memory_space<hbm>> -> memref<10000x32xf32, #tpu.memory_space<hbm>>
    tpu.enqueue_indirect_dma source(%dma_start3A_86 : memref<10000x32xf32, #tpu.memory_space<hbm>>) target(%arg12 : memref<128x32xf32, #tpu.memory_space<vmem>>) offsets(%dma_start3A_83 : memref<128xi32, #tpu.memory_space<vmem>>) semaphore(%arg19 : memref<!tpu.dma_semaphore, #tpu.memory_space<semaphore_mem>>)
    %dma_start3A_87 = arith.constant 512 : i32
    %dma_start3A_88 = tpu.memref_slice %arg5[%dma_start3A_87] : memref<10000xi32, #tpu.memory_space<vmem>> -> memref<128xi32, #tpu.memory_space<vmem>>
    %dma_start3A_89 = arith.constant 0 : i32
    %dma_start3A_90 = arith.constant 0 : i32
    %dma_start3A_91 = tpu.memref_slice %arg2[%dma_start3A_89, %dma_start3A_90] : memref<10000x32xf32, #tpu.memory_space<hbm>> -> memref<10000x32xf32, #tpu.memory_space<hbm>>
    tpu.enqueue_indirect_dma source(%dma_start3A_91 : memref<10000x32xf32, #tpu.memory_space<hbm>>) target(%arg13 : memref<128x32xf32, #tpu.memory_space<vmem>>) offsets(%dma_start3A_88 : memref<128xi32, #tpu.memory_space<vmem>>) semaphore(%arg20 : memref<!tpu.dma_semaphore, #tpu.memory_space<semaphore_mem>>)
    %dma_start3A_92 = arith.constant 640 : i32
    %dma_start3A_93 = tpu.memref_slice %arg5[%dma_start3A_92] : memref<10000xi32, #tpu.memory_space<vmem>> -> memref<128xi32, #tpu.memory_space<vmem>>
    %dma_start3A_94 = arith.constant 0 : i32
    %dma_start3A_95 = arith.constant 0 : i32
    %dma_start3A_96 = tpu.memref_slice %arg2[%dma_start3A_94, %dma_start3A_95] : memref<10000x32xf32, #tpu.memory_space<hbm>> -> memref<10000x32xf32, #tpu.memory_space<hbm>>
    tpu.enqueue_indirect_dma source(%dma_start3A_96 : memref<10000x32xf32, #tpu.memory_space<hbm>>) target(%arg14 : memref<128x32xf32, #tpu.memory_space<vmem>>) offsets(%dma_start3A_93 : memref<128xi32, #tpu.memory_space<vmem>>) semaphore(%arg21 : memref<!tpu.dma_semaphore, #tpu.memory_space<semaphore_mem>>)
    %dma_start3A_97 = arith.constant 9984 : i32
    %dma_start3A_98 = tpu.memref_slice %arg5[%dma_start3A_97] : memref<10000xi32, #tpu.memory_space<vmem>> -> memref<16xi32, #tpu.memory_space<vmem>>
    %dma_start3A_99 = arith.constant 0 : i32
    %dma_start3A_100 = arith.constant 0 : i32
    %dma_start3A_101 = tpu.memref_slice %arg2[%dma_start3A_99, %dma_start3A_100] : memref<10000x32xf32, #tpu.memory_space<hbm>> -> memref<10000x32xf32, #tpu.memory_space<hbm>>
    tpu.enqueue_indirect_dma source(%dma_start3A_101 : memref<10000x32xf32, #tpu.memory_space<hbm>>) target(%arg7 : memref<16x32xf32, #tpu.memory_space<vmem>>) offsets(%dma_start3A_98 : memref<16xi32, #tpu.memory_space<vmem>>) semaphore(%arg23 : memref<!tpu.dma_semaphore, #tpu.memory_space<semaphore_mem>>)
    %scan3A_102 = arith.constant 0 : i32
    %scan3A_103 = arith.constant 12 : i32
    %scan3A_104 = arith.addi %scan3A_102, %scan3A_103 : i32
    %scan3A_105 = arith.constant 1 : i32
    scf.for %scan3A_149 = %scan3A_102 to %scan3A_104 step %scan3A_105  : i32 {
      %mul3A_150 = arith.constant 6 : i32
      %mul3A_151 = arith.muli %scan3A_149, %mul3A_150 : i32
      %add3A_152 = arith.constant 0 : i32
      %add3A_153 = arith.addi %add3A_152, %mul3A_151 : i32
      %add3A_154 = arith.constant 0 : i32
      %add3A_155 = arith.addi %add3A_153, %add3A_154 : i32
      %mul3A_156 = arith.constant 128 : i32
      %mul3A_157 = arith.muli %add3A_155, %mul3A_156 : i32
      %dma_wait3A_158 = tpu.memref_slice %arg5[%mul3A_157] : memref<10000xi32, #tpu.memory_space<vmem>> -> memref<128xi32, #tpu.memory_space<vmem>>
      %dma_wait3A_159 = arith.constant 0 : i32
      %dma_wait3A_160 = arith.constant 0 : i32
      %dma_wait3A_161 = tpu.memref_slice %arg2[%dma_wait3A_159, %dma_wait3A_160] : memref<10000x32xf32, #tpu.memory_space<hbm>> -> memref<10000x32xf32, #tpu.memory_space<hbm>>
      tpu.wait_indirect_dma semaphore(%arg16 : memref<!tpu.dma_semaphore, #tpu.memory_space<semaphore_mem>>) src(%dma_wait3A_161 : memref<10000x32xf32, #tpu.memory_space<hbm>>) dst(%arg9 : memref<128x32xf32, #tpu.memory_space<vmem>>)
      %add3A_162 = arith.constant 0 : i32
      %add3A_163 = arith.addi %add3A_153, %add3A_162 : i32
      %mul3A_164 = arith.constant 128 : i32
      %mul3A_165 = arith.muli %add3A_163, %mul3A_164 : i32
      "tpu.region"() ({
        %run_scoped3A = tpu.sem_alloc : memref<!tpu.dma_semaphore, #tpu.memory_space<semaphore_mem>>
        %dma_start3A_286 = tpu.memref_slice %arg6[%mul3A_165] : memref<10000xi32, #tpu.memory_space<vmem>> -> memref<128xi32, #tpu.memory_space<vmem>>
        %dma_start3A_287 = arith.constant 0 : i32
        %dma_start3A_288 = arith.constant 0 : i32
        %dma_start3A_289 = tpu.memref_slice %arg15[%dma_start3A_287, %dma_start3A_288] : memref<10240x32xf32, #tpu.memory_space<vmem_shared>> -> memref<10240x32xf32, #tpu.memory_space<vmem_shared>>
        tpu.enqueue_indirect_dma source(%arg9 : memref<128x32xf32, #tpu.memory_space<vmem>>) target(%dma_start3A_289 : memref<10240x32xf32, #tpu.memory_space<vmem_shared>>) offsets(%dma_start3A_286 : memref<128xi32, #tpu.memory_space<vmem>>) semaphore(%run_scoped3A : memref<!tpu.dma_semaphore, #tpu.memory_space<semaphore_mem>>) {add = true}
        %dma_wait3A_290 = tpu.memref_slice %arg6[%mul3A_165] : memref<10000xi32, #tpu.memory_space<vmem>> -> memref<128xi32, #tpu.memory_space<vmem>>
        %dma_wait3A_291 = arith.constant 0 : i32
        %dma_wait3A_292 = arith.constant 0 : i32
        %dma_wait3A_293 = tpu.memref_slice %arg15[%dma_wait3A_291, %dma_wait3A_292] : memref<10240x32xf32, #tpu.memory_space<vmem_shared>> -> memref<10240x32xf32, #tpu.memory_space<vmem_shared>>
        tpu.wait_indirect_dma semaphore(%run_scoped3A : memref<!tpu.dma_semaphore, #tpu.memory_space<semaphore_mem>>) src(%arg9 : memref<128x32xf32, #tpu.memory_space<vmem>>) dst(%dma_wait3A_293 : memref<10240x32xf32, #tpu.memory_space<vmem_shared>>)
        tpu.yield
      }) : () -> ()
      %add3A_166 = arith.constant 6 : i32
      %add3A_167 = arith.addi %add3A_153, %add3A_166 : i32
      %add3A_168 = arith.constant 0 : i32
      %add3A_169 = arith.addi %add3A_167, %add3A_168 : i32
      %mul3A_170 = arith.constant 128 : i32
      %mul3A_171 = arith.muli %add3A_169, %mul3A_170 : i32
      %dma_start3A_172 = tpu.memref_slice %arg5[%mul3A_171] : memref<10000xi32, #tpu.memory_space<vmem>> -> memref<128xi32, #tpu.memory_space<vmem>>
      %dma_start3A_173 = arith.constant 0 : i32
      %dma_start3A_174 = arith.constant 0 : i32
      %dma_start3A_175 = tpu.memref_slice %arg2[%dma_start3A_173, %dma_start3A_174] : memref<10000x32xf32, #tpu.memory_space<hbm>> -> memref<10000x32xf32, #tpu.memory_space<hbm>>
      tpu.enqueue_indirect_dma source(%dma_start3A_175 : memref<10000x32xf32, #tpu.memory_space<hbm>>) target(%arg9 : memref<128x32xf32, #tpu.memory_space<vmem>>) offsets(%dma_start3A_172 : memref<128xi32, #tpu.memory_space<vmem>>) semaphore(%arg16 : memref<!tpu.dma_semaphore, #tpu.memory_space<semaphore_mem>>)
      %add3A_176 = arith.constant 1 : i32
      %add3A_177 = arith.addi %add3A_153, %add3A_176 : i32
      %mul3A_178 = arith.constant 128 : i32
      %mul3A_179 = arith.muli %add3A_177, %mul3A_178 : i32
      %dma_wait3A_180 = tpu.memref_slice %arg5[%mul3A_179] : memref<10000xi32, #tpu.memory_space<vmem>> -> memref<128xi32, #tpu.memory_space<vmem>>
      %dma_wait3A_181 = arith.constant 0 : i32
      %dma_wait3A_182 = arith.constant 0 : i32
      %dma_wait3A_183 = tpu.memref_slice %arg2[%dma_wait3A_181, %dma_wait3A_182] : memref<10000x32xf32, #tpu.memory_space<hbm>> -> memref<10000x32xf32, #tpu.memory_space<hbm>>
      tpu.wait_indirect_dma semaphore(%arg17 : memref<!tpu.dma_semaphore, #tpu.memory_space<semaphore_mem>>) src(%dma_wait3A_183 : memref<10000x32xf32, #tpu.memory_space<hbm>>) dst(%arg10 : memref<128x32xf32, #tpu.memory_space<vmem>>)
      %add3A_184 = arith.constant 1 : i32
      %add3A_185 = arith.addi %add3A_153, %add3A_184 : i32
      %mul3A_186 = arith.constant 128 : i32
      %mul3A_187 = arith.muli %add3A_185, %mul3A_186 : i32
      "tpu.region"() ({
        %run_scoped3A = tpu.sem_alloc : memref<!tpu.dma_semaphore, #tpu.memory_space<semaphore_mem>>
        %dma_start3A_286 = tpu.memref_slice %arg6[%mul3A_187] : memref<10000xi32, #tpu.memory_space<vmem>> -> memref<128xi32, #tpu.memory_space<vmem>>
        %dma_start3A_287 = arith.constant 0 : i32
        %dma_start3A_288 = arith.constant 0 : i32
        %dma_start3A_289 = tpu.memref_slice %arg15[%dma_start3A_287, %dma_start3A_288] : memref<10240x32xf32, #tpu.memory_space<vmem_shared>> -> memref<10240x32xf32, #tpu.memory_space<vmem_shared>>
        tpu.enqueue_indirect_dma source(%arg10 : memref<128x32xf32, #tpu.memory_space<vmem>>) target(%dma_start3A_289 : memref<10240x32xf32, #tpu.memory_space<vmem_shared>>) offsets(%dma_start3A_286 : memref<128xi32, #tpu.memory_space<vmem>>) semaphore(%run_scoped3A : memref<!tpu.dma_semaphore, #tpu.memory_space<semaphore_mem>>) {add = true}
        %dma_wait3A_290 = tpu.memref_slice %arg6[%mul3A_187] : memref<10000xi32, #tpu.memory_space<vmem>> -> memref<128xi32, #tpu.memory_space<vmem>>
        %dma_wait3A_291 = arith.constant 0 : i32
        %dma_wait3A_292 = arith.constant 0 : i32
        %dma_wait3A_293 = tpu.memref_slice %arg15[%dma_wait3A_291, %dma_wait3A_292] : memref<10240x32xf32, #tpu.memory_space<vmem_shared>> -> memref<10240x32xf32, #tpu.memory_space<vmem_shared>>
        tpu.wait_indirect_dma semaphore(%run_scoped3A : memref<!tpu.dma_semaphore, #tpu.memory_space<semaphore_mem>>) src(%arg10 : memref<128x32xf32, #tpu.memory_space<vmem>>) dst(%dma_wait3A_293 : memref<10240x32xf32, #tpu.memory_space<vmem_shared>>)
        tpu.yield
      }) : () -> ()
      %add3A_188 = arith.constant 6 : i32
      %add3A_189 = arith.addi %add3A_153, %add3A_188 : i32
      %add3A_190 = arith.constant 1 : i32
      %add3A_191 = arith.addi %add3A_189, %add3A_190 : i32
      %mul3A_192 = arith.constant 128 : i32
      %mul3A_193 = arith.muli %add3A_191, %mul3A_192 : i32
      %dma_start3A_194 = tpu.memref_slice %arg5[%mul3A_193] : memref<10000xi32, #tpu.memory_space<vmem>> -> memref<128xi32, #tpu.memory_space<vmem>>
      %dma_start3A_195 = arith.constant 0 : i32
      %dma_start3A_196 = arith.constant 0 : i32
      %dma_start3A_197 = tpu.memref_slice %arg2[%dma_start3A_195, %dma_start3A_196] : memref<10000x32xf32, #tpu.memory_space<hbm>> -> memref<10000x32xf32, #tpu.memory_space<hbm>>
      tpu.enqueue_indirect_dma source(%dma_start3A_197 : memref<10000x32xf32, #tpu.memory_space<hbm>>) target(%arg10 : memref<128x32xf32, #tpu.memory_space<vmem>>) offsets(%dma_start3A_194 : memref<128xi32, #tpu.memory_space<vmem>>) semaphore(%arg17 : memref<!tpu.dma_semaphore, #tpu.memory_space<semaphore_mem>>)
      %add3A_198 = arith.constant 2 : i32
      %add3A_199 = arith.addi %add3A_153, %add3A_198 : i32
      %mul3A_200 = arith.constant 128 : i32
      %mul3A_201 = arith.muli %add3A_199, %mul3A_200 : i32
      %dma_wait3A_202 = tpu.memref_slice %arg5[%mul3A_201] : memref<10000xi32, #tpu.memory_space<vmem>> -> memref<128xi32, #tpu.memory_space<vmem>>
      %dma_wait3A_203 = arith.constant 0 : i32
      %dma_wait3A_204 = arith.constant 0 : i32
      %dma_wait3A_205 = tpu.memref_slice %arg2[%dma_wait3A_203, %dma_wait3A_204] : memref<10000x32xf32, #tpu.memory_space<hbm>> -> memref<10000x32xf32, #tpu.memory_space<hbm>>
      tpu.wait_indirect_dma semaphore(%arg18 : memref<!tpu.dma_semaphore, #tpu.memory_space<semaphore_mem>>) src(%dma_wait3A_205 : memref<10000x32xf32, #tpu.memory_space<hbm>>) dst(%arg11 : memref<128x32xf32, #tpu.memory_space<vmem>>)
      %add3A_206 = arith.constant 2 : i32
      %add3A_207 = arith.addi %add3A_153, %add3A_206 : i32
      %mul3A_208 = arith.constant 128 : i32
      %mul3A_209 = arith.muli %add3A_207, %mul3A_208 : i32
      "tpu.region"() ({
        %run_scoped3A = tpu.sem_alloc : memref<!tpu.dma_semaphore, #tpu.memory_space<semaphore_mem>>
        %dma_start3A_286 = tpu.memref_slice %arg6[%mul3A_209] : memref<10000xi32, #tpu.memory_space<vmem>> -> memref<128xi32, #tpu.memory_space<vmem>>
        %dma_start3A_287 = arith.constant 0 : i32
        %dma_start3A_288 = arith.constant 0 : i32
        %dma_start3A_289 = tpu.memref_slice %arg15[%dma_start3A_287, %dma_start3A_288] : memref<10240x32xf32, #tpu.memory_space<vmem_shared>> -> memref<10240x32xf32, #tpu.memory_space<vmem_shared>>
        tpu.enqueue_indirect_dma source(%arg11 : memref<128x32xf32, #tpu.memory_space<vmem>>) target(%dma_start3A_289 : memref<10240x32xf32, #tpu.memory_space<vmem_shared>>) offsets(%dma_start3A_286 : memref<128xi32, #tpu.memory_space<vmem>>) semaphore(%run_scoped3A : memref<!tpu.dma_semaphore, #tpu.memory_space<semaphore_mem>>) {add = true}
        %dma_wait3A_290 = tpu.memref_slice %arg6[%mul3A_209] : memref<10000xi32, #tpu.memory_space<vmem>> -> memref<128xi32, #tpu.memory_space<vmem>>
        %dma_wait3A_291 = arith.constant 0 : i32
        %dma_wait3A_292 = arith.constant 0 : i32
        %dma_wait3A_293 = tpu.memref_slice %arg15[%dma_wait3A_291, %dma_wait3A_292] : memref<10240x32xf32, #tpu.memory_space<vmem_shared>> -> memref<10240x32xf32, #tpu.memory_space<vmem_shared>>
        tpu.wait_indirect_dma semaphore(%run_scoped3A : memref<!tpu.dma_semaphore, #tpu.memory_space<semaphore_mem>>) src(%arg11 : memref<128x32xf32, #tpu.memory_space<vmem>>) dst(%dma_wait3A_293 : memref<10240x32xf32, #tpu.memory_space<vmem_shared>>)
        tpu.yield
      }) : () -> ()
      %add3A_210 = arith.constant 6 : i32
      %add3A_211 = arith.addi %add3A_153, %add3A_210 : i32
      %add3A_212 = arith.constant 2 : i32
      %add3A_213 = arith.addi %add3A_211, %add3A_212 : i32
      %mul3A_214 = arith.constant 128 : i32
      %mul3A_215 = arith.muli %add3A_213, %mul3A_214 : i32
      %dma_start3A_216 = tpu.memref_slice %arg5[%mul3A_215] : memref<10000xi32, #tpu.memory_space<vmem>> -> memref<128xi32, #tpu.memory_space<vmem>>
      %dma_start3A_217 = arith.constant 0 : i32
      %dma_start3A_218 = arith.constant 0 : i32
      %dma_start3A_219 = tpu.memref_slice %arg2[%dma_start3A_217, %dma_start3A_218] : memref<10000x32xf32, #tpu.memory_space<hbm>> -> memref<10000x32xf32, #tpu.memory_space<hbm>>
      tpu.enqueue_indirect_dma source(%dma_start3A_219 : memref<10000x32xf32, #tpu.memory_space<hbm>>) target(%arg11 : memref<128x32xf32, #tpu.memory_space<vmem>>) offsets(%dma_start3A_216 : memref<128xi32, #tpu.memory_space<vmem>>) semaphore(%arg18 : memref<!tpu.dma_semaphore, #tpu.memory_space<semaphore_mem>>)
      %add3A_220 = arith.constant 3 : i32
      %add3A_221 = arith.addi %add3A_153, %add3A_220 : i32
      %mul3A_222 = arith.constant 128 : i32
      %mul3A_223 = arith.muli %add3A_221, %mul3A_222 : i32
      %dma_wait3A_224 = tpu.memref_slice %arg5[%mul3A_223] : memref<10000xi32, #tpu.memory_space<vmem>> -> memref<128xi32, #tpu.memory_space<vmem>>
      %dma_wait3A_225 = arith.constant 0 : i32
      %dma_wait3A_226 = arith.constant 0 : i32
      %dma_wait3A_227 = tpu.memref_slice %arg2[%dma_wait3A_225, %dma_wait3A_226] : memref<10000x32xf32, #tpu.memory_space<hbm>> -> memref<10000x32xf32, #tpu.memory_space<hbm>>
      tpu.wait_indirect_dma semaphore(%arg19 : memref<!tpu.dma_semaphore, #tpu.memory_space<semaphore_mem>>) src(%dma_wait3A_227 : memref<10000x32xf32, #tpu.memory_space<hbm>>) dst(%arg12 : memref<128x32xf32, #tpu.memory_space<vmem>>)
      %add3A_228 = arith.constant 3 : i32
      %add3A_229 = arith.addi %add3A_153, %add3A_228 : i32
      %mul3A_230 = arith.constant 128 : i32
      %mul3A_231 = arith.muli %add3A_229, %mul3A_230 : i32
      "tpu.region"() ({
        %run_scoped3A = tpu.sem_alloc : memref<!tpu.dma_semaphore, #tpu.memory_space<semaphore_mem>>
        %dma_start3A_286 = tpu.memref_slice %arg6[%mul3A_231] : memref<10000xi32, #tpu.memory_space<vmem>> -> memref<128xi32, #tpu.memory_space<vmem>>
        %dma_start3A_287 = arith.constant 0 : i32
        %dma_start3A_288 = arith.constant 0 : i32
        %dma_start3A_289 = tpu.memref_slice %arg15[%dma_start3A_287, %dma_start3A_288] : memref<10240x32xf32, #tpu.memory_space<vmem_shared>> -> memref<10240x32xf32, #tpu.memory_space<vmem_shared>>
        tpu.enqueue_indirect_dma source(%arg12 : memref<128x32xf32, #tpu.memory_space<vmem>>) target(%dma_start3A_289 : memref<10240x32xf32, #tpu.memory_space<vmem_shared>>) offsets(%dma_start3A_286 : memref<128xi32, #tpu.memory_space<vmem>>) semaphore(%run_scoped3A : memref<!tpu.dma_semaphore, #tpu.memory_space<semaphore_mem>>) {add = true}
        %dma_wait3A_290 = tpu.memref_slice %arg6[%mul3A_231] : memref<10000xi32, #tpu.memory_space<vmem>> -> memref<128xi32, #tpu.memory_space<vmem>>
        %dma_wait3A_291 = arith.constant 0 : i32
        %dma_wait3A_292 = arith.constant 0 : i32
        %dma_wait3A_293 = tpu.memref_slice %arg15[%dma_wait3A_291, %dma_wait3A_292] : memref<10240x32xf32, #tpu.memory_space<vmem_shared>> -> memref<10240x32xf32, #tpu.memory_space<vmem_shared>>
        tpu.wait_indirect_dma semaphore(%run_scoped3A : memref<!tpu.dma_semaphore, #tpu.memory_space<semaphore_mem>>) src(%arg12 : memref<128x32xf32, #tpu.memory_space<vmem>>) dst(%dma_wait3A_293 : memref<10240x32xf32, #tpu.memory_space<vmem_shared>>)
        tpu.yield
      }) : () -> ()
      %add3A_232 = arith.constant 6 : i32
      %add3A_233 = arith.addi %add3A_153, %add3A_232 : i32
      %add3A_234 = arith.constant 3 : i32
      %add3A_235 = arith.addi %add3A_233, %add3A_234 : i32
      %mul3A_236 = arith.constant 128 : i32
      %mul3A_237 = arith.muli %add3A_235, %mul3A_236 : i32
      %dma_start3A_238 = tpu.memref_slice %arg5[%mul3A_237] : memref<10000xi32, #tpu.memory_space<vmem>> -> memref<128xi32, #tpu.memory_space<vmem>>
      %dma_start3A_239 = arith.constant 0 : i32
      %dma_start3A_240 = arith.constant 0 : i32
      %dma_start3A_241 = tpu.memref_slice %arg2[%dma_start3A_239, %dma_start3A_240] : memref<10000x32xf32, #tpu.memory_space<hbm>> -> memref<10000x32xf32, #tpu.memory_space<hbm>>
      tpu.enqueue_indirect_dma source(%dma_start3A_241 : memref<10000x32xf32, #tpu.memory_space<hbm>>) target(%arg12 : memref<128x32xf32, #tpu.memory_space<vmem>>) offsets(%dma_start3A_238 : memref<128xi32, #tpu.memory_space<vmem>>) semaphore(%arg19 : memref<!tpu.dma_semaphore, #tpu.memory_space<semaphore_mem>>)
      %add3A_242 = arith.constant 4 : i32
      %add3A_243 = arith.addi %add3A_153, %add3A_242 : i32
      %mul3A_244 = arith.constant 128 : i32
      %mul3A_245 = arith.muli %add3A_243, %mul3A_244 : i32
      %dma_wait3A_246 = tpu.memref_slice %arg5[%mul3A_245] : memref<10000xi32, #tpu.memory_space<vmem>> -> memref<128xi32, #tpu.memory_space<vmem>>
      %dma_wait3A_247 = arith.constant 0 : i32
      %dma_wait3A_248 = arith.constant 0 : i32
      %dma_wait3A_249 = tpu.memref_slice %arg2[%dma_wait3A_247, %dma_wait3A_248] : memref<10000x32xf32, #tpu.memory_space<hbm>> -> memref<10000x32xf32, #tpu.memory_space<hbm>>
      tpu.wait_indirect_dma semaphore(%arg20 : memref<!tpu.dma_semaphore, #tpu.memory_space<semaphore_mem>>) src(%dma_wait3A_249 : memref<10000x32xf32, #tpu.memory_space<hbm>>) dst(%arg13 : memref<128x32xf32, #tpu.memory_space<vmem>>)
      %add3A_250 = arith.constant 4 : i32
      %add3A_251 = arith.addi %add3A_153, %add3A_250 : i32
      %mul3A_252 = arith.constant 128 : i32
      %mul3A_253 = arith.muli %add3A_251, %mul3A_252 : i32
      "tpu.region"() ({
        %run_scoped3A = tpu.sem_alloc : memref<!tpu.dma_semaphore, #tpu.memory_space<semaphore_mem>>
        %dma_start3A_286 = tpu.memref_slice %arg6[%mul3A_253] : memref<10000xi32, #tpu.memory_space<vmem>> -> memref<128xi32, #tpu.memory_space<vmem>>
        %dma_start3A_287 = arith.constant 0 : i32
        %dma_start3A_288 = arith.constant 0 : i32
        %dma_start3A_289 = tpu.memref_slice %arg15[%dma_start3A_287, %dma_start3A_288] : memref<10240x32xf32, #tpu.memory_space<vmem_shared>> -> memref<10240x32xf32, #tpu.memory_space<vmem_shared>>
        tpu.enqueue_indirect_dma source(%arg13 : memref<128x32xf32, #tpu.memory_space<vmem>>) target(%dma_start3A_289 : memref<10240x32xf32, #tpu.memory_space<vmem_shared>>) offsets(%dma_start3A_286 : memref<128xi32, #tpu.memory_space<vmem>>) semaphore(%run_scoped3A : memref<!tpu.dma_semaphore, #tpu.memory_space<semaphore_mem>>) {add = true}
        %dma_wait3A_290 = tpu.memref_slice %arg6[%mul3A_253] : memref<10000xi32, #tpu.memory_space<vmem>> -> memref<128xi32, #tpu.memory_space<vmem>>
        %dma_wait3A_291 = arith.constant 0 : i32
        %dma_wait3A_292 = arith.constant 0 : i32
        %dma_wait3A_293 = tpu.memref_slice %arg15[%dma_wait3A_291, %dma_wait3A_292] : memref<10240x32xf32, #tpu.memory_space<vmem_shared>> -> memref<10240x32xf32, #tpu.memory_space<vmem_shared>>
        tpu.wait_indirect_dma semaphore(%run_scoped3A : memref<!tpu.dma_semaphore, #tpu.memory_space<semaphore_mem>>) src(%arg13 : memref<128x32xf32, #tpu.memory_space<vmem>>) dst(%dma_wait3A_293 : memref<10240x32xf32, #tpu.memory_space<vmem_shared>>)
        tpu.yield
      }) : () -> ()
      %add3A_254 = arith.constant 6 : i32
      %add3A_255 = arith.addi %add3A_153, %add3A_254 : i32
      %add3A_256 = arith.constant 4 : i32
      %add3A_257 = arith.addi %add3A_255, %add3A_256 : i32
      %mul3A_258 = arith.constant 128 : i32
      %mul3A_259 = arith.muli %add3A_257, %mul3A_258 : i32
      %dma_start3A_260 = tpu.memref_slice %arg5[%mul3A_259] : memref<10000xi32, #tpu.memory_space<vmem>> -> memref<128xi32, #tpu.memory_space<vmem>>
      %dma_start3A_261 = arith.constant 0 : i32
      %dma_start3A_262 = arith.constant 0 : i32
      %dma_start3A_263 = tpu.memref_slice %arg2[%dma_start3A_261, %dma_start3A_262] : memref<10000x32xf32, #tpu.memory_space<hbm>> -> memref<10000x32xf32, #tpu.memory_space<hbm>>
      tpu.enqueue_indirect_dma source(%dma_start3A_263 : memref<10000x32xf32, #tpu.memory_space<hbm>>) target(%arg13 : memref<128x32xf32, #tpu.memory_space<vmem>>) offsets(%dma_start3A_260 : memref<128xi32, #tpu.memory_space<vmem>>) semaphore(%arg20 : memref<!tpu.dma_semaphore, #tpu.memory_space<semaphore_mem>>)
      %add3A_264 = arith.constant 5 : i32
      %add3A_265 = arith.addi %add3A_153, %add3A_264 : i32
      %mul3A_266 = arith.constant 128 : i32
      %mul3A_267 = arith.muli %add3A_265, %mul3A_266 : i32
      %dma_wait3A_268 = tpu.memref_slice %arg5[%mul3A_267] : memref<10000xi32, #tpu.memory_space<vmem>> -> memref<128xi32, #tpu.memory_space<vmem>>
      %dma_wait3A_269 = arith.constant 0 : i32
      %dma_wait3A_270 = arith.constant 0 : i32
      %dma_wait3A_271 = tpu.memref_slice %arg2[%dma_wait3A_269, %dma_wait3A_270] : memref<10000x32xf32, #tpu.memory_space<hbm>> -> memref<10000x32xf32, #tpu.memory_space<hbm>>
      tpu.wait_indirect_dma semaphore(%arg21 : memref<!tpu.dma_semaphore, #tpu.memory_space<semaphore_mem>>) src(%dma_wait3A_271 : memref<10000x32xf32, #tpu.memory_space<hbm>>) dst(%arg14 : memref<128x32xf32, #tpu.memory_space<vmem>>)
      %add3A_272 = arith.constant 5 : i32
      %add3A_273 = arith.addi %add3A_153, %add3A_272 : i32
      %mul3A_274 = arith.constant 128 : i32
      %mul3A_275 = arith.muli %add3A_273, %mul3A_274 : i32
      "tpu.region"() ({
        %run_scoped3A = tpu.sem_alloc : memref<!tpu.dma_semaphore, #tpu.memory_space<semaphore_mem>>
        %dma_start3A_286 = tpu.memref_slice %arg6[%mul3A_275] : memref<10000xi32, #tpu.memory_space<vmem>> -> memref<128xi32, #tpu.memory_space<vmem>>
        %dma_start3A_287 = arith.constant 0 : i32
        %dma_start3A_288 = arith.constant 0 : i32
        %dma_start3A_289 = tpu.memref_slice %arg15[%dma_start3A_287, %dma_start3A_288] : memref<10240x32xf32, #tpu.memory_space<vmem_shared>> -> memref<10240x32xf32, #tpu.memory_space<vmem_shared>>
        tpu.enqueue_indirect_dma source(%arg14 : memref<128x32xf32, #tpu.memory_space<vmem>>) target(%dma_start3A_289 : memref<10240x32xf32, #tpu.memory_space<vmem_shared>>) offsets(%dma_start3A_286 : memref<128xi32, #tpu.memory_space<vmem>>) semaphore(%run_scoped3A : memref<!tpu.dma_semaphore, #tpu.memory_space<semaphore_mem>>) {add = true}
        %dma_wait3A_290 = tpu.memref_slice %arg6[%mul3A_275] : memref<10000xi32, #tpu.memory_space<vmem>> -> memref<128xi32, #tpu.memory_space<vmem>>
        %dma_wait3A_291 = arith.constant 0 : i32
        %dma_wait3A_292 = arith.constant 0 : i32
        %dma_wait3A_293 = tpu.memref_slice %arg15[%dma_wait3A_291, %dma_wait3A_292] : memref<10240x32xf32, #tpu.memory_space<vmem_shared>> -> memref<10240x32xf32, #tpu.memory_space<vmem_shared>>
        tpu.wait_indirect_dma semaphore(%run_scoped3A : memref<!tpu.dma_semaphore, #tpu.memory_space<semaphore_mem>>) src(%arg14 : memref<128x32xf32, #tpu.memory_space<vmem>>) dst(%dma_wait3A_293 : memref<10240x32xf32, #tpu.memory_space<vmem_shared>>)
        tpu.yield
      }) : () -> ()
      %add3A_276 = arith.constant 6 : i32
      %add3A_277 = arith.addi %add3A_153, %add3A_276 : i32
      %add3A_278 = arith.constant 5 : i32
      %add3A_279 = arith.addi %add3A_277, %add3A_278 : i32
      %mul3A_280 = arith.constant 128 : i32
      %mul3A_281 = arith.muli %add3A_279, %mul3A_280 : i32
      %dma_start3A_282 = tpu.memref_slice %arg5[%mul3A_281] : memref<10000xi32, #tpu.memory_space<vmem>> -> memref<128xi32, #tpu.memory_space<vmem>>
      %dma_start3A_283 = arith.constant 0 : i32
      %dma_start3A_284 = arith.constant 0 : i32
      %dma_start3A_285 = tpu.memref_slice %arg2[%dma_start3A_283, %dma_start3A_284] : memref<10000x32xf32, #tpu.memory_space<hbm>> -> memref<10000x32xf32, #tpu.memory_space<hbm>>
      tpu.enqueue_indirect_dma source(%dma_start3A_285 : memref<10000x32xf32, #tpu.memory_space<hbm>>) target(%arg14 : memref<128x32xf32, #tpu.memory_space<vmem>>) offsets(%dma_start3A_282 : memref<128xi32, #tpu.memory_space<vmem>>) semaphore(%arg21 : memref<!tpu.dma_semaphore, #tpu.memory_space<semaphore_mem>>)
    }
    %scan3A_106 = arith.constant 12 : i32
    %dma_wait3A_107 = arith.constant 9216 : i32
    %dma_wait3A_108 = tpu.memref_slice %arg5[%dma_wait3A_107] : memref<10000xi32, #tpu.memory_space<vmem>> -> memref<128xi32, #tpu.memory_space<vmem>>
    %dma_wait3A_109 = arith.constant 0 : i32
    %dma_wait3A_110 = arith.constant 0 : i32
    %dma_wait3A_111 = tpu.memref_slice %arg2[%dma_wait3A_109, %dma_wait3A_110] : memref<10000x32xf32, #tpu.memory_space<hbm>> -> memref<10000x32xf32, #tpu.memory_space<hbm>>
    tpu.wait_indirect_dma semaphore(%arg16 : memref<!tpu.dma_semaphore, #tpu.memory_space<semaphore_mem>>) src(%dma_wait3A_111 : memref<10000x32xf32, #tpu.memory_space<hbm>>) dst(%arg9 : memref<128x32xf32, #tpu.memory_space<vmem>>)
    "tpu.region"() ({
      %run_scoped3A = tpu.sem_alloc : memref<!tpu.dma_semaphore, #tpu.memory_space<semaphore_mem>>
      %dma_start3A_149 = arith.constant 9216 : i32
      %dma_start3A_150 = tpu.memref_slice %arg6[%dma_start3A_149] : memref<10000xi32, #tpu.memory_space<vmem>> -> memref<128xi32, #tpu.memory_space<vmem>>
      %dma_start3A_151 = arith.constant 0 : i32
      %dma_start3A_152 = arith.constant 0 : i32
      %dma_start3A_153 = tpu.memref_slice %arg15[%dma_start3A_151, %dma_start3A_152] : memref<10240x32xf32, #tpu.memory_space<vmem_shared>> -> memref<10240x32xf32, #tpu.memory_space<vmem_shared>>
      tpu.enqueue_indirect_dma source(%arg9 : memref<128x32xf32, #tpu.memory_space<vmem>>) target(%dma_start3A_153 : memref<10240x32xf32, #tpu.memory_space<vmem_shared>>) offsets(%dma_start3A_150 : memref<128xi32, #tpu.memory_space<vmem>>) semaphore(%run_scoped3A : memref<!tpu.dma_semaphore, #tpu.memory_space<semaphore_mem>>) {add = true}
      %dma_wait3A_154 = arith.constant 9216 : i32
      %dma_wait3A_155 = tpu.memref_slice %arg6[%dma_wait3A_154] : memref<10000xi32, #tpu.memory_space<vmem>> -> memref<128xi32, #tpu.memory_space<vmem>>
      %dma_wait3A_156 = arith.constant 0 : i32
      %dma_wait3A_157 = arith.constant 0 : i32
      %dma_wait3A_158 = tpu.memref_slice %arg15[%dma_wait3A_156, %dma_wait3A_157] : memref<10240x32xf32, #tpu.memory_space<vmem_shared>> -> memref<10240x32xf32, #tpu.memory_space<vmem_shared>>
      tpu.wait_indirect_dma semaphore(%run_scoped3A : memref<!tpu.dma_semaphore, #tpu.memory_space<semaphore_mem>>) src(%arg9 : memref<128x32xf32, #tpu.memory_space<vmem>>) dst(%dma_wait3A_158 : memref<10240x32xf32, #tpu.memory_space<vmem_shared>>)
      tpu.yield
    }) : () -> ()
    %dma_wait3A_112 = arith.constant 9344 : i32
    %dma_wait3A_113 = tpu.memref_slice %arg5[%dma_wait3A_112] : memref<10000xi32, #tpu.memory_space<vmem>> -> memref<128xi32, #tpu.memory_space<vmem>>
    %dma_wait3A_114 = arith.constant 0 : i32
    %dma_wait3A_115 = arith.constant 0 : i32
    %dma_wait3A_116 = tpu.memref_slice %arg2[%dma_wait3A_114, %dma_wait3A_115] : memref<10000x32xf32, #tpu.memory_space<hbm>> -> memref<10000x32xf32, #tpu.memory_space<hbm>>
    tpu.wait_indirect_dma semaphore(%arg17 : memref<!tpu.dma_semaphore, #tpu.memory_space<semaphore_mem>>) src(%dma_wait3A_116 : memref<10000x32xf32, #tpu.memory_space<hbm>>) dst(%arg10 : memref<128x32xf32, #tpu.memory_space<vmem>>)
    "tpu.region"() ({
      %run_scoped3A = tpu.sem_alloc : memref<!tpu.dma_semaphore, #tpu.memory_space<semaphore_mem>>
      %dma_start3A_149 = arith.constant 9344 : i32
      %dma_start3A_150 = tpu.memref_slice %arg6[%dma_start3A_149] : memref<10000xi32, #tpu.memory_space<vmem>> -> memref<128xi32, #tpu.memory_space<vmem>>
      %dma_start3A_151 = arith.constant 0 : i32
      %dma_start3A_152 = arith.constant 0 : i32
      %dma_start3A_153 = tpu.memref_slice %arg15[%dma_start3A_151, %dma_start3A_152] : memref<10240x32xf32, #tpu.memory_space<vmem_shared>> -> memref<10240x32xf32, #tpu.memory_space<vmem_shared>>
      tpu.enqueue_indirect_dma source(%arg10 : memref<128x32xf32, #tpu.memory_space<vmem>>) target(%dma_start3A_153 : memref<10240x32xf32, #tpu.memory_space<vmem_shared>>) offsets(%dma_start3A_150 : memref<128xi32, #tpu.memory_space<vmem>>) semaphore(%run_scoped3A : memref<!tpu.dma_semaphore, #tpu.memory_space<semaphore_mem>>) {add = true}
      %dma_wait3A_154 = arith.constant 9344 : i32
      %dma_wait3A_155 = tpu.memref_slice %arg6[%dma_wait3A_154] : memref<10000xi32, #tpu.memory_space<vmem>> -> memref<128xi32, #tpu.memory_space<vmem>>
      %dma_wait3A_156 = arith.constant 0 : i32
      %dma_wait3A_157 = arith.constant 0 : i32
      %dma_wait3A_158 = tpu.memref_slice %arg15[%dma_wait3A_156, %dma_wait3A_157] : memref<10240x32xf32, #tpu.memory_space<vmem_shared>> -> memref<10240x32xf32, #tpu.memory_space<vmem_shared>>
      tpu.wait_indirect_dma semaphore(%run_scoped3A : memref<!tpu.dma_semaphore, #tpu.memory_space<semaphore_mem>>) src(%arg10 : memref<128x32xf32, #tpu.memory_space<vmem>>) dst(%dma_wait3A_158 : memref<10240x32xf32, #tpu.memory_space<vmem_shared>>)
      tpu.yield
    }) : () -> ()
    %dma_wait3A_117 = arith.constant 9472 : i32
    %dma_wait3A_118 = tpu.memref_slice %arg5[%dma_wait3A_117] : memref<10000xi32, #tpu.memory_space<vmem>> -> memref<128xi32, #tpu.memory_space<vmem>>
    %dma_wait3A_119 = arith.constant 0 : i32
    %dma_wait3A_120 = arith.constant 0 : i32
    %dma_wait3A_121 = tpu.memref_slice %arg2[%dma_wait3A_119, %dma_wait3A_120] : memref<10000x32xf32, #tpu.memory_space<hbm>> -> memref<10000x32xf32, #tpu.memory_space<hbm>>
    tpu.wait_indirect_dma semaphore(%arg18 : memref<!tpu.dma_semaphore, #tpu.memory_space<semaphore_mem>>) src(%dma_wait3A_121 : memref<10000x32xf32, #tpu.memory_space<hbm>>) dst(%arg11 : memref<128x32xf32, #tpu.memory_space<vmem>>)
    "tpu.region"() ({
      %run_scoped3A = tpu.sem_alloc : memref<!tpu.dma_semaphore, #tpu.memory_space<semaphore_mem>>
      %dma_start3A_149 = arith.constant 9472 : i32
      %dma_start3A_150 = tpu.memref_slice %arg6[%dma_start3A_149] : memref<10000xi32, #tpu.memory_space<vmem>> -> memref<128xi32, #tpu.memory_space<vmem>>
      %dma_start3A_151 = arith.constant 0 : i32
      %dma_start3A_152 = arith.constant 0 : i32
      %dma_start3A_153 = tpu.memref_slice %arg15[%dma_start3A_151, %dma_start3A_152] : memref<10240x32xf32, #tpu.memory_space<vmem_shared>> -> memref<10240x32xf32, #tpu.memory_space<vmem_shared>>
      tpu.enqueue_indirect_dma source(%arg11 : memref<128x32xf32, #tpu.memory_space<vmem>>) target(%dma_start3A_153 : memref<10240x32xf32, #tpu.memory_space<vmem_shared>>) offsets(%dma_start3A_150 : memref<128xi32, #tpu.memory_space<vmem>>) semaphore(%run_scoped3A : memref<!tpu.dma_semaphore, #tpu.memory_space<semaphore_mem>>) {add = true}
      %dma_wait3A_154 = arith.constant 9472 : i32
      %dma_wait3A_155 = tpu.memref_slice %arg6[%dma_wait3A_154] : memref<10000xi32, #tpu.memory_space<vmem>> -> memref<128xi32, #tpu.memory_space<vmem>>
      %dma_wait3A_156 = arith.constant 0 : i32
      %dma_wait3A_157 = arith.constant 0 : i32
      %dma_wait3A_158 = tpu.memref_slice %arg15[%dma_wait3A_156, %dma_wait3A_157] : memref<10240x32xf32, #tpu.memory_space<vmem_shared>> -> memref<10240x32xf32, #tpu.memory_space<vmem_shared>>
      tpu.wait_indirect_dma semaphore(%run_scoped3A : memref<!tpu.dma_semaphore, #tpu.memory_space<semaphore_mem>>) src(%arg11 : memref<128x32xf32, #tpu.memory_space<vmem>>) dst(%dma_wait3A_158 : memref<10240x32xf32, #tpu.memory_space<vmem_shared>>)
      tpu.yield
    }) : () -> ()
    %dma_wait3A_122 = arith.constant 9600 : i32
    %dma_wait3A_123 = tpu.memref_slice %arg5[%dma_wait3A_122] : memref<10000xi32, #tpu.memory_space<vmem>> -> memref<128xi32, #tpu.memory_space<vmem>>
    %dma_wait3A_124 = arith.constant 0 : i32
    %dma_wait3A_125 = arith.constant 0 : i32
    %dma_wait3A_126 = tpu.memref_slice %arg2[%dma_wait3A_124, %dma_wait3A_125] : memref<10000x32xf32, #tpu.memory_space<hbm>> -> memref<10000x32xf32, #tpu.memory_space<hbm>>
    tpu.wait_indirect_dma semaphore(%arg19 : memref<!tpu.dma_semaphore, #tpu.memory_space<semaphore_mem>>) src(%dma_wait3A_126 : memref<10000x32xf32, #tpu.memory_space<hbm>>) dst(%arg12 : memref<128x32xf32, #tpu.memory_space<vmem>>)
    "tpu.region"() ({
      %run_scoped3A = tpu.sem_alloc : memref<!tpu.dma_semaphore, #tpu.memory_space<semaphore_mem>>
      %dma_start3A_149 = arith.constant 9600 : i32
      %dma_start3A_150 = tpu.memref_slice %arg6[%dma_start3A_149] : memref<10000xi32, #tpu.memory_space<vmem>> -> memref<128xi32, #tpu.memory_space<vmem>>
      %dma_start3A_151 = arith.constant 0 : i32
      %dma_start3A_152 = arith.constant 0 : i32
      %dma_start3A_153 = tpu.memref_slice %arg15[%dma_start3A_151, %dma_start3A_152] : memref<10240x32xf32, #tpu.memory_space<vmem_shared>> -> memref<10240x32xf32, #tpu.memory_space<vmem_shared>>
      tpu.enqueue_indirect_dma source(%arg12 : memref<128x32xf32, #tpu.memory_space<vmem>>) target(%dma_start3A_153 : memref<10240x32xf32, #tpu.memory_space<vmem_shared>>) offsets(%dma_start3A_150 : memref<128xi32, #tpu.memory_space<vmem>>) semaphore(%run_scoped3A : memref<!tpu.dma_semaphore, #tpu.memory_space<semaphore_mem>>) {add = true}
      %dma_wait3A_154 = arith.constant 9600 : i32
      %dma_wait3A_155 = tpu.memref_slice %arg6[%dma_wait3A_154] : memref<10000xi32, #tpu.memory_space<vmem>> -> memref<128xi32, #tpu.memory_space<vmem>>
      %dma_wait3A_156 = arith.constant 0 : i32
      %dma_wait3A_157 = arith.constant 0 : i32
      %dma_wait3A_158 = tpu.memref_slice %arg15[%dma_wait3A_156, %dma_wait3A_157] : memref<10240x32xf32, #tpu.memory_space<vmem_shared>> -> memref<10240x32xf32, #tpu.memory_space<vmem_shared>>
      tpu.wait_indirect_dma semaphore(%run_scoped3A : memref<!tpu.dma_semaphore, #tpu.memory_space<semaphore_mem>>) src(%arg12 : memref<128x32xf32, #tpu.memory_space<vmem>>) dst(%dma_wait3A_158 : memref<10240x32xf32, #tpu.memory_space<vmem_shared>>)
      tpu.yield
    }) : () -> ()
    %dma_wait3A_127 = arith.constant 9728 : i32
    %dma_wait3A_128 = tpu.memref_slice %arg5[%dma_wait3A_127] : memref<10000xi32, #tpu.memory_space<vmem>> -> memref<128xi32, #tpu.memory_space<vmem>>
    %dma_wait3A_129 = arith.constant 0 : i32
    %dma_wait3A_130 = arith.constant 0 : i32
    %dma_wait3A_131 = tpu.memref_slice %arg2[%dma_wait3A_129, %dma_wait3A_130] : memref<10000x32xf32, #tpu.memory_space<hbm>> -> memref<10000x32xf32, #tpu.memory_space<hbm>>
    tpu.wait_indirect_dma semaphore(%arg20 : memref<!tpu.dma_semaphore, #tpu.memory_space<semaphore_mem>>) src(%dma_wait3A_131 : memref<10000x32xf32, #tpu.memory_space<hbm>>) dst(%arg13 : memref<128x32xf32, #tpu.memory_space<vmem>>)
    "tpu.region"() ({
      %run_scoped3A = tpu.sem_alloc : memref<!tpu.dma_semaphore, #tpu.memory_space<semaphore_mem>>
      %dma_start3A_149 = arith.constant 9728 : i32
      %dma_start3A_150 = tpu.memref_slice %arg6[%dma_start3A_149] : memref<10000xi32, #tpu.memory_space<vmem>> -> memref<128xi32, #tpu.memory_space<vmem>>
      %dma_start3A_151 = arith.constant 0 : i32
      %dma_start3A_152 = arith.constant 0 : i32
      %dma_start3A_153 = tpu.memref_slice %arg15[%dma_start3A_151, %dma_start3A_152] : memref<10240x32xf32, #tpu.memory_space<vmem_shared>> -> memref<10240x32xf32, #tpu.memory_space<vmem_shared>>
      tpu.enqueue_indirect_dma source(%arg13 : memref<128x32xf32, #tpu.memory_space<vmem>>) target(%dma_start3A_153 : memref<10240x32xf32, #tpu.memory_space<vmem_shared>>) offsets(%dma_start3A_150 : memref<128xi32, #tpu.memory_space<vmem>>) semaphore(%run_scoped3A : memref<!tpu.dma_semaphore, #tpu.memory_space<semaphore_mem>>) {add = true}
      %dma_wait3A_154 = arith.constant 9728 : i32
      %dma_wait3A_155 = tpu.memref_slice %arg6[%dma_wait3A_154] : memref<10000xi32, #tpu.memory_space<vmem>> -> memref<128xi32, #tpu.memory_space<vmem>>
      %dma_wait3A_156 = arith.constant 0 : i32
      %dma_wait3A_157 = arith.constant 0 : i32
      %dma_wait3A_158 = tpu.memref_slice %arg15[%dma_wait3A_156, %dma_wait3A_157] : memref<10240x32xf32, #tpu.memory_space<vmem_shared>> -> memref<10240x32xf32, #tpu.memory_space<vmem_shared>>
      tpu.wait_indirect_dma semaphore(%run_scoped3A : memref<!tpu.dma_semaphore, #tpu.memory_space<semaphore_mem>>) src(%arg13 : memref<128x32xf32, #tpu.memory_space<vmem>>) dst(%dma_wait3A_158 : memref<10240x32xf32, #tpu.memory_space<vmem_shared>>)
      tpu.yield
    }) : () -> ()
    %dma_wait3A_132 = arith.constant 9856 : i32
    %dma_wait3A_133 = tpu.memref_slice %arg5[%dma_wait3A_132] : memref<10000xi32, #tpu.memory_space<vmem>> -> memref<128xi32, #tpu.memory_space<vmem>>
    %dma_wait3A_134 = arith.constant 0 : i32
    %dma_wait3A_135 = arith.constant 0 : i32
    %dma_wait3A_136 = tpu.memref_slice %arg2[%dma_wait3A_134, %dma_wait3A_135] : memref<10000x32xf32, #tpu.memory_space<hbm>> -> memref<10000x32xf32, #tpu.memory_space<hbm>>
    tpu.wait_indirect_dma semaphore(%arg21 : memref<!tpu.dma_semaphore, #tpu.memory_space<semaphore_mem>>) src(%dma_wait3A_136 : memref<10000x32xf32, #tpu.memory_space<hbm>>) dst(%arg14 : memref<128x32xf32, #tpu.memory_space<vmem>>)
    "tpu.region"() ({
      %run_scoped3A = tpu.sem_alloc : memref<!tpu.dma_semaphore, #tpu.memory_space<semaphore_mem>>
      %dma_start3A_149 = arith.constant 9856 : i32
      %dma_start3A_150 = tpu.memref_slice %arg6[%dma_start3A_149] : memref<10000xi32, #tpu.memory_space<vmem>> -> memref<128xi32, #tpu.memory_space<vmem>>
      %dma_start3A_151 = arith.constant 0 : i32
      %dma_start3A_152 = arith.constant 0 : i32
      %dma_start3A_153 = tpu.memref_slice %arg15[%dma_start3A_151, %dma_start3A_152] : memref<10240x32xf32, #tpu.memory_space<vmem_shared>> -> memref<10240x32xf32, #tpu.memory_space<vmem_shared>>
      tpu.enqueue_indirect_dma source(%arg14 : memref<128x32xf32, #tpu.memory_space<vmem>>) target(%dma_start3A_153 : memref<10240x32xf32, #tpu.memory_space<vmem_shared>>) offsets(%dma_start3A_150 : memref<128xi32, #tpu.memory_space<vmem>>) semaphore(%run_scoped3A : memref<!tpu.dma_semaphore, #tpu.memory_space<semaphore_mem>>) {add = true}
      %dma_wait3A_154 = arith.constant 9856 : i32
      %dma_wait3A_155 = tpu.memref_slice %arg6[%dma_wait3A_154] : memref<10000xi32, #tpu.memory_space<vmem>> -> memref<128xi32, #tpu.memory_space<vmem>>
      %dma_wait3A_156 = arith.constant 0 : i32
      %dma_wait3A_157 = arith.constant 0 : i32
      %dma_wait3A_158 = tpu.memref_slice %arg15[%dma_wait3A_156, %dma_wait3A_157] : memref<10240x32xf32, #tpu.memory_space<vmem_shared>> -> memref<10240x32xf32, #tpu.memory_space<vmem_shared>>
      tpu.wait_indirect_dma semaphore(%run_scoped3A : memref<!tpu.dma_semaphore, #tpu.memory_space<semaphore_mem>>) src(%arg14 : memref<128x32xf32, #tpu.memory_space<vmem>>) dst(%dma_wait3A_158 : memref<10240x32xf32, #tpu.memory_space<vmem_shared>>)
      tpu.yield
    }) : () -> ()
    %dma_wait3A_137 = arith.constant 9984 : i32
    %dma_wait3A_138 = tpu.memref_slice %arg5[%dma_wait3A_137] : memref<10000xi32, #tpu.memory_space<vmem>> -> memref<16xi32, #tpu.memory_space<vmem>>
    %dma_wait3A_139 = arith.constant 0 : i32
    %dma_wait3A_140 = arith.constant 0 : i32
    %dma_wait3A_141 = tpu.memref_slice %arg2[%dma_wait3A_139, %dma_wait3A_140] : memref<10000x32xf32, #tpu.memory_space<hbm>> -> memref<10000x32xf32, #tpu.memory_space<hbm>>
    tpu.wait_indirect_dma semaphore(%arg23 : memref<!tpu.dma_semaphore, #tpu.memory_space<semaphore_mem>>) src(%dma_wait3A_141 : memref<10000x32xf32, #tpu.memory_space<hbm>>) dst(%arg7 : memref<16x32xf32, #tpu.memory_space<vmem>>)
    "tpu.region"() ({
      %run_scoped3A = tpu.sem_alloc : memref<!tpu.dma_semaphore, #tpu.memory_space<semaphore_mem>>
      %dma_start3A_149 = arith.constant 9984 : i32
      %dma_start3A_150 = tpu.memref_slice %arg6[%dma_start3A_149] : memref<10000xi32, #tpu.memory_space<vmem>> -> memref<16xi32, #tpu.memory_space<vmem>>
      %dma_start3A_151 = arith.constant 0 : i32
      %dma_start3A_152 = arith.constant 0 : i32
      %dma_start3A_153 = tpu.memref_slice %arg15[%dma_start3A_151, %dma_start3A_152] : memref<10240x32xf32, #tpu.memory_space<vmem_shared>> -> memref<10240x32xf32, #tpu.memory_space<vmem_shared>>
      tpu.enqueue_indirect_dma source(%arg7 : memref<16x32xf32, #tpu.memory_space<vmem>>) target(%dma_start3A_153 : memref<10240x32xf32, #tpu.memory_space<vmem_shared>>) offsets(%dma_start3A_150 : memref<16xi32, #tpu.memory_space<vmem>>) semaphore(%run_scoped3A : memref<!tpu.dma_semaphore, #tpu.memory_space<semaphore_mem>>) {add = true}
      %dma_wait3A_154 = arith.constant 9984 : i32
      %dma_wait3A_155 = tpu.memref_slice %arg6[%dma_wait3A_154] : memref<10000xi32, #tpu.memory_space<vmem>> -> memref<16xi32, #tpu.memory_space<vmem>>
      %dma_wait3A_156 = arith.constant 0 : i32
      %dma_wait3A_157 = arith.constant 0 : i32
      %dma_wait3A_158 = tpu.memref_slice %arg15[%dma_wait3A_156, %dma_wait3A_157] : memref<10240x32xf32, #tpu.memory_space<vmem_shared>> -> memref<10240x32xf32, #tpu.memory_space<vmem_shared>>
      tpu.wait_indirect_dma semaphore(%run_scoped3A : memref<!tpu.dma_semaphore, #tpu.memory_space<semaphore_mem>>) src(%arg7 : memref<16x32xf32, #tpu.memory_space<vmem>>) dst(%dma_wait3A_158 : memref<10240x32xf32, #tpu.memory_space<vmem_shared>>)
      tpu.yield
    }) : () -> ()
    %barrier3A_142 = arith.constant 0 : index
    tpu.barrier barrier_id(%barrier3A_142)
    %lt3A = arith.constant 15 : i32
    %lt3A_143 = arith.cmpi slt, %arg1, %lt3A : i32
    %convert_element_type3A = arith.extui %lt3A_143 : i1 to i32
    %cond3A = arith.constant 0 : i32
    %cond3A_144 = arith.cmpi ne, %convert_element_type3A, %cond3A : i32
    scf.if %cond3A_144 {
      %mul3A_149 = arith.constant 640 : i32
      %mul3A_150 = arith.muli %arg1, %mul3A_149 : i32
      %mul3A_151 = arith.constant 640 : i32
      %mul3A_152 = arith.muli %arg1, %mul3A_151 : i32
      "tpu.region"() ({
        %run_scoped3A = tpu.sem_alloc : memref<!tpu.dma_semaphore, #tpu.memory_space<semaphore_mem>>
        %dma_start3A_153 = arith.constant 0 : i32
        %dma_start3A_154 = arith.constant 0 : i32
        %dma_start3A_155 = tpu.memref_slice %arg4[%arg0, %dma_start3A_153, %dma_start3A_154] : memref<2x10000x32xf32, #tpu.memory_space<hbm>> -> memref<1x10000x32xf32, #tpu.memory_space<hbm>>
        %dma_start3A_156 = tpu.memref_squeeze %dma_start3A_155 : memref<1x10000x32xf32, #tpu.memory_space<hbm>> -> memref<10000x32xf32, #tpu.memory_space<hbm>>
        %dma_start3A_157 = arith.constant 0 : i32
        %dma_start3A_158 = tpu.memref_slice %dma_start3A_156[%mul3A_152, %dma_start3A_157] : memref<10000x32xf32, #tpu.memory_space<hbm>> -> memref<640x32xf32, #tpu.memory_space<hbm>>
        %dma_start3A_159 = arith.constant 0 : i32
        %dma_start3A_160 = tpu.memref_slice %arg15[%mul3A_150, %dma_start3A_159] : memref<10240x32xf32, #tpu.memory_space<vmem_shared>> -> memref<640x32xf32, #tpu.memory_space<vmem_shared>>
        tpu.enqueue_dma source(%dma_start3A_160 : memref<640x32xf32, #tpu.memory_space<vmem_shared>>) target(%dma_start3A_158 : memref<640x32xf32, #tpu.memory_space<hbm>>) target_semaphore(%run_scoped3A : memref<!tpu.dma_semaphore, #tpu.memory_space<semaphore_mem>>)
        %dma_wait3A_161 = arith.constant 0 : i32
        %dma_wait3A_162 = arith.constant 0 : i32
        %dma_wait3A_163 = tpu.memref_slice %arg4[%arg0, %dma_wait3A_161, %dma_wait3A_162] : memref<2x10000x32xf32, #tpu.memory_space<hbm>> -> memref<1x10000x32xf32, #tpu.memory_space<hbm>>
        %dma_wait3A_164 = tpu.memref_squeeze %dma_wait3A_163 : memref<1x10000x32xf32, #tpu.memory_space<hbm>> -> memref<10000x32xf32, #tpu.memory_space<hbm>>
        %dma_wait3A_165 = arith.constant 0 : i32
        %dma_wait3A_166 = tpu.memref_slice %dma_wait3A_164[%mul3A_152, %dma_wait3A_165] : memref<10000x32xf32, #tpu.memory_space<hbm>> -> memref<640x32xf32, #tpu.memory_space<hbm>>
        %dma_wait3A_167 = arith.constant 0 : i32
        %dma_wait3A_168 = tpu.memref_slice %arg15[%mul3A_150, %dma_wait3A_167] : memref<10240x32xf32, #tpu.memory_space<vmem_shared>> -> memref<640x32xf32, #tpu.memory_space<vmem_shared>>
        tpu.wait_dma2 semaphore(%run_scoped3A : memref<!tpu.dma_semaphore, #tpu.memory_space<semaphore_mem>>) src(%dma_wait3A_168 : memref<640x32xf32, #tpu.memory_space<vmem_shared>>) dst(%dma_wait3A_166 : memref<640x32xf32, #tpu.memory_space<hbm>>)
        tpu.yield
      }) : () -> ()
    } else {
    }
    %eq3A = arith.constant 15 : i32
    %eq3A_145 = arith.cmpi eq, %arg1, %eq3A : i32
    %convert_element_type3A_146 = arith.extui %eq3A_145 : i1 to i32
    %cond3A_147 = arith.constant 0 : i32
    %cond3A_148 = arith.cmpi ne, %convert_element_type3A_146, %cond3A_147 : i32
    scf.if %cond3A_148 {
      "tpu.region"() ({
        %run_scoped3A = tpu.sem_alloc : memref<!tpu.dma_semaphore, #tpu.memory_space<semaphore_mem>>
        %dma_start3A_149 = arith.constant 0 : i32
        %dma_start3A_150 = arith.constant 0 : i32
        %dma_start3A_151 = tpu.memref_slice %arg4[%arg0, %dma_start3A_149, %dma_start3A_150] : memref<2x10000x32xf32, #tpu.memory_space<hbm>> -> memref<1x10000x32xf32, #tpu.memory_space<hbm>>
        %dma_start3A_152 = tpu.memref_squeeze %dma_start3A_151 : memref<1x10000x32xf32, #tpu.memory_space<hbm>> -> memref<10000x32xf32, #tpu.memory_space<hbm>>
        %dma_start3A_153 = arith.constant 9600 : i32
        %dma_start3A_154 = arith.constant 0 : i32
        %dma_start3A_155 = tpu.memref_slice %dma_start3A_152[%dma_start3A_153, %dma_start3A_154] : memref<10000x32xf32, #tpu.memory_space<hbm>> -> memref<400x32xf32, #tpu.memory_space<hbm>>
        %dma_start3A_156 = arith.constant 9600 : i32
        %dma_start3A_157 = arith.constant 0 : i32
        %dma_start3A_158 = tpu.memref_slice %arg15[%dma_start3A_156, %dma_start3A_157] : memref<10240x32xf32, #tpu.memory_space<vmem_shared>> -> memref<400x32xf32, #tpu.memory_space<vmem_shared>>
        tpu.enqueue_dma source(%dma_start3A_158 : memref<400x32xf32, #tpu.memory_space<vmem_shared>>) target(%dma_start3A_155 : memref<400x32xf32, #tpu.memory_space<hbm>>) target_semaphore(%run_scoped3A : memref<!tpu.dma_semaphore, #tpu.memory_space<semaphore_mem>>)
        %dma_wait3A_159 = arith.constant 0 : i32
        %dma_wait3A_160 = arith.constant 0 : i32
        %dma_wait3A_161 = tpu.memref_slice %arg4[%arg0, %dma_wait3A_159, %dma_wait3A_160] : memref<2x10000x32xf32, #tpu.memory_space<hbm>> -> memref<1x10000x32xf32, #tpu.memory_space<hbm>>
        %dma_wait3A_162 = tpu.memref_squeeze %dma_wait3A_161 : memref<1x10000x32xf32, #tpu.memory_space<hbm>> -> memref<10000x32xf32, #tpu.memory_space<hbm>>
        %dma_wait3A_163 = arith.constant 9600 : i32
        %dma_wait3A_164 = arith.constant 0 : i32
        %dma_wait3A_165 = tpu.memref_slice %dma_wait3A_162[%dma_wait3A_163, %dma_wait3A_164] : memref<10000x32xf32, #tpu.memory_space<hbm>> -> memref<400x32xf32, #tpu.memory_space<hbm>>
        %dma_wait3A_166 = arith.constant 9600 : i32
        %dma_wait3A_167 = arith.constant 0 : i32
        %dma_wait3A_168 = tpu.memref_slice %arg15[%dma_wait3A_166, %dma_wait3A_167] : memref<10240x32xf32, #tpu.memory_space<vmem_shared>> -> memref<400x32xf32, #tpu.memory_space<vmem_shared>>
        tpu.wait_dma2 semaphore(%run_scoped3A : memref<!tpu.dma_semaphore, #tpu.memory_space<semaphore_mem>>) src(%dma_wait3A_168 : memref<400x32xf32, #tpu.memory_space<vmem_shared>>) dst(%dma_wait3A_165 : memref<400x32xf32, #tpu.memory_space<hbm>>)
        tpu.yield
      }) : () -> ()
    } else {
    }
    return
  }
}

#map = affine_map<(d0, d1) -> (0, 0)>
#map1 = affine_map<(d0, d1) -> (0, 0, 0)>
module attributes {stable_mosaic.version = 14 : i64} {
  func.func @k(%arg0: i32, %arg1: i32, %arg2: memref<10000x48xf32, #tpu.memory_space<hbm>>, %arg3: memref<2x320000xi32, #tpu.memory_space<hbm>>, %arg4: memref<2x10000x48xf32, #tpu.memory_space<hbm>>, %arg5: memref<10000xi32, #tpu.memory_space<vmem>>, %arg6: memref<10000xi32, #tpu.memory_space<vmem>>, %arg7: memref<16x48xf32, #tpu.memory_space<vmem>>, %arg8: memref<128x48xf32, #tpu.memory_space<vmem>>, %arg9: memref<128x48xf32, #tpu.memory_space<vmem>>, %arg10: memref<128x48xf32, #tpu.memory_space<vmem>>, %arg11: memref<128x48xf32, #tpu.memory_space<vmem>>, %arg12: memref<128x48xf32, #tpu.memory_space<vmem>>, %arg13: memref<128x48xf32, #tpu.memory_space<vmem>>, %arg14: memref<128x48xf32, #tpu.memory_space<vmem>>, %arg15: memref<10240x48xf32, #tpu.memory_space<vmem_shared>>, %arg16: memref<!tpu.dma_semaphore, #tpu.memory_space<semaphore_mem>>, %arg17: memref<!tpu.dma_semaphore, #tpu.memory_space<semaphore_mem>>, %arg18: memref<!tpu.dma_semaphore, #tpu.memory_space<semaphore_mem>>, %arg19: memref<!tpu.dma_semaphore, #tpu.memory_space<semaphore_mem>>, %arg20: memref<!tpu.dma_semaphore, #tpu.memory_space<semaphore_mem>>, %arg21: memref<!tpu.dma_semaphore, #tpu.memory_space<semaphore_mem>>, %arg22: memref<!tpu.dma_semaphore, #tpu.memory_space<semaphore_mem>>, %arg23: memref<!tpu.dma_semaphore, #tpu.memory_space<semaphore_mem>>) attributes {dimension_semantics = [#tpu.dimension_semantics<core_parallel>, #tpu.dimension_semantics<subcore_parallel>], iteration_bounds = array<i64: 2, 16>, scalar_prefetch = 0 : i64, scratch_operands = 19 : i64, tpu.core_type = #tpu.core_type<sc_vector_subcore>, window_params = [{transform_indices = #map}, {transform_indices = #map}, {transform_indices = #map1}]} {
    %mul3A = arith.constant 16 : i32
    %mul3A_0 = arith.muli %arg0, %mul3A : i32
    %add3A = arith.addi %mul3A_0, %arg1 : i32
    %mul3A_1 = arith.constant 10000 : i32
    %mul3A_2 = arith.muli %add3A, %mul3A_1 : i32
    %dma_start3A = arith.constant 0 : i32
    %dma_start3A_3 = arith.constant 0 : i32
    %dma_start3A_4 = tpu.memref_slice %arg3[%dma_start3A, %dma_start3A_3] : memref<2x320000xi32, #tpu.memory_space<hbm>> -> memref<1x320000xi32, #tpu.memory_space<hbm>>
    %dma_start3A_5 = tpu.memref_squeeze %dma_start3A_4 : memref<1x320000xi32, #tpu.memory_space<hbm>> -> memref<320000xi32, #tpu.memory_space<hbm>>
    %dma_start3A_6 = tpu.memref_slice %dma_start3A_5[%mul3A_2] : memref<320000xi32, #tpu.memory_space<hbm>> -> memref<10000xi32, #tpu.memory_space<hbm>>
    %dma_start3A_7 = arith.constant 0 : i32
    %dma_start3A_8 = tpu.memref_slice %arg3[%dma_start3A, %dma_start3A_7] : memref<2x320000xi32, #tpu.memory_space<hbm>> -> memref<1x320000xi32, #tpu.memory_space<hbm>>
    %dma_start3A_9 = tpu.memref_squeeze %dma_start3A_8 : memref<1x320000xi32, #tpu.memory_space<hbm>> -> memref<320000xi32, #tpu.memory_space<hbm>>
    %dma_start3A_10 = tpu.memref_slice %dma_start3A_9[%mul3A_2] : memref<320000xi32, #tpu.memory_space<hbm>> -> memref<10000xi32, #tpu.memory_space<hbm>>
    tpu.enqueue_dma source(%dma_start3A_10 : memref<10000xi32, #tpu.memory_space<hbm>>) target(%arg5 : memref<10000xi32, #tpu.memory_space<vmem>>) target_semaphore(%arg22 : memref<!tpu.dma_semaphore, #tpu.memory_space<semaphore_mem>>)
    %mul3A_11 = arith.constant 10000 : i32
    %mul3A_12 = arith.muli %add3A, %mul3A_11 : i32
    %dma_start3A_13 = arith.constant 1 : i32
    %dma_start3A_14 = arith.constant 0 : i32
    %dma_start3A_15 = tpu.memref_slice %arg3[%dma_start3A_13, %dma_start3A_14] : memref<2x320000xi32, #tpu.memory_space<hbm>> -> memref<1x320000xi32, #tpu.memory_space<hbm>>
    %dma_start3A_16 = tpu.memref_squeeze %dma_start3A_15 : memref<1x320000xi32, #tpu.memory_space<hbm>> -> memref<320000xi32, #tpu.memory_space<hbm>>
    %dma_start3A_17 = tpu.memref_slice %dma_start3A_16[%mul3A_12] : memref<320000xi32, #tpu.memory_space<hbm>> -> memref<10000xi32, #tpu.memory_space<hbm>>
    %dma_start3A_18 = arith.constant 0 : i32
    %dma_start3A_19 = tpu.memref_slice %arg3[%dma_start3A_13, %dma_start3A_18] : memref<2x320000xi32, #tpu.memory_space<hbm>> -> memref<1x320000xi32, #tpu.memory_space<hbm>>
    %dma_start3A_20 = tpu.memref_squeeze %dma_start3A_19 : memref<1x320000xi32, #tpu.memory_space<hbm>> -> memref<320000xi32, #tpu.memory_space<hbm>>
    %dma_start3A_21 = tpu.memref_slice %dma_start3A_20[%mul3A_12] : memref<320000xi32, #tpu.memory_space<hbm>> -> memref<10000xi32, #tpu.memory_space<hbm>>
    tpu.enqueue_dma source(%dma_start3A_21 : memref<10000xi32, #tpu.memory_space<hbm>>) target(%arg6 : memref<10000xi32, #tpu.memory_space<vmem>>) target_semaphore(%arg22 : memref<!tpu.dma_semaphore, #tpu.memory_space<semaphore_mem>>)
    %scan3A = arith.constant 0 : i32
    %scan3A_22 = arith.constant 128 : i32
    %scan3A_23 = arith.addi %scan3A, %scan3A_22 : i32
    %scan3A_24 = arith.constant 1 : i32
    scf.for %scan3A_149 = %scan3A to %scan3A_23 step %scan3A_24  : i32 {
      %mul3A_150 = arith.constant 1 : i32
      %mul3A_151 = arith.muli %scan3A_149, %mul3A_150 : i32
      %add3A_152 = arith.constant 0 : i32
      %add3A_153 = arith.addi %add3A_152, %mul3A_151 : i32
      %broadcast_in_dim3A = arith.constant 0.000000e+00 : f32
      %broadcast_in_dim3A_154 = vector.broadcast %broadcast_in_dim3A : f32 to vector<16xf32>
      %swap3A = arith.index_cast %add3A_153 : i32 to index
      %swap3A_155 = arith.constant 0 : index
      %swap3A_156 = tpu.vector_load %arg8[%swap3A, %swap3A_155] {strides = array<i32>} : memref<128x48xf32, #tpu.memory_space<vmem>>, vector<1x16xf32>,
      %swap3A_157 = vector.shape_cast %swap3A_156 : vector<1x16xf32> to vector<16xf32>
      %swap3A_158 = vector.shape_cast %broadcast_in_dim3A_154 : vector<16xf32> to vector<1x16xf32>
      tpu.vector_store %arg8[%swap3A, %swap3A_155], %swap3A_158 {strides = array<i32>} : memref<128x48xf32, #tpu.memory_space<vmem>>, vector<1x16xf32>,
      %broadcast_in_dim3A_159 = arith.constant 0.000000e+00 : f32
      %broadcast_in_dim3A_160 = vector.broadcast %broadcast_in_dim3A_159 : f32 to vector<16xf32>
      %swap3A_161 = arith.index_cast %add3A_153 : i32 to index
      %swap3A_162 = arith.constant 16 : index
      %swap3A_163 = tpu.vector_load %arg8[%swap3A_161, %swap3A_162] {strides = array<i32>} : memref<128x48xf32, #tpu.memory_space<vmem>>, vector<1x16xf32>,
      %swap3A_164 = vector.shape_cast %swap3A_163 : vector<1x16xf32> to vector<16xf32>
      %swap3A_165 = vector.shape_cast %broadcast_in_dim3A_160 : vector<16xf32> to vector<1x16xf32>
      tpu.vector_store %arg8[%swap3A_161, %swap3A_162], %swap3A_165 {strides = array<i32>} : memref<128x48xf32, #tpu.memory_space<vmem>>, vector<1x16xf32>,
      %broadcast_in_dim3A_166 = arith.constant 0.000000e+00 : f32
      %broadcast_in_dim3A_167 = vector.broadcast %broadcast_in_dim3A_166 : f32 to vector<16xf32>
      %swap3A_168 = arith.index_cast %add3A_153 : i32 to index
      %swap3A_169 = arith.constant 32 : index
      %swap3A_170 = tpu.vector_load %arg8[%swap3A_168, %swap3A_169] {strides = array<i32>} : memref<128x48xf32, #tpu.memory_space<vmem>>, vector<1x16xf32>,
      %swap3A_171 = vector.shape_cast %swap3A_170 : vector<1x16xf32> to vector<16xf32>
      %swap3A_172 = vector.shape_cast %broadcast_in_dim3A_167 : vector<16xf32> to vector<1x16xf32>
      tpu.vector_store %arg8[%swap3A_168, %swap3A_169], %swap3A_172 {strides = array<i32>} : memref<128x48xf32, #tpu.memory_space<vmem>>, vector<1x16xf32>,
    }
    %scan3A_25 = arith.constant 128 : i32
    %mul3A_26 = arith.constant 640 : i32
    %mul3A_27 = arith.muli %arg1, %mul3A_26 : i32
    %add3A_28 = arith.constant 0 : i32
    %add3A_29 = arith.addi %mul3A_27, %add3A_28 : i32
    "tpu.region"() ({
      %run_scoped3A = tpu.sem_alloc : memref<!tpu.dma_semaphore, #tpu.memory_space<semaphore_mem>>
      %dma_start3A_149 = arith.constant 0 : i32
      %dma_start3A_150 = tpu.memref_slice %arg15[%add3A_29, %dma_start3A_149] : memref<10240x48xf32, #tpu.memory_space<vmem_shared>> -> memref<128x48xf32, #tpu.memory_space<vmem_shared>>
      %dma_start3A_151 = arith.constant 0 : i32
      %dma_start3A_152 = tpu.memref_slice %arg15[%add3A_29, %dma_start3A_151] : memref<10240x48xf32, #tpu.memory_space<vmem_shared>> -> memref<128x48xf32, #tpu.memory_space<vmem_shared>>
      tpu.enqueue_dma source(%arg8 : memref<128x48xf32, #tpu.memory_space<vmem>>) target(%dma_start3A_152 : memref<128x48xf32, #tpu.memory_space<vmem_shared>>) target_semaphore(%run_scoped3A : memref<!tpu.dma_semaphore, #tpu.memory_space<semaphore_mem>>)
      %dma_wait3A_153 = arith.constant 0 : i32
      %dma_wait3A_154 = tpu.memref_slice %arg15[%add3A_29, %dma_wait3A_153] : memref<10240x48xf32, #tpu.memory_space<vmem_shared>> -> memref<128x48xf32, #tpu.memory_space<vmem_shared>>
      %dma_wait3A_155 = arith.constant 0 : i32
      %dma_wait3A_156 = tpu.memref_slice %arg15[%add3A_29, %dma_wait3A_155] : memref<10240x48xf32, #tpu.memory_space<vmem_shared>> -> memref<128x48xf32, #tpu.memory_space<vmem_shared>>
      tpu.wait_dma2 semaphore(%run_scoped3A : memref<!tpu.dma_semaphore, #tpu.memory_space<semaphore_mem>>) src(%arg8 : memref<128x48xf32, #tpu.memory_space<vmem>>) dst(%dma_wait3A_156 : memref<128x48xf32, #tpu.memory_space<vmem_shared>>)
      tpu.yield
    }) : () -> ()
    %mul3A_30 = arith.constant 640 : i32
    %mul3A_31 = arith.muli %arg1, %mul3A_30 : i32
    %add3A_32 = arith.constant 128 : i32
    %add3A_33 = arith.addi %mul3A_31, %add3A_32 : i32
    "tpu.region"() ({
      %run_scoped3A = tpu.sem_alloc : memref<!tpu.dma_semaphore, #tpu.memory_space<semaphore_mem>>
      %dma_start3A_149 = arith.constant 0 : i32
      %dma_start3A_150 = tpu.memref_slice %arg15[%add3A_33, %dma_start3A_149] : memref<10240x48xf32, #tpu.memory_space<vmem_shared>> -> memref<128x48xf32, #tpu.memory_space<vmem_shared>>
      %dma_start3A_151 = arith.constant 0 : i32
      %dma_start3A_152 = tpu.memref_slice %arg15[%add3A_33, %dma_start3A_151] : memref<10240x48xf32, #tpu.memory_space<vmem_shared>> -> memref<128x48xf32, #tpu.memory_space<vmem_shared>>
      tpu.enqueue_dma source(%arg8 : memref<128x48xf32, #tpu.memory_space<vmem>>) target(%dma_start3A_152 : memref<128x48xf32, #tpu.memory_space<vmem_shared>>) target_semaphore(%run_scoped3A : memref<!tpu.dma_semaphore, #tpu.memory_space<semaphore_mem>>)
      %dma_wait3A_153 = arith.constant 0 : i32
      %dma_wait3A_154 = tpu.memref_slice %arg15[%add3A_33, %dma_wait3A_153] : memref<10240x48xf32, #tpu.memory_space<vmem_shared>> -> memref<128x48xf32, #tpu.memory_space<vmem_shared>>
      %dma_wait3A_155 = arith.constant 0 : i32
      %dma_wait3A_156 = tpu.memref_slice %arg15[%add3A_33, %dma_wait3A_155] : memref<10240x48xf32, #tpu.memory_space<vmem_shared>> -> memref<128x48xf32, #tpu.memory_space<vmem_shared>>
      tpu.wait_dma2 semaphore(%run_scoped3A : memref<!tpu.dma_semaphore, #tpu.memory_space<semaphore_mem>>) src(%arg8 : memref<128x48xf32, #tpu.memory_space<vmem>>) dst(%dma_wait3A_156 : memref<128x48xf32, #tpu.memory_space<vmem_shared>>)
      tpu.yield
    }) : () -> ()
    %mul3A_34 = arith.constant 640 : i32
    %mul3A_35 = arith.muli %arg1, %mul3A_34 : i32
    %add3A_36 = arith.constant 256 : i32
    %add3A_37 = arith.addi %mul3A_35, %add3A_36 : i32
    "tpu.region"() ({
      %run_scoped3A = tpu.sem_alloc : memref<!tpu.dma_semaphore, #tpu.memory_space<semaphore_mem>>
      %dma_start3A_149 = arith.constant 0 : i32
      %dma_start3A_150 = tpu.memref_slice %arg15[%add3A_37, %dma_start3A_149] : memref<10240x48xf32, #tpu.memory_space<vmem_shared>> -> memref<128x48xf32, #tpu.memory_space<vmem_shared>>
      %dma_start3A_151 = arith.constant 0 : i32
      %dma_start3A_152 = tpu.memref_slice %arg15[%add3A_37, %dma_start3A_151] : memref<10240x48xf32, #tpu.memory_space<vmem_shared>> -> memref<128x48xf32, #tpu.memory_space<vmem_shared>>
      tpu.enqueue_dma source(%arg8 : memref<128x48xf32, #tpu.memory_space<vmem>>) target(%dma_start3A_152 : memref<128x48xf32, #tpu.memory_space<vmem_shared>>) target_semaphore(%run_scoped3A : memref<!tpu.dma_semaphore, #tpu.memory_space<semaphore_mem>>)
      %dma_wait3A_153 = arith.constant 0 : i32
      %dma_wait3A_154 = tpu.memref_slice %arg15[%add3A_37, %dma_wait3A_153] : memref<10240x48xf32, #tpu.memory_space<vmem_shared>> -> memref<128x48xf32, #tpu.memory_space<vmem_shared>>
      %dma_wait3A_155 = arith.constant 0 : i32
      %dma_wait3A_156 = tpu.memref_slice %arg15[%add3A_37, %dma_wait3A_155] : memref<10240x48xf32, #tpu.memory_space<vmem_shared>> -> memref<128x48xf32, #tpu.memory_space<vmem_shared>>
      tpu.wait_dma2 semaphore(%run_scoped3A : memref<!tpu.dma_semaphore, #tpu.memory_space<semaphore_mem>>) src(%arg8 : memref<128x48xf32, #tpu.memory_space<vmem>>) dst(%dma_wait3A_156 : memref<128x48xf32, #tpu.memory_space<vmem_shared>>)
      tpu.yield
    }) : () -> ()
    %mul3A_38 = arith.constant 640 : i32
    %mul3A_39 = arith.muli %arg1, %mul3A_38 : i32
    %add3A_40 = arith.constant 384 : i32
    %add3A_41 = arith.addi %mul3A_39, %add3A_40 : i32
    "tpu.region"() ({
      %run_scoped3A = tpu.sem_alloc : memref<!tpu.dma_semaphore, #tpu.memory_space<semaphore_mem>>
      %dma_start3A_149 = arith.constant 0 : i32
      %dma_start3A_150 = tpu.memref_slice %arg15[%add3A_41, %dma_start3A_149] : memref<10240x48xf32, #tpu.memory_space<vmem_shared>> -> memref<128x48xf32, #tpu.memory_space<vmem_shared>>
      %dma_start3A_151 = arith.constant 0 : i32
      %dma_start3A_152 = tpu.memref_slice %arg15[%add3A_41, %dma_start3A_151] : memref<10240x48xf32, #tpu.memory_space<vmem_shared>> -> memref<128x48xf32, #tpu.memory_space<vmem_shared>>
      tpu.enqueue_dma source(%arg8 : memref<128x48xf32, #tpu.memory_space<vmem>>) target(%dma_start3A_152 : memref<128x48xf32, #tpu.memory_space<vmem_shared>>) target_semaphore(%run_scoped3A : memref<!tpu.dma_semaphore, #tpu.memory_space<semaphore_mem>>)
      %dma_wait3A_153 = arith.constant 0 : i32
      %dma_wait3A_154 = tpu.memref_slice %arg15[%add3A_41, %dma_wait3A_153] : memref<10240x48xf32, #tpu.memory_space<vmem_shared>> -> memref<128x48xf32, #tpu.memory_space<vmem_shared>>
      %dma_wait3A_155 = arith.constant 0 : i32
      %dma_wait3A_156 = tpu.memref_slice %arg15[%add3A_41, %dma_wait3A_155] : memref<10240x48xf32, #tpu.memory_space<vmem_shared>> -> memref<128x48xf32, #tpu.memory_space<vmem_shared>>
      tpu.wait_dma2 semaphore(%run_scoped3A : memref<!tpu.dma_semaphore, #tpu.memory_space<semaphore_mem>>) src(%arg8 : memref<128x48xf32, #tpu.memory_space<vmem>>) dst(%dma_wait3A_156 : memref<128x48xf32, #tpu.memory_space<vmem_shared>>)
      tpu.yield
    }) : () -> ()
    %mul3A_42 = arith.constant 640 : i32
    %mul3A_43 = arith.muli %arg1, %mul3A_42 : i32
    %add3A_44 = arith.constant 512 : i32
    %add3A_45 = arith.addi %mul3A_43, %add3A_44 : i32
    "tpu.region"() ({
      %run_scoped3A = tpu.sem_alloc : memref<!tpu.dma_semaphore, #tpu.memory_space<semaphore_mem>>
      %dma_start3A_149 = arith.constant 0 : i32
      %dma_start3A_150 = tpu.memref_slice %arg15[%add3A_45, %dma_start3A_149] : memref<10240x48xf32, #tpu.memory_space<vmem_shared>> -> memref<128x48xf32, #tpu.memory_space<vmem_shared>>
      %dma_start3A_151 = arith.constant 0 : i32
      %dma_start3A_152 = tpu.memref_slice %arg15[%add3A_45, %dma_start3A_151] : memref<10240x48xf32, #tpu.memory_space<vmem_shared>> -> memref<128x48xf32, #tpu.memory_space<vmem_shared>>
      tpu.enqueue_dma source(%arg8 : memref<128x48xf32, #tpu.memory_space<vmem>>) target(%dma_start3A_152 : memref<128x48xf32, #tpu.memory_space<vmem_shared>>) target_semaphore(%run_scoped3A : memref<!tpu.dma_semaphore, #tpu.memory_space<semaphore_mem>>)
      %dma_wait3A_153 = arith.constant 0 : i32
      %dma_wait3A_154 = tpu.memref_slice %arg15[%add3A_45, %dma_wait3A_153] : memref<10240x48xf32, #tpu.memory_space<vmem_shared>> -> memref<128x48xf32, #tpu.memory_space<vmem_shared>>
      %dma_wait3A_155 = arith.constant 0 : i32
      %dma_wait3A_156 = tpu.memref_slice %arg15[%add3A_45, %dma_wait3A_155] : memref<10240x48xf32, #tpu.memory_space<vmem_shared>> -> memref<128x48xf32, #tpu.memory_space<vmem_shared>>
      tpu.wait_dma2 semaphore(%run_scoped3A : memref<!tpu.dma_semaphore, #tpu.memory_space<semaphore_mem>>) src(%arg8 : memref<128x48xf32, #tpu.memory_space<vmem>>) dst(%dma_wait3A_156 : memref<128x48xf32, #tpu.memory_space<vmem_shared>>)
      tpu.yield
    }) : () -> ()
    %mul3A_46 = arith.constant 10000 : i32
    %mul3A_47 = arith.muli %add3A, %mul3A_46 : i32
    %dma_wait3A = arith.constant 0 : i32
    %dma_wait3A_48 = arith.constant 0 : i32
    %dma_wait3A_49 = tpu.memref_slice %arg3[%dma_wait3A, %dma_wait3A_48] : memref<2x320000xi32, #tpu.memory_space<hbm>> -> memref<1x320000xi32, #tpu.memory_space<hbm>>
    %dma_wait3A_50 = tpu.memref_squeeze %dma_wait3A_49 : memref<1x320000xi32, #tpu.memory_space<hbm>> -> memref<320000xi32, #tpu.memory_space<hbm>>
    %dma_wait3A_51 = tpu.memref_slice %dma_wait3A_50[%mul3A_47] : memref<320000xi32, #tpu.memory_space<hbm>> -> memref<10000xi32, #tpu.memory_space<hbm>>
    %dma_wait3A_52 = arith.constant 0 : i32
    %dma_wait3A_53 = tpu.memref_slice %arg3[%dma_wait3A, %dma_wait3A_52] : memref<2x320000xi32, #tpu.memory_space<hbm>> -> memref<1x320000xi32, #tpu.memory_space<hbm>>
    %dma_wait3A_54 = tpu.memref_squeeze %dma_wait3A_53 : memref<1x320000xi32, #tpu.memory_space<hbm>> -> memref<320000xi32, #tpu.memory_space<hbm>>
    %dma_wait3A_55 = tpu.memref_slice %dma_wait3A_54[%mul3A_47] : memref<320000xi32, #tpu.memory_space<hbm>> -> memref<10000xi32, #tpu.memory_space<hbm>>
    tpu.wait_dma2 semaphore(%arg22 : memref<!tpu.dma_semaphore, #tpu.memory_space<semaphore_mem>>) src(%dma_wait3A_55 : memref<10000xi32, #tpu.memory_space<hbm>>) dst(%arg5 : memref<10000xi32, #tpu.memory_space<vmem>>)
    %mul3A_56 = arith.constant 10000 : i32
    %mul3A_57 = arith.muli %add3A, %mul3A_56 : i32
    %dma_wait3A_58 = arith.constant 1 : i32
    %dma_wait3A_59 = arith.constant 0 : i32
    %dma_wait3A_60 = tpu.memref_slice %arg3[%dma_wait3A_58, %dma_wait3A_59] : memref<2x320000xi32, #tpu.memory_space<hbm>> -> memref<1x320000xi32, #tpu.memory_space<hbm>>
    %dma_wait3A_61 = tpu.memref_squeeze %dma_wait3A_60 : memref<1x320000xi32, #tpu.memory_space<hbm>> -> memref<320000xi32, #tpu.memory_space<hbm>>
    %dma_wait3A_62 = tpu.memref_slice %dma_wait3A_61[%mul3A_57] : memref<320000xi32, #tpu.memory_space<hbm>> -> memref<10000xi32, #tpu.memory_space<hbm>>
    %dma_wait3A_63 = arith.constant 0 : i32
    %dma_wait3A_64 = tpu.memref_slice %arg3[%dma_wait3A_58, %dma_wait3A_63] : memref<2x320000xi32, #tpu.memory_space<hbm>> -> memref<1x320000xi32, #tpu.memory_space<hbm>>
    %dma_wait3A_65 = tpu.memref_squeeze %dma_wait3A_64 : memref<1x320000xi32, #tpu.memory_space<hbm>> -> memref<320000xi32, #tpu.memory_space<hbm>>
    %dma_wait3A_66 = tpu.memref_slice %dma_wait3A_65[%mul3A_57] : memref<320000xi32, #tpu.memory_space<hbm>> -> memref<10000xi32, #tpu.memory_space<hbm>>
    tpu.wait_dma2 semaphore(%arg22 : memref<!tpu.dma_semaphore, #tpu.memory_space<semaphore_mem>>) src(%dma_wait3A_66 : memref<10000xi32, #tpu.memory_space<hbm>>) dst(%arg6 : memref<10000xi32, #tpu.memory_space<vmem>>)
    %barrier3A = arith.constant 0 : index
    tpu.barrier barrier_id(%barrier3A)
    %dma_start3A_67 = arith.constant 0 : i32
    %dma_start3A_68 = tpu.memref_slice %arg5[%dma_start3A_67] : memref<10000xi32, #tpu.memory_space<vmem>> -> memref<128xi32, #tpu.memory_space<vmem>>
    %dma_start3A_69 = arith.constant 0 : i32
    %dma_start3A_70 = arith.constant 0 : i32
    %dma_start3A_71 = tpu.memref_slice %arg2[%dma_start3A_69, %dma_start3A_70] : memref<10000x48xf32, #tpu.memory_space<hbm>> -> memref<10000x48xf32, #tpu.memory_space<hbm>>
    tpu.enqueue_indirect_dma source(%dma_start3A_71 : memref<10000x48xf32, #tpu.memory_space<hbm>>) target(%arg9 : memref<128x48xf32, #tpu.memory_space<vmem>>) offsets(%dma_start3A_68 : memref<128xi32, #tpu.memory_space<vmem>>) semaphore(%arg16 : memref<!tpu.dma_semaphore, #tpu.memory_space<semaphore_mem>>)
    %dma_start3A_72 = arith.constant 128 : i32
    %dma_start3A_73 = tpu.memref_slice %arg5[%dma_start3A_72] : memref<10000xi32, #tpu.memory_space<vmem>> -> memref<128xi32, #tpu.memory_space<vmem>>
    %dma_start3A_74 = arith.constant 0 : i32
    %dma_start3A_75 = arith.constant 0 : i32
    %dma_start3A_76 = tpu.memref_slice %arg2[%dma_start3A_74, %dma_start3A_75] : memref<10000x48xf32, #tpu.memory_space<hbm>> -> memref<10000x48xf32, #tpu.memory_space<hbm>>
    tpu.enqueue_indirect_dma source(%dma_start3A_76 : memref<10000x48xf32, #tpu.memory_space<hbm>>) target(%arg10 : memref<128x48xf32, #tpu.memory_space<vmem>>) offsets(%dma_start3A_73 : memref<128xi32, #tpu.memory_space<vmem>>) semaphore(%arg17 : memref<!tpu.dma_semaphore, #tpu.memory_space<semaphore_mem>>)
    %dma_start3A_77 = arith.constant 256 : i32
    %dma_start3A_78 = tpu.memref_slice %arg5[%dma_start3A_77] : memref<10000xi32, #tpu.memory_space<vmem>> -> memref<128xi32, #tpu.memory_space<vmem>>
    %dma_start3A_79 = arith.constant 0 : i32
    %dma_start3A_80 = arith.constant 0 : i32
    %dma_start3A_81 = tpu.memref_slice %arg2[%dma_start3A_79, %dma_start3A_80] : memref<10000x48xf32, #tpu.memory_space<hbm>> -> memref<10000x48xf32, #tpu.memory_space<hbm>>
    tpu.enqueue_indirect_dma source(%dma_start3A_81 : memref<10000x48xf32, #tpu.memory_space<hbm>>) target(%arg11 : memref<128x48xf32, #tpu.memory_space<vmem>>) offsets(%dma_start3A_78 : memref<128xi32, #tpu.memory_space<vmem>>) semaphore(%arg18 : memref<!tpu.dma_semaphore, #tpu.memory_space<semaphore_mem>>)
    %dma_start3A_82 = arith.constant 384 : i32
    %dma_start3A_83 = tpu.memref_slice %arg5[%dma_start3A_82] : memref<10000xi32, #tpu.memory_space<vmem>> -> memref<128xi32, #tpu.memory_space<vmem>>
    %dma_start3A_84 = arith.constant 0 : i32
    %dma_start3A_85 = arith.constant 0 : i32
    %dma_start3A_86 = tpu.memref_slice %arg2[%dma_start3A_84, %dma_start3A_85] : memref<10000x48xf32, #tpu.memory_space<hbm>> -> memref<10000x48xf32, #tpu.memory_space<hbm>>
    tpu.enqueue_indirect_dma source(%dma_start3A_86 : memref<10000x48xf32, #tpu.memory_space<hbm>>) target(%arg12 : memref<128x48xf32, #tpu.memory_space<vmem>>) offsets(%dma_start3A_83 : memref<128xi32, #tpu.memory_space<vmem>>) semaphore(%arg19 : memref<!tpu.dma_semaphore, #tpu.memory_space<semaphore_mem>>)
    %dma_start3A_87 = arith.constant 512 : i32
    %dma_start3A_88 = tpu.memref_slice %arg5[%dma_start3A_87] : memref<10000xi32, #tpu.memory_space<vmem>> -> memref<128xi32, #tpu.memory_space<vmem>>
    %dma_start3A_89 = arith.constant 0 : i32
    %dma_start3A_90 = arith.constant 0 : i32
    %dma_start3A_91 = tpu.memref_slice %arg2[%dma_start3A_89, %dma_start3A_90] : memref<10000x48xf32, #tpu.memory_space<hbm>> -> memref<10000x48xf32, #tpu.memory_space<hbm>>
    tpu.enqueue_indirect_dma source(%dma_start3A_91 : memref<10000x48xf32, #tpu.memory_space<hbm>>) target(%arg13 : memref<128x48xf32, #tpu.memory_space<vmem>>) offsets(%dma_start3A_88 : memref<128xi32, #tpu.memory_space<vmem>>) semaphore(%arg20 : memref<!tpu.dma_semaphore, #tpu.memory_space<semaphore_mem>>)
    %dma_start3A_92 = arith.constant 640 : i32
    %dma_start3A_93 = tpu.memref_slice %arg5[%dma_start3A_92] : memref<10000xi32, #tpu.memory_space<vmem>> -> memref<128xi32, #tpu.memory_space<vmem>>
    %dma_start3A_94 = arith.constant 0 : i32
    %dma_start3A_95 = arith.constant 0 : i32
    %dma_start3A_96 = tpu.memref_slice %arg2[%dma_start3A_94, %dma_start3A_95] : memref<10000x48xf32, #tpu.memory_space<hbm>> -> memref<10000x48xf32, #tpu.memory_space<hbm>>
    tpu.enqueue_indirect_dma source(%dma_start3A_96 : memref<10000x48xf32, #tpu.memory_space<hbm>>) target(%arg14 : memref<128x48xf32, #tpu.memory_space<vmem>>) offsets(%dma_start3A_93 : memref<128xi32, #tpu.memory_space<vmem>>) semaphore(%arg21 : memref<!tpu.dma_semaphore, #tpu.memory_space<semaphore_mem>>)
    %dma_start3A_97 = arith.constant 9984 : i32
    %dma_start3A_98 = tpu.memref_slice %arg5[%dma_start3A_97] : memref<10000xi32, #tpu.memory_space<vmem>> -> memref<16xi32, #tpu.memory_space<vmem>>
    %dma_start3A_99 = arith.constant 0 : i32
    %dma_start3A_100 = arith.constant 0 : i32
    %dma_start3A_101 = tpu.memref_slice %arg2[%dma_start3A_99, %dma_start3A_100] : memref<10000x48xf32, #tpu.memory_space<hbm>> -> memref<10000x48xf32, #tpu.memory_space<hbm>>
    tpu.enqueue_indirect_dma source(%dma_start3A_101 : memref<10000x48xf32, #tpu.memory_space<hbm>>) target(%arg7 : memref<16x48xf32, #tpu.memory_space<vmem>>) offsets(%dma_start3A_98 : memref<16xi32, #tpu.memory_space<vmem>>) semaphore(%arg23 : memref<!tpu.dma_semaphore, #tpu.memory_space<semaphore_mem>>)
    %scan3A_102 = arith.constant 0 : i32
    %scan3A_103 = arith.constant 12 : i32
    %scan3A_104 = arith.addi %scan3A_102, %scan3A_103 : i32
    %scan3A_105 = arith.constant 1 : i32
    scf.for %scan3A_149 = %scan3A_102 to %scan3A_104 step %scan3A_105  : i32 {
      %mul3A_150 = arith.constant 6 : i32
      %mul3A_151 = arith.muli %scan3A_149, %mul3A_150 : i32
      %add3A_152 = arith.constant 0 : i32
      %add3A_153 = arith.addi %add3A_152, %mul3A_151 : i32
      %add3A_154 = arith.constant 0 : i32
      %add3A_155 = arith.addi %add3A_153, %add3A_154 : i32
      %mul3A_156 = arith.constant 128 : i32
      %mul3A_157 = arith.muli %add3A_155, %mul3A_156 : i32
      %dma_wait3A_158 = tpu.memref_slice %arg5[%mul3A_157] : memref<10000xi32, #tpu.memory_space<vmem>> -> memref<128xi32, #tpu.memory_space<vmem>>
      %dma_wait3A_159 = arith.constant 0 : i32
      %dma_wait3A_160 = arith.constant 0 : i32
      %dma_wait3A_161 = tpu.memref_slice %arg2[%dma_wait3A_159, %dma_wait3A_160] : memref<10000x48xf32, #tpu.memory_space<hbm>> -> memref<10000x48xf32, #tpu.memory_space<hbm>>
      tpu.wait_indirect_dma semaphore(%arg16 : memref<!tpu.dma_semaphore, #tpu.memory_space<semaphore_mem>>) src(%dma_wait3A_161 : memref<10000x48xf32, #tpu.memory_space<hbm>>) dst(%arg9 : memref<128x48xf32, #tpu.memory_space<vmem>>)
      %add3A_162 = arith.constant 0 : i32
      %add3A_163 = arith.addi %add3A_153, %add3A_162 : i32
      %mul3A_164 = arith.constant 128 : i32
      %mul3A_165 = arith.muli %add3A_163, %mul3A_164 : i32
      "tpu.region"() ({
        %run_scoped3A = tpu.sem_alloc : memref<!tpu.dma_semaphore, #tpu.memory_space<semaphore_mem>>
        %dma_start3A_286 = tpu.memref_slice %arg6[%mul3A_165] : memref<10000xi32, #tpu.memory_space<vmem>> -> memref<128xi32, #tpu.memory_space<vmem>>
        %dma_start3A_287 = arith.constant 0 : i32
        %dma_start3A_288 = arith.constant 0 : i32
        %dma_start3A_289 = tpu.memref_slice %arg15[%dma_start3A_287, %dma_start3A_288] : memref<10240x48xf32, #tpu.memory_space<vmem_shared>> -> memref<10240x48xf32, #tpu.memory_space<vmem_shared>>
        tpu.enqueue_indirect_dma source(%arg9 : memref<128x48xf32, #tpu.memory_space<vmem>>) target(%dma_start3A_289 : memref<10240x48xf32, #tpu.memory_space<vmem_shared>>) offsets(%dma_start3A_286 : memref<128xi32, #tpu.memory_space<vmem>>) semaphore(%run_scoped3A : memref<!tpu.dma_semaphore, #tpu.memory_space<semaphore_mem>>) {add = true}
        %dma_wait3A_290 = tpu.memref_slice %arg6[%mul3A_165] : memref<10000xi32, #tpu.memory_space<vmem>> -> memref<128xi32, #tpu.memory_space<vmem>>
        %dma_wait3A_291 = arith.constant 0 : i32
        %dma_wait3A_292 = arith.constant 0 : i32
        %dma_wait3A_293 = tpu.memref_slice %arg15[%dma_wait3A_291, %dma_wait3A_292] : memref<10240x48xf32, #tpu.memory_space<vmem_shared>> -> memref<10240x48xf32, #tpu.memory_space<vmem_shared>>
        tpu.wait_indirect_dma semaphore(%run_scoped3A : memref<!tpu.dma_semaphore, #tpu.memory_space<semaphore_mem>>) src(%arg9 : memref<128x48xf32, #tpu.memory_space<vmem>>) dst(%dma_wait3A_293 : memref<10240x48xf32, #tpu.memory_space<vmem_shared>>)
        tpu.yield
      }) : () -> ()
      %add3A_166 = arith.constant 6 : i32
      %add3A_167 = arith.addi %add3A_153, %add3A_166 : i32
      %add3A_168 = arith.constant 0 : i32
      %add3A_169 = arith.addi %add3A_167, %add3A_168 : i32
      %mul3A_170 = arith.constant 128 : i32
      %mul3A_171 = arith.muli %add3A_169, %mul3A_170 : i32
      %dma_start3A_172 = tpu.memref_slice %arg5[%mul3A_171] : memref<10000xi32, #tpu.memory_space<vmem>> -> memref<128xi32, #tpu.memory_space<vmem>>
      %dma_start3A_173 = arith.constant 0 : i32
      %dma_start3A_174 = arith.constant 0 : i32
      %dma_start3A_175 = tpu.memref_slice %arg2[%dma_start3A_173, %dma_start3A_174] : memref<10000x48xf32, #tpu.memory_space<hbm>> -> memref<10000x48xf32, #tpu.memory_space<hbm>>
      tpu.enqueue_indirect_dma source(%dma_start3A_175 : memref<10000x48xf32, #tpu.memory_space<hbm>>) target(%arg9 : memref<128x48xf32, #tpu.memory_space<vmem>>) offsets(%dma_start3A_172 : memref<128xi32, #tpu.memory_space<vmem>>) semaphore(%arg16 : memref<!tpu.dma_semaphore, #tpu.memory_space<semaphore_mem>>)
      %add3A_176 = arith.constant 1 : i32
      %add3A_177 = arith.addi %add3A_153, %add3A_176 : i32
      %mul3A_178 = arith.constant 128 : i32
      %mul3A_179 = arith.muli %add3A_177, %mul3A_178 : i32
      %dma_wait3A_180 = tpu.memref_slice %arg5[%mul3A_179] : memref<10000xi32, #tpu.memory_space<vmem>> -> memref<128xi32, #tpu.memory_space<vmem>>
      %dma_wait3A_181 = arith.constant 0 : i32
      %dma_wait3A_182 = arith.constant 0 : i32
      %dma_wait3A_183 = tpu.memref_slice %arg2[%dma_wait3A_181, %dma_wait3A_182] : memref<10000x48xf32, #tpu.memory_space<hbm>> -> memref<10000x48xf32, #tpu.memory_space<hbm>>
      tpu.wait_indirect_dma semaphore(%arg17 : memref<!tpu.dma_semaphore, #tpu.memory_space<semaphore_mem>>) src(%dma_wait3A_183 : memref<10000x48xf32, #tpu.memory_space<hbm>>) dst(%arg10 : memref<128x48xf32, #tpu.memory_space<vmem>>)
      %add3A_184 = arith.constant 1 : i32
      %add3A_185 = arith.addi %add3A_153, %add3A_184 : i32
      %mul3A_186 = arith.constant 128 : i32
      %mul3A_187 = arith.muli %add3A_185, %mul3A_186 : i32
      "tpu.region"() ({
        %run_scoped3A = tpu.sem_alloc : memref<!tpu.dma_semaphore, #tpu.memory_space<semaphore_mem>>
        %dma_start3A_286 = tpu.memref_slice %arg6[%mul3A_187] : memref<10000xi32, #tpu.memory_space<vmem>> -> memref<128xi32, #tpu.memory_space<vmem>>
        %dma_start3A_287 = arith.constant 0 : i32
        %dma_start3A_288 = arith.constant 0 : i32
        %dma_start3A_289 = tpu.memref_slice %arg15[%dma_start3A_287, %dma_start3A_288] : memref<10240x48xf32, #tpu.memory_space<vmem_shared>> -> memref<10240x48xf32, #tpu.memory_space<vmem_shared>>
        tpu.enqueue_indirect_dma source(%arg10 : memref<128x48xf32, #tpu.memory_space<vmem>>) target(%dma_start3A_289 : memref<10240x48xf32, #tpu.memory_space<vmem_shared>>) offsets(%dma_start3A_286 : memref<128xi32, #tpu.memory_space<vmem>>) semaphore(%run_scoped3A : memref<!tpu.dma_semaphore, #tpu.memory_space<semaphore_mem>>) {add = true}
        %dma_wait3A_290 = tpu.memref_slice %arg6[%mul3A_187] : memref<10000xi32, #tpu.memory_space<vmem>> -> memref<128xi32, #tpu.memory_space<vmem>>
        %dma_wait3A_291 = arith.constant 0 : i32
        %dma_wait3A_292 = arith.constant 0 : i32
        %dma_wait3A_293 = tpu.memref_slice %arg15[%dma_wait3A_291, %dma_wait3A_292] : memref<10240x48xf32, #tpu.memory_space<vmem_shared>> -> memref<10240x48xf32, #tpu.memory_space<vmem_shared>>
        tpu.wait_indirect_dma semaphore(%run_scoped3A : memref<!tpu.dma_semaphore, #tpu.memory_space<semaphore_mem>>) src(%arg10 : memref<128x48xf32, #tpu.memory_space<vmem>>) dst(%dma_wait3A_293 : memref<10240x48xf32, #tpu.memory_space<vmem_shared>>)
        tpu.yield
      }) : () -> ()
      %add3A_188 = arith.constant 6 : i32
      %add3A_189 = arith.addi %add3A_153, %add3A_188 : i32
      %add3A_190 = arith.constant 1 : i32
      %add3A_191 = arith.addi %add3A_189, %add3A_190 : i32
      %mul3A_192 = arith.constant 128 : i32
      %mul3A_193 = arith.muli %add3A_191, %mul3A_192 : i32
      %dma_start3A_194 = tpu.memref_slice %arg5[%mul3A_193] : memref<10000xi32, #tpu.memory_space<vmem>> -> memref<128xi32, #tpu.memory_space<vmem>>
      %dma_start3A_195 = arith.constant 0 : i32
      %dma_start3A_196 = arith.constant 0 : i32
      %dma_start3A_197 = tpu.memref_slice %arg2[%dma_start3A_195, %dma_start3A_196] : memref<10000x48xf32, #tpu.memory_space<hbm>> -> memref<10000x48xf32, #tpu.memory_space<hbm>>
      tpu.enqueue_indirect_dma source(%dma_start3A_197 : memref<10000x48xf32, #tpu.memory_space<hbm>>) target(%arg10 : memref<128x48xf32, #tpu.memory_space<vmem>>) offsets(%dma_start3A_194 : memref<128xi32, #tpu.memory_space<vmem>>) semaphore(%arg17 : memref<!tpu.dma_semaphore, #tpu.memory_space<semaphore_mem>>)
      %add3A_198 = arith.constant 2 : i32
      %add3A_199 = arith.addi %add3A_153, %add3A_198 : i32
      %mul3A_200 = arith.constant 128 : i32
      %mul3A_201 = arith.muli %add3A_199, %mul3A_200 : i32
      %dma_wait3A_202 = tpu.memref_slice %arg5[%mul3A_201] : memref<10000xi32, #tpu.memory_space<vmem>> -> memref<128xi32, #tpu.memory_space<vmem>>
      %dma_wait3A_203 = arith.constant 0 : i32
      %dma_wait3A_204 = arith.constant 0 : i32
      %dma_wait3A_205 = tpu.memref_slice %arg2[%dma_wait3A_203, %dma_wait3A_204] : memref<10000x48xf32, #tpu.memory_space<hbm>> -> memref<10000x48xf32, #tpu.memory_space<hbm>>
      tpu.wait_indirect_dma semaphore(%arg18 : memref<!tpu.dma_semaphore, #tpu.memory_space<semaphore_mem>>) src(%dma_wait3A_205 : memref<10000x48xf32, #tpu.memory_space<hbm>>) dst(%arg11 : memref<128x48xf32, #tpu.memory_space<vmem>>)
      %add3A_206 = arith.constant 2 : i32
      %add3A_207 = arith.addi %add3A_153, %add3A_206 : i32
      %mul3A_208 = arith.constant 128 : i32
      %mul3A_209 = arith.muli %add3A_207, %mul3A_208 : i32
      "tpu.region"() ({
        %run_scoped3A = tpu.sem_alloc : memref<!tpu.dma_semaphore, #tpu.memory_space<semaphore_mem>>
        %dma_start3A_286 = tpu.memref_slice %arg6[%mul3A_209] : memref<10000xi32, #tpu.memory_space<vmem>> -> memref<128xi32, #tpu.memory_space<vmem>>
        %dma_start3A_287 = arith.constant 0 : i32
        %dma_start3A_288 = arith.constant 0 : i32
        %dma_start3A_289 = tpu.memref_slice %arg15[%dma_start3A_287, %dma_start3A_288] : memref<10240x48xf32, #tpu.memory_space<vmem_shared>> -> memref<10240x48xf32, #tpu.memory_space<vmem_shared>>
        tpu.enqueue_indirect_dma source(%arg11 : memref<128x48xf32, #tpu.memory_space<vmem>>) target(%dma_start3A_289 : memref<10240x48xf32, #tpu.memory_space<vmem_shared>>) offsets(%dma_start3A_286 : memref<128xi32, #tpu.memory_space<vmem>>) semaphore(%run_scoped3A : memref<!tpu.dma_semaphore, #tpu.memory_space<semaphore_mem>>) {add = true}
        %dma_wait3A_290 = tpu.memref_slice %arg6[%mul3A_209] : memref<10000xi32, #tpu.memory_space<vmem>> -> memref<128xi32, #tpu.memory_space<vmem>>
        %dma_wait3A_291 = arith.constant 0 : i32
        %dma_wait3A_292 = arith.constant 0 : i32
        %dma_wait3A_293 = tpu.memref_slice %arg15[%dma_wait3A_291, %dma_wait3A_292] : memref<10240x48xf32, #tpu.memory_space<vmem_shared>> -> memref<10240x48xf32, #tpu.memory_space<vmem_shared>>
        tpu.wait_indirect_dma semaphore(%run_scoped3A : memref<!tpu.dma_semaphore, #tpu.memory_space<semaphore_mem>>) src(%arg11 : memref<128x48xf32, #tpu.memory_space<vmem>>) dst(%dma_wait3A_293 : memref<10240x48xf32, #tpu.memory_space<vmem_shared>>)
        tpu.yield
      }) : () -> ()
      %add3A_210 = arith.constant 6 : i32
      %add3A_211 = arith.addi %add3A_153, %add3A_210 : i32
      %add3A_212 = arith.constant 2 : i32
      %add3A_213 = arith.addi %add3A_211, %add3A_212 : i32
      %mul3A_214 = arith.constant 128 : i32
      %mul3A_215 = arith.muli %add3A_213, %mul3A_214 : i32
      %dma_start3A_216 = tpu.memref_slice %arg5[%mul3A_215] : memref<10000xi32, #tpu.memory_space<vmem>> -> memref<128xi32, #tpu.memory_space<vmem>>
      %dma_start3A_217 = arith.constant 0 : i32
      %dma_start3A_218 = arith.constant 0 : i32
      %dma_start3A_219 = tpu.memref_slice %arg2[%dma_start3A_217, %dma_start3A_218] : memref<10000x48xf32, #tpu.memory_space<hbm>> -> memref<10000x48xf32, #tpu.memory_space<hbm>>
      tpu.enqueue_indirect_dma source(%dma_start3A_219 : memref<10000x48xf32, #tpu.memory_space<hbm>>) target(%arg11 : memref<128x48xf32, #tpu.memory_space<vmem>>) offsets(%dma_start3A_216 : memref<128xi32, #tpu.memory_space<vmem>>) semaphore(%arg18 : memref<!tpu.dma_semaphore, #tpu.memory_space<semaphore_mem>>)
      %add3A_220 = arith.constant 3 : i32
      %add3A_221 = arith.addi %add3A_153, %add3A_220 : i32
      %mul3A_222 = arith.constant 128 : i32
      %mul3A_223 = arith.muli %add3A_221, %mul3A_222 : i32
      %dma_wait3A_224 = tpu.memref_slice %arg5[%mul3A_223] : memref<10000xi32, #tpu.memory_space<vmem>> -> memref<128xi32, #tpu.memory_space<vmem>>
      %dma_wait3A_225 = arith.constant 0 : i32
      %dma_wait3A_226 = arith.constant 0 : i32
      %dma_wait3A_227 = tpu.memref_slice %arg2[%dma_wait3A_225, %dma_wait3A_226] : memref<10000x48xf32, #tpu.memory_space<hbm>> -> memref<10000x48xf32, #tpu.memory_space<hbm>>
      tpu.wait_indirect_dma semaphore(%arg19 : memref<!tpu.dma_semaphore, #tpu.memory_space<semaphore_mem>>) src(%dma_wait3A_227 : memref<10000x48xf32, #tpu.memory_space<hbm>>) dst(%arg12 : memref<128x48xf32, #tpu.memory_space<vmem>>)
      %add3A_228 = arith.constant 3 : i32
      %add3A_229 = arith.addi %add3A_153, %add3A_228 : i32
      %mul3A_230 = arith.constant 128 : i32
      %mul3A_231 = arith.muli %add3A_229, %mul3A_230 : i32
      "tpu.region"() ({
        %run_scoped3A = tpu.sem_alloc : memref<!tpu.dma_semaphore, #tpu.memory_space<semaphore_mem>>
        %dma_start3A_286 = tpu.memref_slice %arg6[%mul3A_231] : memref<10000xi32, #tpu.memory_space<vmem>> -> memref<128xi32, #tpu.memory_space<vmem>>
        %dma_start3A_287 = arith.constant 0 : i32
        %dma_start3A_288 = arith.constant 0 : i32
        %dma_start3A_289 = tpu.memref_slice %arg15[%dma_start3A_287, %dma_start3A_288] : memref<10240x48xf32, #tpu.memory_space<vmem_shared>> -> memref<10240x48xf32, #tpu.memory_space<vmem_shared>>
        tpu.enqueue_indirect_dma source(%arg12 : memref<128x48xf32, #tpu.memory_space<vmem>>) target(%dma_start3A_289 : memref<10240x48xf32, #tpu.memory_space<vmem_shared>>) offsets(%dma_start3A_286 : memref<128xi32, #tpu.memory_space<vmem>>) semaphore(%run_scoped3A : memref<!tpu.dma_semaphore, #tpu.memory_space<semaphore_mem>>) {add = true}
        %dma_wait3A_290 = tpu.memref_slice %arg6[%mul3A_231] : memref<10000xi32, #tpu.memory_space<vmem>> -> memref<128xi32, #tpu.memory_space<vmem>>
        %dma_wait3A_291 = arith.constant 0 : i32
        %dma_wait3A_292 = arith.constant 0 : i32
        %dma_wait3A_293 = tpu.memref_slice %arg15[%dma_wait3A_291, %dma_wait3A_292] : memref<10240x48xf32, #tpu.memory_space<vmem_shared>> -> memref<10240x48xf32, #tpu.memory_space<vmem_shared>>
        tpu.wait_indirect_dma semaphore(%run_scoped3A : memref<!tpu.dma_semaphore, #tpu.memory_space<semaphore_mem>>) src(%arg12 : memref<128x48xf32, #tpu.memory_space<vmem>>) dst(%dma_wait3A_293 : memref<10240x48xf32, #tpu.memory_space<vmem_shared>>)
        tpu.yield
      }) : () -> ()
      %add3A_232 = arith.constant 6 : i32
      %add3A_233 = arith.addi %add3A_153, %add3A_232 : i32
      %add3A_234 = arith.constant 3 : i32
      %add3A_235 = arith.addi %add3A_233, %add3A_234 : i32
      %mul3A_236 = arith.constant 128 : i32
      %mul3A_237 = arith.muli %add3A_235, %mul3A_236 : i32
      %dma_start3A_238 = tpu.memref_slice %arg5[%mul3A_237] : memref<10000xi32, #tpu.memory_space<vmem>> -> memref<128xi32, #tpu.memory_space<vmem>>
      %dma_start3A_239 = arith.constant 0 : i32
      %dma_start3A_240 = arith.constant 0 : i32
      %dma_start3A_241 = tpu.memref_slice %arg2[%dma_start3A_239, %dma_start3A_240] : memref<10000x48xf32, #tpu.memory_space<hbm>> -> memref<10000x48xf32, #tpu.memory_space<hbm>>
      tpu.enqueue_indirect_dma source(%dma_start3A_241 : memref<10000x48xf32, #tpu.memory_space<hbm>>) target(%arg12 : memref<128x48xf32, #tpu.memory_space<vmem>>) offsets(%dma_start3A_238 : memref<128xi32, #tpu.memory_space<vmem>>) semaphore(%arg19 : memref<!tpu.dma_semaphore, #tpu.memory_space<semaphore_mem>>)
      %add3A_242 = arith.constant 4 : i32
      %add3A_243 = arith.addi %add3A_153, %add3A_242 : i32
      %mul3A_244 = arith.constant 128 : i32
      %mul3A_245 = arith.muli %add3A_243, %mul3A_244 : i32
      %dma_wait3A_246 = tpu.memref_slice %arg5[%mul3A_245] : memref<10000xi32, #tpu.memory_space<vmem>> -> memref<128xi32, #tpu.memory_space<vmem>>
      %dma_wait3A_247 = arith.constant 0 : i32
      %dma_wait3A_248 = arith.constant 0 : i32
      %dma_wait3A_249 = tpu.memref_slice %arg2[%dma_wait3A_247, %dma_wait3A_248] : memref<10000x48xf32, #tpu.memory_space<hbm>> -> memref<10000x48xf32, #tpu.memory_space<hbm>>
      tpu.wait_indirect_dma semaphore(%arg20 : memref<!tpu.dma_semaphore, #tpu.memory_space<semaphore_mem>>) src(%dma_wait3A_249 : memref<10000x48xf32, #tpu.memory_space<hbm>>) dst(%arg13 : memref<128x48xf32, #tpu.memory_space<vmem>>)
      %add3A_250 = arith.constant 4 : i32
      %add3A_251 = arith.addi %add3A_153, %add3A_250 : i32
      %mul3A_252 = arith.constant 128 : i32
      %mul3A_253 = arith.muli %add3A_251, %mul3A_252 : i32
      "tpu.region"() ({
        %run_scoped3A = tpu.sem_alloc : memref<!tpu.dma_semaphore, #tpu.memory_space<semaphore_mem>>
        %dma_start3A_286 = tpu.memref_slice %arg6[%mul3A_253] : memref<10000xi32, #tpu.memory_space<vmem>> -> memref<128xi32, #tpu.memory_space<vmem>>
        %dma_start3A_287 = arith.constant 0 : i32
        %dma_start3A_288 = arith.constant 0 : i32
        %dma_start3A_289 = tpu.memref_slice %arg15[%dma_start3A_287, %dma_start3A_288] : memref<10240x48xf32, #tpu.memory_space<vmem_shared>> -> memref<10240x48xf32, #tpu.memory_space<vmem_shared>>
        tpu.enqueue_indirect_dma source(%arg13 : memref<128x48xf32, #tpu.memory_space<vmem>>) target(%dma_start3A_289 : memref<10240x48xf32, #tpu.memory_space<vmem_shared>>) offsets(%dma_start3A_286 : memref<128xi32, #tpu.memory_space<vmem>>) semaphore(%run_scoped3A : memref<!tpu.dma_semaphore, #tpu.memory_space<semaphore_mem>>) {add = true}
        %dma_wait3A_290 = tpu.memref_slice %arg6[%mul3A_253] : memref<10000xi32, #tpu.memory_space<vmem>> -> memref<128xi32, #tpu.memory_space<vmem>>
        %dma_wait3A_291 = arith.constant 0 : i32
        %dma_wait3A_292 = arith.constant 0 : i32
        %dma_wait3A_293 = tpu.memref_slice %arg15[%dma_wait3A_291, %dma_wait3A_292] : memref<10240x48xf32, #tpu.memory_space<vmem_shared>> -> memref<10240x48xf32, #tpu.memory_space<vmem_shared>>
        tpu.wait_indirect_dma semaphore(%run_scoped3A : memref<!tpu.dma_semaphore, #tpu.memory_space<semaphore_mem>>) src(%arg13 : memref<128x48xf32, #tpu.memory_space<vmem>>) dst(%dma_wait3A_293 : memref<10240x48xf32, #tpu.memory_space<vmem_shared>>)
        tpu.yield
      }) : () -> ()
      %add3A_254 = arith.constant 6 : i32
      %add3A_255 = arith.addi %add3A_153, %add3A_254 : i32
      %add3A_256 = arith.constant 4 : i32
      %add3A_257 = arith.addi %add3A_255, %add3A_256 : i32
      %mul3A_258 = arith.constant 128 : i32
      %mul3A_259 = arith.muli %add3A_257, %mul3A_258 : i32
      %dma_start3A_260 = tpu.memref_slice %arg5[%mul3A_259] : memref<10000xi32, #tpu.memory_space<vmem>> -> memref<128xi32, #tpu.memory_space<vmem>>
      %dma_start3A_261 = arith.constant 0 : i32
      %dma_start3A_262 = arith.constant 0 : i32
      %dma_start3A_263 = tpu.memref_slice %arg2[%dma_start3A_261, %dma_start3A_262] : memref<10000x48xf32, #tpu.memory_space<hbm>> -> memref<10000x48xf32, #tpu.memory_space<hbm>>
      tpu.enqueue_indirect_dma source(%dma_start3A_263 : memref<10000x48xf32, #tpu.memory_space<hbm>>) target(%arg13 : memref<128x48xf32, #tpu.memory_space<vmem>>) offsets(%dma_start3A_260 : memref<128xi32, #tpu.memory_space<vmem>>) semaphore(%arg20 : memref<!tpu.dma_semaphore, #tpu.memory_space<semaphore_mem>>)
      %add3A_264 = arith.constant 5 : i32
      %add3A_265 = arith.addi %add3A_153, %add3A_264 : i32
      %mul3A_266 = arith.constant 128 : i32
      %mul3A_267 = arith.muli %add3A_265, %mul3A_266 : i32
      %dma_wait3A_268 = tpu.memref_slice %arg5[%mul3A_267] : memref<10000xi32, #tpu.memory_space<vmem>> -> memref<128xi32, #tpu.memory_space<vmem>>
      %dma_wait3A_269 = arith.constant 0 : i32
      %dma_wait3A_270 = arith.constant 0 : i32
      %dma_wait3A_271 = tpu.memref_slice %arg2[%dma_wait3A_269, %dma_wait3A_270] : memref<10000x48xf32, #tpu.memory_space<hbm>> -> memref<10000x48xf32, #tpu.memory_space<hbm>>
      tpu.wait_indirect_dma semaphore(%arg21 : memref<!tpu.dma_semaphore, #tpu.memory_space<semaphore_mem>>) src(%dma_wait3A_271 : memref<10000x48xf32, #tpu.memory_space<hbm>>) dst(%arg14 : memref<128x48xf32, #tpu.memory_space<vmem>>)
      %add3A_272 = arith.constant 5 : i32
      %add3A_273 = arith.addi %add3A_153, %add3A_272 : i32
      %mul3A_274 = arith.constant 128 : i32
      %mul3A_275 = arith.muli %add3A_273, %mul3A_274 : i32
      "tpu.region"() ({
        %run_scoped3A = tpu.sem_alloc : memref<!tpu.dma_semaphore, #tpu.memory_space<semaphore_mem>>
        %dma_start3A_286 = tpu.memref_slice %arg6[%mul3A_275] : memref<10000xi32, #tpu.memory_space<vmem>> -> memref<128xi32, #tpu.memory_space<vmem>>
        %dma_start3A_287 = arith.constant 0 : i32
        %dma_start3A_288 = arith.constant 0 : i32
        %dma_start3A_289 = tpu.memref_slice %arg15[%dma_start3A_287, %dma_start3A_288] : memref<10240x48xf32, #tpu.memory_space<vmem_shared>> -> memref<10240x48xf32, #tpu.memory_space<vmem_shared>>
        tpu.enqueue_indirect_dma source(%arg14 : memref<128x48xf32, #tpu.memory_space<vmem>>) target(%dma_start3A_289 : memref<10240x48xf32, #tpu.memory_space<vmem_shared>>) offsets(%dma_start3A_286 : memref<128xi32, #tpu.memory_space<vmem>>) semaphore(%run_scoped3A : memref<!tpu.dma_semaphore, #tpu.memory_space<semaphore_mem>>) {add = true}
        %dma_wait3A_290 = tpu.memref_slice %arg6[%mul3A_275] : memref<10000xi32, #tpu.memory_space<vmem>> -> memref<128xi32, #tpu.memory_space<vmem>>
        %dma_wait3A_291 = arith.constant 0 : i32
        %dma_wait3A_292 = arith.constant 0 : i32
        %dma_wait3A_293 = tpu.memref_slice %arg15[%dma_wait3A_291, %dma_wait3A_292] : memref<10240x48xf32, #tpu.memory_space<vmem_shared>> -> memref<10240x48xf32, #tpu.memory_space<vmem_shared>>
        tpu.wait_indirect_dma semaphore(%run_scoped3A : memref<!tpu.dma_semaphore, #tpu.memory_space<semaphore_mem>>) src(%arg14 : memref<128x48xf32, #tpu.memory_space<vmem>>) dst(%dma_wait3A_293 : memref<10240x48xf32, #tpu.memory_space<vmem_shared>>)
        tpu.yield
      }) : () -> ()
      %add3A_276 = arith.constant 6 : i32
      %add3A_277 = arith.addi %add3A_153, %add3A_276 : i32
      %add3A_278 = arith.constant 5 : i32
      %add3A_279 = arith.addi %add3A_277, %add3A_278 : i32
      %mul3A_280 = arith.constant 128 : i32
      %mul3A_281 = arith.muli %add3A_279, %mul3A_280 : i32
      %dma_start3A_282 = tpu.memref_slice %arg5[%mul3A_281] : memref<10000xi32, #tpu.memory_space<vmem>> -> memref<128xi32, #tpu.memory_space<vmem>>
      %dma_start3A_283 = arith.constant 0 : i32
      %dma_start3A_284 = arith.constant 0 : i32
      %dma_start3A_285 = tpu.memref_slice %arg2[%dma_start3A_283, %dma_start3A_284] : memref<10000x48xf32, #tpu.memory_space<hbm>> -> memref<10000x48xf32, #tpu.memory_space<hbm>>
      tpu.enqueue_indirect_dma source(%dma_start3A_285 : memref<10000x48xf32, #tpu.memory_space<hbm>>) target(%arg14 : memref<128x48xf32, #tpu.memory_space<vmem>>) offsets(%dma_start3A_282 : memref<128xi32, #tpu.memory_space<vmem>>) semaphore(%arg21 : memref<!tpu.dma_semaphore, #tpu.memory_space<semaphore_mem>>)
    }
    %scan3A_106 = arith.constant 12 : i32
    %dma_wait3A_107 = arith.constant 9216 : i32
    %dma_wait3A_108 = tpu.memref_slice %arg5[%dma_wait3A_107] : memref<10000xi32, #tpu.memory_space<vmem>> -> memref<128xi32, #tpu.memory_space<vmem>>
    %dma_wait3A_109 = arith.constant 0 : i32
    %dma_wait3A_110 = arith.constant 0 : i32
    %dma_wait3A_111 = tpu.memref_slice %arg2[%dma_wait3A_109, %dma_wait3A_110] : memref<10000x48xf32, #tpu.memory_space<hbm>> -> memref<10000x48xf32, #tpu.memory_space<hbm>>
    tpu.wait_indirect_dma semaphore(%arg16 : memref<!tpu.dma_semaphore, #tpu.memory_space<semaphore_mem>>) src(%dma_wait3A_111 : memref<10000x48xf32, #tpu.memory_space<hbm>>) dst(%arg9 : memref<128x48xf32, #tpu.memory_space<vmem>>)
    "tpu.region"() ({
      %run_scoped3A = tpu.sem_alloc : memref<!tpu.dma_semaphore, #tpu.memory_space<semaphore_mem>>
      %dma_start3A_149 = arith.constant 9216 : i32
      %dma_start3A_150 = tpu.memref_slice %arg6[%dma_start3A_149] : memref<10000xi32, #tpu.memory_space<vmem>> -> memref<128xi32, #tpu.memory_space<vmem>>
      %dma_start3A_151 = arith.constant 0 : i32
      %dma_start3A_152 = arith.constant 0 : i32
      %dma_start3A_153 = tpu.memref_slice %arg15[%dma_start3A_151, %dma_start3A_152] : memref<10240x48xf32, #tpu.memory_space<vmem_shared>> -> memref<10240x48xf32, #tpu.memory_space<vmem_shared>>
      tpu.enqueue_indirect_dma source(%arg9 : memref<128x48xf32, #tpu.memory_space<vmem>>) target(%dma_start3A_153 : memref<10240x48xf32, #tpu.memory_space<vmem_shared>>) offsets(%dma_start3A_150 : memref<128xi32, #tpu.memory_space<vmem>>) semaphore(%run_scoped3A : memref<!tpu.dma_semaphore, #tpu.memory_space<semaphore_mem>>) {add = true}
      %dma_wait3A_154 = arith.constant 9216 : i32
      %dma_wait3A_155 = tpu.memref_slice %arg6[%dma_wait3A_154] : memref<10000xi32, #tpu.memory_space<vmem>> -> memref<128xi32, #tpu.memory_space<vmem>>
      %dma_wait3A_156 = arith.constant 0 : i32
      %dma_wait3A_157 = arith.constant 0 : i32
      %dma_wait3A_158 = tpu.memref_slice %arg15[%dma_wait3A_156, %dma_wait3A_157] : memref<10240x48xf32, #tpu.memory_space<vmem_shared>> -> memref<10240x48xf32, #tpu.memory_space<vmem_shared>>
      tpu.wait_indirect_dma semaphore(%run_scoped3A : memref<!tpu.dma_semaphore, #tpu.memory_space<semaphore_mem>>) src(%arg9 : memref<128x48xf32, #tpu.memory_space<vmem>>) dst(%dma_wait3A_158 : memref<10240x48xf32, #tpu.memory_space<vmem_shared>>)
      tpu.yield
    }) : () -> ()
    %dma_wait3A_112 = arith.constant 9344 : i32
    %dma_wait3A_113 = tpu.memref_slice %arg5[%dma_wait3A_112] : memref<10000xi32, #tpu.memory_space<vmem>> -> memref<128xi32, #tpu.memory_space<vmem>>
    %dma_wait3A_114 = arith.constant 0 : i32
    %dma_wait3A_115 = arith.constant 0 : i32
    %dma_wait3A_116 = tpu.memref_slice %arg2[%dma_wait3A_114, %dma_wait3A_115] : memref<10000x48xf32, #tpu.memory_space<hbm>> -> memref<10000x48xf32, #tpu.memory_space<hbm>>
    tpu.wait_indirect_dma semaphore(%arg17 : memref<!tpu.dma_semaphore, #tpu.memory_space<semaphore_mem>>) src(%dma_wait3A_116 : memref<10000x48xf32, #tpu.memory_space<hbm>>) dst(%arg10 : memref<128x48xf32, #tpu.memory_space<vmem>>)
    "tpu.region"() ({
      %run_scoped3A = tpu.sem_alloc : memref<!tpu.dma_semaphore, #tpu.memory_space<semaphore_mem>>
      %dma_start3A_149 = arith.constant 9344 : i32
      %dma_start3A_150 = tpu.memref_slice %arg6[%dma_start3A_149] : memref<10000xi32, #tpu.memory_space<vmem>> -> memref<128xi32, #tpu.memory_space<vmem>>
      %dma_start3A_151 = arith.constant 0 : i32
      %dma_start3A_152 = arith.constant 0 : i32
      %dma_start3A_153 = tpu.memref_slice %arg15[%dma_start3A_151, %dma_start3A_152] : memref<10240x48xf32, #tpu.memory_space<vmem_shared>> -> memref<10240x48xf32, #tpu.memory_space<vmem_shared>>
      tpu.enqueue_indirect_dma source(%arg10 : memref<128x48xf32, #tpu.memory_space<vmem>>) target(%dma_start3A_153 : memref<10240x48xf32, #tpu.memory_space<vmem_shared>>) offsets(%dma_start3A_150 : memref<128xi32, #tpu.memory_space<vmem>>) semaphore(%run_scoped3A : memref<!tpu.dma_semaphore, #tpu.memory_space<semaphore_mem>>) {add = true}
      %dma_wait3A_154 = arith.constant 9344 : i32
      %dma_wait3A_155 = tpu.memref_slice %arg6[%dma_wait3A_154] : memref<10000xi32, #tpu.memory_space<vmem>> -> memref<128xi32, #tpu.memory_space<vmem>>
      %dma_wait3A_156 = arith.constant 0 : i32
      %dma_wait3A_157 = arith.constant 0 : i32
      %dma_wait3A_158 = tpu.memref_slice %arg15[%dma_wait3A_156, %dma_wait3A_157] : memref<10240x48xf32, #tpu.memory_space<vmem_shared>> -> memref<10240x48xf32, #tpu.memory_space<vmem_shared>>
      tpu.wait_indirect_dma semaphore(%run_scoped3A : memref<!tpu.dma_semaphore, #tpu.memory_space<semaphore_mem>>) src(%arg10 : memref<128x48xf32, #tpu.memory_space<vmem>>) dst(%dma_wait3A_158 : memref<10240x48xf32, #tpu.memory_space<vmem_shared>>)
      tpu.yield
    }) : () -> ()
    %dma_wait3A_117 = arith.constant 9472 : i32
    %dma_wait3A_118 = tpu.memref_slice %arg5[%dma_wait3A_117] : memref<10000xi32, #tpu.memory_space<vmem>> -> memref<128xi32, #tpu.memory_space<vmem>>
    %dma_wait3A_119 = arith.constant 0 : i32
    %dma_wait3A_120 = arith.constant 0 : i32
    %dma_wait3A_121 = tpu.memref_slice %arg2[%dma_wait3A_119, %dma_wait3A_120] : memref<10000x48xf32, #tpu.memory_space<hbm>> -> memref<10000x48xf32, #tpu.memory_space<hbm>>
    tpu.wait_indirect_dma semaphore(%arg18 : memref<!tpu.dma_semaphore, #tpu.memory_space<semaphore_mem>>) src(%dma_wait3A_121 : memref<10000x48xf32, #tpu.memory_space<hbm>>) dst(%arg11 : memref<128x48xf32, #tpu.memory_space<vmem>>)
    "tpu.region"() ({
      %run_scoped3A = tpu.sem_alloc : memref<!tpu.dma_semaphore, #tpu.memory_space<semaphore_mem>>
      %dma_start3A_149 = arith.constant 9472 : i32
      %dma_start3A_150 = tpu.memref_slice %arg6[%dma_start3A_149] : memref<10000xi32, #tpu.memory_space<vmem>> -> memref<128xi32, #tpu.memory_space<vmem>>
      %dma_start3A_151 = arith.constant 0 : i32
      %dma_start3A_152 = arith.constant 0 : i32
      %dma_start3A_153 = tpu.memref_slice %arg15[%dma_start3A_151, %dma_start3A_152] : memref<10240x48xf32, #tpu.memory_space<vmem_shared>> -> memref<10240x48xf32, #tpu.memory_space<vmem_shared>>
      tpu.enqueue_indirect_dma source(%arg11 : memref<128x48xf32, #tpu.memory_space<vmem>>) target(%dma_start3A_153 : memref<10240x48xf32, #tpu.memory_space<vmem_shared>>) offsets(%dma_start3A_150 : memref<128xi32, #tpu.memory_space<vmem>>) semaphore(%run_scoped3A : memref<!tpu.dma_semaphore, #tpu.memory_space<semaphore_mem>>) {add = true}
      %dma_wait3A_154 = arith.constant 9472 : i32
      %dma_wait3A_155 = tpu.memref_slice %arg6[%dma_wait3A_154] : memref<10000xi32, #tpu.memory_space<vmem>> -> memref<128xi32, #tpu.memory_space<vmem>>
      %dma_wait3A_156 = arith.constant 0 : i32
      %dma_wait3A_157 = arith.constant 0 : i32
      %dma_wait3A_158 = tpu.memref_slice %arg15[%dma_wait3A_156, %dma_wait3A_157] : memref<10240x48xf32, #tpu.memory_space<vmem_shared>> -> memref<10240x48xf32, #tpu.memory_space<vmem_shared>>
      tpu.wait_indirect_dma semaphore(%run_scoped3A : memref<!tpu.dma_semaphore, #tpu.memory_space<semaphore_mem>>) src(%arg11 : memref<128x48xf32, #tpu.memory_space<vmem>>) dst(%dma_wait3A_158 : memref<10240x48xf32, #tpu.memory_space<vmem_shared>>)
      tpu.yield
    }) : () -> ()
    %dma_wait3A_122 = arith.constant 9600 : i32
    %dma_wait3A_123 = tpu.memref_slice %arg5[%dma_wait3A_122] : memref<10000xi32, #tpu.memory_space<vmem>> -> memref<128xi32, #tpu.memory_space<vmem>>
    %dma_wait3A_124 = arith.constant 0 : i32
    %dma_wait3A_125 = arith.constant 0 : i32
    %dma_wait3A_126 = tpu.memref_slice %arg2[%dma_wait3A_124, %dma_wait3A_125] : memref<10000x48xf32, #tpu.memory_space<hbm>> -> memref<10000x48xf32, #tpu.memory_space<hbm>>
    tpu.wait_indirect_dma semaphore(%arg19 : memref<!tpu.dma_semaphore, #tpu.memory_space<semaphore_mem>>) src(%dma_wait3A_126 : memref<10000x48xf32, #tpu.memory_space<hbm>>) dst(%arg12 : memref<128x48xf32, #tpu.memory_space<vmem>>)
    "tpu.region"() ({
      %run_scoped3A = tpu.sem_alloc : memref<!tpu.dma_semaphore, #tpu.memory_space<semaphore_mem>>
      %dma_start3A_149 = arith.constant 9600 : i32
      %dma_start3A_150 = tpu.memref_slice %arg6[%dma_start3A_149] : memref<10000xi32, #tpu.memory_space<vmem>> -> memref<128xi32, #tpu.memory_space<vmem>>
      %dma_start3A_151 = arith.constant 0 : i32
      %dma_start3A_152 = arith.constant 0 : i32
      %dma_start3A_153 = tpu.memref_slice %arg15[%dma_start3A_151, %dma_start3A_152] : memref<10240x48xf32, #tpu.memory_space<vmem_shared>> -> memref<10240x48xf32, #tpu.memory_space<vmem_shared>>
      tpu.enqueue_indirect_dma source(%arg12 : memref<128x48xf32, #tpu.memory_space<vmem>>) target(%dma_start3A_153 : memref<10240x48xf32, #tpu.memory_space<vmem_shared>>) offsets(%dma_start3A_150 : memref<128xi32, #tpu.memory_space<vmem>>) semaphore(%run_scoped3A : memref<!tpu.dma_semaphore, #tpu.memory_space<semaphore_mem>>) {add = true}
      %dma_wait3A_154 = arith.constant 9600 : i32
      %dma_wait3A_155 = tpu.memref_slice %arg6[%dma_wait3A_154] : memref<10000xi32, #tpu.memory_space<vmem>> -> memref<128xi32, #tpu.memory_space<vmem>>
      %dma_wait3A_156 = arith.constant 0 : i32
      %dma_wait3A_157 = arith.constant 0 : i32
      %dma_wait3A_158 = tpu.memref_slice %arg15[%dma_wait3A_156, %dma_wait3A_157] : memref<10240x48xf32, #tpu.memory_space<vmem_shared>> -> memref<10240x48xf32, #tpu.memory_space<vmem_shared>>
      tpu.wait_indirect_dma semaphore(%run_scoped3A : memref<!tpu.dma_semaphore, #tpu.memory_space<semaphore_mem>>) src(%arg12 : memref<128x48xf32, #tpu.memory_space<vmem>>) dst(%dma_wait3A_158 : memref<10240x48xf32, #tpu.memory_space<vmem_shared>>)
      tpu.yield
    }) : () -> ()
    %dma_wait3A_127 = arith.constant 9728 : i32
    %dma_wait3A_128 = tpu.memref_slice %arg5[%dma_wait3A_127] : memref<10000xi32, #tpu.memory_space<vmem>> -> memref<128xi32, #tpu.memory_space<vmem>>
    %dma_wait3A_129 = arith.constant 0 : i32
    %dma_wait3A_130 = arith.constant 0 : i32
    %dma_wait3A_131 = tpu.memref_slice %arg2[%dma_wait3A_129, %dma_wait3A_130] : memref<10000x48xf32, #tpu.memory_space<hbm>> -> memref<10000x48xf32, #tpu.memory_space<hbm>>
    tpu.wait_indirect_dma semaphore(%arg20 : memref<!tpu.dma_semaphore, #tpu.memory_space<semaphore_mem>>) src(%dma_wait3A_131 : memref<10000x48xf32, #tpu.memory_space<hbm>>) dst(%arg13 : memref<128x48xf32, #tpu.memory_space<vmem>>)
    "tpu.region"() ({
      %run_scoped3A = tpu.sem_alloc : memref<!tpu.dma_semaphore, #tpu.memory_space<semaphore_mem>>
      %dma_start3A_149 = arith.constant 9728 : i32
      %dma_start3A_150 = tpu.memref_slice %arg6[%dma_start3A_149] : memref<10000xi32, #tpu.memory_space<vmem>> -> memref<128xi32, #tpu.memory_space<vmem>>
      %dma_start3A_151 = arith.constant 0 : i32
      %dma_start3A_152 = arith.constant 0 : i32
      %dma_start3A_153 = tpu.memref_slice %arg15[%dma_start3A_151, %dma_start3A_152] : memref<10240x48xf32, #tpu.memory_space<vmem_shared>> -> memref<10240x48xf32, #tpu.memory_space<vmem_shared>>
      tpu.enqueue_indirect_dma source(%arg13 : memref<128x48xf32, #tpu.memory_space<vmem>>) target(%dma_start3A_153 : memref<10240x48xf32, #tpu.memory_space<vmem_shared>>) offsets(%dma_start3A_150 : memref<128xi32, #tpu.memory_space<vmem>>) semaphore(%run_scoped3A : memref<!tpu.dma_semaphore, #tpu.memory_space<semaphore_mem>>) {add = true}
      %dma_wait3A_154 = arith.constant 9728 : i32
      %dma_wait3A_155 = tpu.memref_slice %arg6[%dma_wait3A_154] : memref<10000xi32, #tpu.memory_space<vmem>> -> memref<128xi32, #tpu.memory_space<vmem>>
      %dma_wait3A_156 = arith.constant 0 : i32
      %dma_wait3A_157 = arith.constant 0 : i32
      %dma_wait3A_158 = tpu.memref_slice %arg15[%dma_wait3A_156, %dma_wait3A_157] : memref<10240x48xf32, #tpu.memory_space<vmem_shared>> -> memref<10240x48xf32, #tpu.memory_space<vmem_shared>>
      tpu.wait_indirect_dma semaphore(%run_scoped3A : memref<!tpu.dma_semaphore, #tpu.memory_space<semaphore_mem>>) src(%arg13 : memref<128x48xf32, #tpu.memory_space<vmem>>) dst(%dma_wait3A_158 : memref<10240x48xf32, #tpu.memory_space<vmem_shared>>)
      tpu.yield
    }) : () -> ()
    %dma_wait3A_132 = arith.constant 9856 : i32
    %dma_wait3A_133 = tpu.memref_slice %arg5[%dma_wait3A_132] : memref<10000xi32, #tpu.memory_space<vmem>> -> memref<128xi32, #tpu.memory_space<vmem>>
    %dma_wait3A_134 = arith.constant 0 : i32
    %dma_wait3A_135 = arith.constant 0 : i32
    %dma_wait3A_136 = tpu.memref_slice %arg2[%dma_wait3A_134, %dma_wait3A_135] : memref<10000x48xf32, #tpu.memory_space<hbm>> -> memref<10000x48xf32, #tpu.memory_space<hbm>>
    tpu.wait_indirect_dma semaphore(%arg21 : memref<!tpu.dma_semaphore, #tpu.memory_space<semaphore_mem>>) src(%dma_wait3A_136 : memref<10000x48xf32, #tpu.memory_space<hbm>>) dst(%arg14 : memref<128x48xf32, #tpu.memory_space<vmem>>)
    "tpu.region"() ({
      %run_scoped3A = tpu.sem_alloc : memref<!tpu.dma_semaphore, #tpu.memory_space<semaphore_mem>>
      %dma_start3A_149 = arith.constant 9856 : i32
      %dma_start3A_150 = tpu.memref_slice %arg6[%dma_start3A_149] : memref<10000xi32, #tpu.memory_space<vmem>> -> memref<128xi32, #tpu.memory_space<vmem>>
      %dma_start3A_151 = arith.constant 0 : i32
      %dma_start3A_152 = arith.constant 0 : i32
      %dma_start3A_153 = tpu.memref_slice %arg15[%dma_start3A_151, %dma_start3A_152] : memref<10240x48xf32, #tpu.memory_space<vmem_shared>> -> memref<10240x48xf32, #tpu.memory_space<vmem_shared>>
      tpu.enqueue_indirect_dma source(%arg14 : memref<128x48xf32, #tpu.memory_space<vmem>>) target(%dma_start3A_153 : memref<10240x48xf32, #tpu.memory_space<vmem_shared>>) offsets(%dma_start3A_150 : memref<128xi32, #tpu.memory_space<vmem>>) semaphore(%run_scoped3A : memref<!tpu.dma_semaphore, #tpu.memory_space<semaphore_mem>>) {add = true}
      %dma_wait3A_154 = arith.constant 9856 : i32
      %dma_wait3A_155 = tpu.memref_slice %arg6[%dma_wait3A_154] : memref<10000xi32, #tpu.memory_space<vmem>> -> memref<128xi32, #tpu.memory_space<vmem>>
      %dma_wait3A_156 = arith.constant 0 : i32
      %dma_wait3A_157 = arith.constant 0 : i32
      %dma_wait3A_158 = tpu.memref_slice %arg15[%dma_wait3A_156, %dma_wait3A_157] : memref<10240x48xf32, #tpu.memory_space<vmem_shared>> -> memref<10240x48xf32, #tpu.memory_space<vmem_shared>>
      tpu.wait_indirect_dma semaphore(%run_scoped3A : memref<!tpu.dma_semaphore, #tpu.memory_space<semaphore_mem>>) src(%arg14 : memref<128x48xf32, #tpu.memory_space<vmem>>) dst(%dma_wait3A_158 : memref<10240x48xf32, #tpu.memory_space<vmem_shared>>)
      tpu.yield
    }) : () -> ()
    %dma_wait3A_137 = arith.constant 9984 : i32
    %dma_wait3A_138 = tpu.memref_slice %arg5[%dma_wait3A_137] : memref<10000xi32, #tpu.memory_space<vmem>> -> memref<16xi32, #tpu.memory_space<vmem>>
    %dma_wait3A_139 = arith.constant 0 : i32
    %dma_wait3A_140 = arith.constant 0 : i32
    %dma_wait3A_141 = tpu.memref_slice %arg2[%dma_wait3A_139, %dma_wait3A_140] : memref<10000x48xf32, #tpu.memory_space<hbm>> -> memref<10000x48xf32, #tpu.memory_space<hbm>>
    tpu.wait_indirect_dma semaphore(%arg23 : memref<!tpu.dma_semaphore, #tpu.memory_space<semaphore_mem>>) src(%dma_wait3A_141 : memref<10000x48xf32, #tpu.memory_space<hbm>>) dst(%arg7 : memref<16x48xf32, #tpu.memory_space<vmem>>)
    "tpu.region"() ({
      %run_scoped3A = tpu.sem_alloc : memref<!tpu.dma_semaphore, #tpu.memory_space<semaphore_mem>>
      %dma_start3A_149 = arith.constant 9984 : i32
      %dma_start3A_150 = tpu.memref_slice %arg6[%dma_start3A_149] : memref<10000xi32, #tpu.memory_space<vmem>> -> memref<16xi32, #tpu.memory_space<vmem>>
      %dma_start3A_151 = arith.constant 0 : i32
      %dma_start3A_152 = arith.constant 0 : i32
      %dma_start3A_153 = tpu.memref_slice %arg15[%dma_start3A_151, %dma_start3A_152] : memref<10240x48xf32, #tpu.memory_space<vmem_shared>> -> memref<10240x48xf32, #tpu.memory_space<vmem_shared>>
      tpu.enqueue_indirect_dma source(%arg7 : memref<16x48xf32, #tpu.memory_space<vmem>>) target(%dma_start3A_153 : memref<10240x48xf32, #tpu.memory_space<vmem_shared>>) offsets(%dma_start3A_150 : memref<16xi32, #tpu.memory_space<vmem>>) semaphore(%run_scoped3A : memref<!tpu.dma_semaphore, #tpu.memory_space<semaphore_mem>>) {add = true}
      %dma_wait3A_154 = arith.constant 9984 : i32
      %dma_wait3A_155 = tpu.memref_slice %arg6[%dma_wait3A_154] : memref<10000xi32, #tpu.memory_space<vmem>> -> memref<16xi32, #tpu.memory_space<vmem>>
      %dma_wait3A_156 = arith.constant 0 : i32
      %dma_wait3A_157 = arith.constant 0 : i32
      %dma_wait3A_158 = tpu.memref_slice %arg15[%dma_wait3A_156, %dma_wait3A_157] : memref<10240x48xf32, #tpu.memory_space<vmem_shared>> -> memref<10240x48xf32, #tpu.memory_space<vmem_shared>>
      tpu.wait_indirect_dma semaphore(%run_scoped3A : memref<!tpu.dma_semaphore, #tpu.memory_space<semaphore_mem>>) src(%arg7 : memref<16x48xf32, #tpu.memory_space<vmem>>) dst(%dma_wait3A_158 : memref<10240x48xf32, #tpu.memory_space<vmem_shared>>)
      tpu.yield
    }) : () -> ()
    %barrier3A_142 = arith.constant 0 : index
    tpu.barrier barrier_id(%barrier3A_142)
    %lt3A = arith.constant 15 : i32
    %lt3A_143 = arith.cmpi slt, %arg1, %lt3A : i32
    %convert_element_type3A = arith.extui %lt3A_143 : i1 to i32
    %cond3A = arith.constant 0 : i32
    %cond3A_144 = arith.cmpi ne, %convert_element_type3A, %cond3A : i32
    scf.if %cond3A_144 {
      %mul3A_149 = arith.constant 640 : i32
      %mul3A_150 = arith.muli %arg1, %mul3A_149 : i32
      %mul3A_151 = arith.constant 640 : i32
      %mul3A_152 = arith.muli %arg1, %mul3A_151 : i32
      "tpu.region"() ({
        %run_scoped3A = tpu.sem_alloc : memref<!tpu.dma_semaphore, #tpu.memory_space<semaphore_mem>>
        %dma_start3A_153 = arith.constant 0 : i32
        %dma_start3A_154 = arith.constant 0 : i32
        %dma_start3A_155 = tpu.memref_slice %arg4[%arg0, %dma_start3A_153, %dma_start3A_154] : memref<2x10000x48xf32, #tpu.memory_space<hbm>> -> memref<1x10000x48xf32, #tpu.memory_space<hbm>>
        %dma_start3A_156 = tpu.memref_squeeze %dma_start3A_155 : memref<1x10000x48xf32, #tpu.memory_space<hbm>> -> memref<10000x48xf32, #tpu.memory_space<hbm>>
        %dma_start3A_157 = arith.constant 0 : i32
        %dma_start3A_158 = tpu.memref_slice %dma_start3A_156[%mul3A_152, %dma_start3A_157] : memref<10000x48xf32, #tpu.memory_space<hbm>> -> memref<640x48xf32, #tpu.memory_space<hbm>>
        %dma_start3A_159 = arith.constant 0 : i32
        %dma_start3A_160 = tpu.memref_slice %arg15[%mul3A_150, %dma_start3A_159] : memref<10240x48xf32, #tpu.memory_space<vmem_shared>> -> memref<640x48xf32, #tpu.memory_space<vmem_shared>>
        tpu.enqueue_dma source(%dma_start3A_160 : memref<640x48xf32, #tpu.memory_space<vmem_shared>>) target(%dma_start3A_158 : memref<640x48xf32, #tpu.memory_space<hbm>>) target_semaphore(%run_scoped3A : memref<!tpu.dma_semaphore, #tpu.memory_space<semaphore_mem>>)
        %dma_wait3A_161 = arith.constant 0 : i32
        %dma_wait3A_162 = arith.constant 0 : i32
        %dma_wait3A_163 = tpu.memref_slice %arg4[%arg0, %dma_wait3A_161, %dma_wait3A_162] : memref<2x10000x48xf32, #tpu.memory_space<hbm>> -> memref<1x10000x48xf32, #tpu.memory_space<hbm>>
        %dma_wait3A_164 = tpu.memref_squeeze %dma_wait3A_163 : memref<1x10000x48xf32, #tpu.memory_space<hbm>> -> memref<10000x48xf32, #tpu.memory_space<hbm>>
        %dma_wait3A_165 = arith.constant 0 : i32
        %dma_wait3A_166 = tpu.memref_slice %dma_wait3A_164[%mul3A_152, %dma_wait3A_165] : memref<10000x48xf32, #tpu.memory_space<hbm>> -> memref<640x48xf32, #tpu.memory_space<hbm>>
        %dma_wait3A_167 = arith.constant 0 : i32
        %dma_wait3A_168 = tpu.memref_slice %arg15[%mul3A_150, %dma_wait3A_167] : memref<10240x48xf32, #tpu.memory_space<vmem_shared>> -> memref<640x48xf32, #tpu.memory_space<vmem_shared>>
        tpu.wait_dma2 semaphore(%run_scoped3A : memref<!tpu.dma_semaphore, #tpu.memory_space<semaphore_mem>>) src(%dma_wait3A_168 : memref<640x48xf32, #tpu.memory_space<vmem_shared>>) dst(%dma_wait3A_166 : memref<640x48xf32, #tpu.memory_space<hbm>>)
        tpu.yield
      }) : () -> ()
    } else {
    }
    %eq3A = arith.constant 15 : i32
    %eq3A_145 = arith.cmpi eq, %arg1, %eq3A : i32
    %convert_element_type3A_146 = arith.extui %eq3A_145 : i1 to i32
    %cond3A_147 = arith.constant 0 : i32
    %cond3A_148 = arith.cmpi ne, %convert_element_type3A_146, %cond3A_147 : i32
    scf.if %cond3A_148 {
      "tpu.region"() ({
        %run_scoped3A = tpu.sem_alloc : memref<!tpu.dma_semaphore, #tpu.memory_space<semaphore_mem>>
        %dma_start3A_149 = arith.constant 0 : i32
        %dma_start3A_150 = arith.constant 0 : i32
        %dma_start3A_151 = tpu.memref_slice %arg4[%arg0, %dma_start3A_149, %dma_start3A_150] : memref<2x10000x48xf32, #tpu.memory_space<hbm>> -> memref<1x10000x48xf32, #tpu.memory_space<hbm>>
        %dma_start3A_152 = tpu.memref_squeeze %dma_start3A_151 : memref<1x10000x48xf32, #tpu.memory_space<hbm>> -> memref<10000x48xf32, #tpu.memory_space<hbm>>
        %dma_start3A_153 = arith.constant 9600 : i32
        %dma_start3A_154 = arith.constant 0 : i32
        %dma_start3A_155 = tpu.memref_slice %dma_start3A_152[%dma_start3A_153, %dma_start3A_154] : memref<10000x48xf32, #tpu.memory_space<hbm>> -> memref<400x48xf32, #tpu.memory_space<hbm>>
        %dma_start3A_156 = arith.constant 9600 : i32
        %dma_start3A_157 = arith.constant 0 : i32
        %dma_start3A_158 = tpu.memref_slice %arg15[%dma_start3A_156, %dma_start3A_157] : memref<10240x48xf32, #tpu.memory_space<vmem_shared>> -> memref<400x48xf32, #tpu.memory_space<vmem_shared>>
        tpu.enqueue_dma source(%dma_start3A_158 : memref<400x48xf32, #tpu.memory_space<vmem_shared>>) target(%dma_start3A_155 : memref<400x48xf32, #tpu.memory_space<hbm>>) target_semaphore(%run_scoped3A : memref<!tpu.dma_semaphore, #tpu.memory_space<semaphore_mem>>)
        %dma_wait3A_159 = arith.constant 0 : i32
        %dma_wait3A_160 = arith.constant 0 : i32
        %dma_wait3A_161 = tpu.memref_slice %arg4[%arg0, %dma_wait3A_159, %dma_wait3A_160] : memref<2x10000x48xf32, #tpu.memory_space<hbm>> -> memref<1x10000x48xf32, #tpu.memory_space<hbm>>
        %dma_wait3A_162 = tpu.memref_squeeze %dma_wait3A_161 : memref<1x10000x48xf32, #tpu.memory_space<hbm>> -> memref<10000x48xf32, #tpu.memory_space<hbm>>
        %dma_wait3A_163 = arith.constant 9600 : i32
        %dma_wait3A_164 = arith.constant 0 : i32
        %dma_wait3A_165 = tpu.memref_slice %dma_wait3A_162[%dma_wait3A_163, %dma_wait3A_164] : memref<10000x48xf32, #tpu.memory_space<hbm>> -> memref<400x48xf32, #tpu.memory_space<hbm>>
        %dma_wait3A_166 = arith.constant 9600 : i32
        %dma_wait3A_167 = arith.constant 0 : i32
        %dma_wait3A_168 = tpu.memref_slice %arg15[%dma_wait3A_166, %dma_wait3A_167] : memref<10240x48xf32, #tpu.memory_space<vmem_shared>> -> memref<400x48xf32, #tpu.memory_space<vmem_shared>>
        tpu.wait_dma2 semaphore(%run_scoped3A : memref<!tpu.dma_semaphore, #tpu.memory_space<semaphore_mem>>) src(%dma_wait3A_168 : memref<400x48xf32, #tpu.memory_space<vmem_shared>>) dst(%dma_wait3A_165 : memref<400x48xf32, #tpu.memory_space<hbm>>)
        tpu.yield
      }) : () -> ()
    } else {
    }
    return
  }
}

module attributes {stable_mosaic.version = 14 : i64} {
  func.func @_mm_scale_body(%arg0: i32, %arg1: memref<2000x128xf32, #tpu.memory_space<vmem>>, %arg2: memref<128x32xf32, #tpu.memory_space<vmem>>, %arg3: memref<2x2000x16xf32, #tpu.memory_space<vmem>>, %arg4: memref<2000x32xf32, #tpu.memory_space<vmem>>, %arg5: memref<2000x1xf32, #tpu.memory_space<vmem>>) attributes {dimension_semantics = [#tpu.dimension_semantics<arbitrary>], iteration_bounds = array<i64: 5>, scalar_prefetch = 0 : i64, scratch_operands = 0 : i64, tpu.core_type = #tpu.core_type<tc>, window_params = [{transform_indices = @transform_0, window_bounds = array<i64: 2000, 128>}, {pipeline_mode = #tpu.pipeline_mode<synchronous>, transform_indices = @transform_1, window_bounds = array<i64: 128, 32>}, {transform_indices = @transform_2, window_bounds = array<i64: 2, 2000, 16>}, {transform_indices = @transform_3, window_bounds = array<i64: 2000, 32>}, {transform_indices = @transform_4, window_bounds = array<i64: 2000, 1>}]} {
    %get3A = arith.constant 0 : index
    %get3A_0 = arith.constant 0 : index
    %get3A_1 = vector.load %arg1[%get3A, %get3A_0] : memref<2000x128xf32, #tpu.memory_space<vmem>>, vector<2000x128xf32>
    %get3A_2 = arith.constant 0 : index
    %get3A_3 = arith.constant 0 : index
    %get3A_4 = vector.load %arg2[%get3A_2, %get3A_3] : memref<128x32xf32, #tpu.memory_space<vmem>>, vector<128x32xf32>
    %dot_general3A = arith.constant dense<0.000000e+00> : vector<2000x32xf32>
    %dot_general3A_5 = tpu.matmul %get3A_1, %get3A_4, %dot_general3A {dimension_numbers = #tpu.dot_dimension_numbers<[1], [0], [0], [1], [0, 0, 1, 1], [], []>, transpose_lhs_hint = false} : vector<2000x128xf32>, vector<128x32xf32>, vector<2000x32xf32> -> vector<2000x32xf32>
    %get3A_6 = arith.constant 0 : index
    %get3A_7 = arith.constant 0 : index
    %get3A_8 = arith.constant 0 : index
    %get3A_9 = vector.load %arg3[%get3A_6, %get3A_7, %get3A_8] : memref<2x2000x16xf32, #tpu.memory_space<vmem>>, vector<1x2000x1xf32>
    %get3A_10 = vector.shape_cast %get3A_9 : vector<1x2000x1xf32> to vector<2000x1xf32>
    %get3A_11 = arith.constant 1 : index
    %get3A_12 = arith.constant 0 : index
    %get3A_13 = arith.constant 0 : index
    %get3A_14 = vector.load %arg3[%get3A_11, %get3A_12, %get3A_13] : memref<2x2000x16xf32, #tpu.memory_space<vmem>>, vector<1x2000x1xf32>
    %get3A_15 = vector.shape_cast %get3A_14 : vector<1x2000x1xf32> to vector<2000x1xf32>
    %add3A = arith.addf %get3A_10, %get3A_15 : vector<2000x1xf32>
    %add3A_16 = arith.constant 1.000000e+00 : f32
    %add3A_17 = vector.broadcast %add3A_16 : f32 to vector<2000x1xf32>
    %add3A_18 = arith.addf %add3A, %add3A_17 : vector<2000x1xf32>
    %rsqrt3A = math.rsqrt %add3A_18 : vector<2000x1xf32>
    %swap3A = arith.constant 0 : index
    %swap3A_19 = arith.constant 0 : index
    %swap3A_20 = vector.load %arg5[%swap3A, %swap3A_19] : memref<2000x1xf32, #tpu.memory_space<vmem>>, vector<2000x1xf32>
    tpu.vector_store %arg5[%swap3A, %swap3A_19], %rsqrt3A {strides = array<i32>} : memref<2000x1xf32, #tpu.memory_space<vmem>>, vector<2000x1xf32>,
    %mul3A = vector.broadcast %rsqrt3A : vector<2000x1xf32> to vector<2000x32xf32>
    %mul3A_21 = arith.mulf %dot_general3A_5, %mul3A : vector<2000x32xf32>
    %swap3A_22 = arith.constant 0 : index
    %swap3A_23 = arith.constant 0 : index
    %swap3A_24 = vector.load %arg4[%swap3A_22, %swap3A_23] : memref<2000x32xf32, #tpu.memory_space<vmem>>, vector<2000x32xf32>
    tpu.vector_store %arg4[%swap3A_22, %swap3A_23], %mul3A_21 {strides = array<i32>} : memref<2000x32xf32, #tpu.memory_space<vmem>>, vector<2000x32xf32>,
    return
  }
  func.func @transform_0(%arg0: i32) -> (i32, i32) {
    %c0_i32 = arith.constant 0 : i32
    %c0_i32_0 = arith.constant 0 : i32
    return %arg0, %c0_i32 : i32, i32
  }
  func.func @transform_1(%arg0: i32) -> (i32, i32) {
    %c0_i32 = arith.constant 0 : i32
    %c0_i32_0 = arith.constant 0 : i32
    %c0_i32_1 = arith.constant 0 : i32
    return %c0_i32, %c0_i32_0 : i32, i32
  }
  func.func @transform_2(%arg0: i32) -> (i32, i32, i32) {
    %c0_i32 = arith.constant 0 : i32
    %c0_i32_0 = arith.constant 0 : i32
    %c0_i32_1 = arith.constant 0 : i32
    return %c0_i32, %arg0, %c0_i32_0 : i32, i32, i32
  }
  func.func @transform_3(%arg0: i32) -> (i32, i32) {
    %c0_i32 = arith.constant 0 : i32
    %c0_i32_0 = arith.constant 0 : i32
    return %arg0, %c0_i32 : i32, i32
  }
  func.func @transform_4(%arg0: i32) -> (i32, i32) {
    %c0_i32 = arith.constant 0 : i32
    %c0_i32_0 = arith.constant 0 : i32
    return %arg0, %c0_i32 : i32, i32
  }
}

module attributes {stable_mosaic.version = 14 : i64} {
  func.func @_mid_body(%arg0: memref<2x10000x32xf32, #tpu.memory_space<vmem>>, %arg1: memref<10000x32xf32, #tpu.memory_space<vmem>>, %arg2: memref<10000x1xf32, #tpu.memory_space<vmem>>, %arg3: memref<1x32xf32, #tpu.memory_space<vmem>>, %arg4: memref<1x32xf32, #tpu.memory_space<vmem>>, %arg5: memref<1x32xf32, #tpu.memory_space<vmem>>, %arg6: memref<32x48xf32, #tpu.memory_space<vmem>>, %arg7: memref<10000x48xf32, #tpu.memory_space<vmem>>) attributes {dimension_semantics = [], scalar_prefetch = 0 : i64, scratch_operands = 0 : i64, tpu.core_type = #tpu.core_type<tc>} {
    %get3A = arith.constant 0 : index
    %get3A_0 = arith.constant 0 : index
    %get3A_1 = arith.constant 0 : index
    %get3A_2 = vector.load %arg0[%get3A, %get3A_0, %get3A_1] : memref<2x10000x32xf32, #tpu.memory_space<vmem>>, vector<1x10000x32xf32>
    %get3A_3 = vector.shape_cast %get3A_2 : vector<1x10000x32xf32> to vector<10000x32xf32>
    %get3A_4 = arith.constant 1 : index
    %get3A_5 = arith.constant 0 : index
    %get3A_6 = arith.constant 0 : index
    %get3A_7 = vector.load %arg0[%get3A_4, %get3A_5, %get3A_6] : memref<2x10000x32xf32, #tpu.memory_space<vmem>>, vector<1x10000x32xf32>
    %get3A_8 = vector.shape_cast %get3A_7 : vector<1x10000x32xf32> to vector<10000x32xf32>
    %add3A = arith.addf %get3A_3, %get3A_8 : vector<10000x32xf32>
    %get3A_9 = arith.constant 0 : index
    %get3A_10 = arith.constant 0 : index
    %get3A_11 = vector.load %arg1[%get3A_9, %get3A_10] : memref<10000x32xf32, #tpu.memory_space<vmem>>, vector<10000x32xf32>
    %add3A_12 = arith.addf %add3A, %get3A_11 : vector<10000x32xf32>
    %get3A_13 = arith.constant 0 : index
    %get3A_14 = arith.constant 0 : index
    %get3A_15 = vector.load %arg2[%get3A_13, %get3A_14] : memref<10000x1xf32, #tpu.memory_space<vmem>>, vector<10000x1xf32>
    %mul3A = vector.broadcast %get3A_15 : vector<10000x1xf32> to vector<10000x32xf32>
    %mul3A_16 = arith.mulf %add3A_12, %mul3A : vector<10000x32xf32>
    %get3A_17 = arith.constant 0 : index
    %get3A_18 = arith.constant 0 : index
    %get3A_19 = vector.load %arg3[%get3A_17, %get3A_18] : memref<1x32xf32, #tpu.memory_space<vmem>>, vector<1x32xf32>
    %add3A_20 = vector.broadcast %get3A_19 : vector<1x32xf32> to vector<10000x32xf32>
    %add3A_21 = arith.addf %mul3A_16, %add3A_20 : vector<10000x32xf32>
    %reduce_sum3A = arith.constant dense<0.000000e+00> : vector<32xf32>
    %reduce_sum3A_22 = vector.multi_reduction <add>, %add3A_21, %reduce_sum3A [0] : vector<10000x32xf32> to vector<32xf32>
    %broadcast_in_dim3A = vector.shape_cast %reduce_sum3A_22 : vector<32xf32> to vector<1x32xf32>
    %div3A = arith.constant 1.000000e+04 : f32
    %div3A_23 = vector.broadcast %div3A : f32 to vector<1x32xf32>
    %div3A_24 = arith.divf %broadcast_in_dim3A, %div3A_23 : vector<1x32xf32>
    %sub3A = vector.broadcast %div3A_24 : vector<1x32xf32> to vector<10000x32xf32>
    %sub3A_25 = arith.subf %add3A_21, %sub3A : vector<10000x32xf32>
    %integer_pow3A = arith.mulf %sub3A_25, %sub3A_25 : vector<10000x32xf32>
    %reduce_sum3A_26 = arith.constant dense<0.000000e+00> : vector<32xf32>
    %reduce_sum3A_27 = vector.multi_reduction <add>, %integer_pow3A, %reduce_sum3A_26 [0] : vector<10000x32xf32> to vector<32xf32>
    %broadcast_in_dim3A_28 = vector.shape_cast %reduce_sum3A_27 : vector<32xf32> to vector<1x32xf32>
    %div3A_29 = arith.constant 1.000000e+04 : f32
    %div3A_30 = vector.broadcast %div3A_29 : f32 to vector<1x32xf32>
    %div3A_31 = arith.divf %broadcast_in_dim3A_28, %div3A_30 : vector<1x32xf32>
    %sub3A_32 = vector.broadcast %div3A_24 : vector<1x32xf32> to vector<10000x32xf32>
    %sub3A_33 = arith.subf %add3A_21, %sub3A_32 : vector<10000x32xf32>
    %add3A_34 = arith.constant 9.99999974E-6 : f32
    %add3A_35 = vector.broadcast %add3A_34 : f32 to vector<1x32xf32>
    %add3A_36 = arith.addf %div3A_31, %add3A_35 : vector<1x32xf32>
    %rsqrt3A = math.rsqrt %add3A_36 : vector<1x32xf32>
    %mul3A_37 = vector.broadcast %rsqrt3A : vector<1x32xf32> to vector<10000x32xf32>
    %mul3A_38 = arith.mulf %sub3A_33, %mul3A_37 : vector<10000x32xf32>
    %get3A_39 = arith.constant 0 : index
    %get3A_40 = arith.constant 0 : index
    %get3A_41 = vector.load %arg4[%get3A_39, %get3A_40] : memref<1x32xf32, #tpu.memory_space<vmem>>, vector<1x32xf32>
    %mul3A_42 = vector.broadcast %get3A_41 : vector<1x32xf32> to vector<10000x32xf32>
    %mul3A_43 = arith.mulf %mul3A_38, %mul3A_42 : vector<10000x32xf32>
    %get3A_44 = arith.constant 0 : index
    %get3A_45 = arith.constant 0 : index
    %get3A_46 = vector.load %arg5[%get3A_44, %get3A_45] : memref<1x32xf32, #tpu.memory_space<vmem>>, vector<1x32xf32>
    %add3A_47 = vector.broadcast %get3A_46 : vector<1x32xf32> to vector<10000x32xf32>
    %add3A_48 = arith.addf %mul3A_43, %add3A_47 : vector<10000x32xf32>
    %max3A = arith.constant 0.000000e+00 : f32
    %max3A_49 = vector.broadcast %max3A : f32 to vector<10000x32xf32>
    %max3A_50 = arith.maximumf %add3A_48, %max3A_49 : vector<10000x32xf32>
    %get3A_51 = arith.constant 0 : index
    %get3A_52 = arith.constant 0 : index
    %get3A_53 = vector.load %arg6[%get3A_51, %get3A_52] : memref<32x48xf32, #tpu.memory_space<vmem>>, vector<32x48xf32>
    %dot_general3A = arith.constant dense<0.000000e+00> : vector<10000x48xf32>
    %dot_general3A_54 = tpu.matmul %max3A_50, %get3A_53, %dot_general3A {dimension_numbers = #tpu.dot_dimension_numbers<[1], [0], [0], [1], [0, 0, 1, 1], [], []>, transpose_lhs_hint = false} : vector<10000x32xf32>, vector<32x48xf32>, vector<10000x48xf32> -> vector<10000x48xf32>
    %get3A_55 = arith.constant 0 : index
    %get3A_56 = arith.constant 0 : index
    %get3A_57 = vector.load %arg2[%get3A_55, %get3A_56] : memref<10000x1xf32, #tpu.memory_space<vmem>>, vector<10000x1xf32>
    %mul3A_58 = vector.broadcast %get3A_57 : vector<10000x1xf32> to vector<10000x48xf32>
    %mul3A_59 = arith.mulf %dot_general3A_54, %mul3A_58 : vector<10000x48xf32>
    %swap3A = arith.constant 0 : index
    %swap3A_60 = arith.constant 0 : index
    %swap3A_61 = vector.load %arg7[%swap3A, %swap3A_60] : memref<10000x48xf32, #tpu.memory_space<vmem>>, vector<10000x48xf32>
    tpu.vector_store %arg7[%swap3A, %swap3A_60], %mul3A_59 {strides = array<i32>} : memref<10000x48xf32, #tpu.memory_space<vmem>>, vector<10000x48xf32>,
    return
  }
}

module attributes {stable_mosaic.version = 14 : i64} {
  func.func @_final_body(%arg0: i32, %arg1: memref<2x2000x48xf32, #tpu.memory_space<vmem>>, %arg2: memref<2000x48xf32, #tpu.memory_space<vmem>>, %arg3: memref<2000x1xf32, #tpu.memory_space<vmem>>, %arg4: memref<1x48xf32, #tpu.memory_space<vmem>>, %arg5: memref<2000x40xf32, #tpu.memory_space<vmem>>) attributes {dimension_semantics = [#tpu.dimension_semantics<arbitrary>], iteration_bounds = array<i64: 5>, scalar_prefetch = 0 : i64, scratch_operands = 0 : i64, tpu.core_type = #tpu.core_type<tc>, window_params = [{transform_indices = @transform_0, window_bounds = array<i64: 2, 2000, 48>}, {transform_indices = @transform_1, window_bounds = array<i64: 2000, 48>}, {transform_indices = @transform_2, window_bounds = array<i64: 2000, 1>}, {pipeline_mode = #tpu.pipeline_mode<synchronous>, transform_indices = @transform_3, window_bounds = array<i64: 1, 48>}, {transform_indices = @transform_4, window_bounds = array<i64: 2000, 40>}]} {
    %get3A = arith.constant 0 : index
    %get3A_0 = arith.constant 0 : index
    %get3A_1 = arith.constant 0 : index
    %get3A_2 = vector.load %arg1[%get3A, %get3A_0, %get3A_1] : memref<2x2000x48xf32, #tpu.memory_space<vmem>>, vector<1x2000x48xf32>
    %get3A_3 = vector.shape_cast %get3A_2 : vector<1x2000x48xf32> to vector<2000x48xf32>
    %get3A_4 = arith.constant 1 : index
    %get3A_5 = arith.constant 0 : index
    %get3A_6 = arith.constant 0 : index
    %get3A_7 = vector.load %arg1[%get3A_4, %get3A_5, %get3A_6] : memref<2x2000x48xf32, #tpu.memory_space<vmem>>, vector<1x2000x48xf32>
    %get3A_8 = vector.shape_cast %get3A_7 : vector<1x2000x48xf32> to vector<2000x48xf32>
    %add3A = arith.addf %get3A_3, %get3A_8 : vector<2000x48xf32>
    %get3A_9 = arith.constant 0 : index
    %get3A_10 = arith.constant 0 : index
    %get3A_11 = vector.load %arg2[%get3A_9, %get3A_10] : memref<2000x48xf32, #tpu.memory_space<vmem>>, vector<2000x48xf32>
    %add3A_12 = arith.addf %add3A, %get3A_11 : vector<2000x48xf32>
    %get3A_13 = arith.constant 0 : index
    %get3A_14 = arith.constant 0 : index
    %get3A_15 = vector.load %arg3[%get3A_13, %get3A_14] : memref<2000x1xf32, #tpu.memory_space<vmem>>, vector<2000x1xf32>
    %mul3A = vector.broadcast %get3A_15 : vector<2000x1xf32> to vector<2000x48xf32>
    %mul3A_16 = arith.mulf %add3A_12, %mul3A : vector<2000x48xf32>
    %get3A_17 = arith.constant 0 : index
    %get3A_18 = arith.constant 0 : index
    %get3A_19 = vector.load %arg4[%get3A_17, %get3A_18] : memref<1x48xf32, #tpu.memory_space<vmem>>, vector<1x48xf32>
    %add3A_20 = vector.broadcast %get3A_19 : vector<1x48xf32> to vector<2000x48xf32>
    %add3A_21 = arith.addf %mul3A_16, %add3A_20 : vector<2000x48xf32>
    %slice3A = vector.extract_strided_slice %add3A_21 {offsets = [0, 0], sizes = [2000, 40], strides = [1, 1]} : vector<2000x48xf32> to vector<2000x40xf32>
    %swap3A = arith.constant 0 : index
    %swap3A_22 = arith.constant 0 : index
    %swap3A_23 = vector.load %arg5[%swap3A, %swap3A_22] : memref<2000x40xf32, #tpu.memory_space<vmem>>, vector<2000x40xf32>
    tpu.vector_store %arg5[%swap3A, %swap3A_22], %slice3A {strides = array<i32>} : memref<2000x40xf32, #tpu.memory_space<vmem>>, vector<2000x40xf32>,
    return
  }
  func.func @transform_0(%arg0: i32) -> (i32, i32, i32) {
    %c0_i32 = arith.constant 0 : i32
    %c0_i32_0 = arith.constant 0 : i32
    %c0_i32_1 = arith.constant 0 : i32
    return %c0_i32, %arg0, %c0_i32_0 : i32, i32, i32
  }
  func.func @transform_1(%arg0: i32) -> (i32, i32) {
    %c0_i32 = arith.constant 0 : i32
    %c0_i32_0 = arith.constant 0 : i32
    return %arg0, %c0_i32 : i32, i32
  }
  func.func @transform_2(%arg0: i32) -> (i32, i32) {
    %c0_i32 = arith.constant 0 : i32
    %c0_i32_0 = arith.constant 0 : i32
    return %arg0, %c0_i32 : i32, i32
  }
  func.func @transform_3(%arg0: i32) -> (i32, i32) {
    %c0_i32 = arith.constant 0 : i32
    %c0_i32_0 = arith.constant 0 : i32
    %c0_i32_1 = arith.constant 0 : i32
    return %c0_i32, %c0_i32_0 : i32, i32
  }
  func.func @transform_4(%arg0: i32) -> (i32, i32) {
    %c0_i32 = arith.constant 0 : i32
    %c0_i32_0 = arith.constant 0 : i32
    return %arg0, %c0_i32 : i32, i32
  }
}

</mosaic_0001>

<sc_bundles>
// kernel: kernel.11.cloned.1.call-start
scs
__scs_entry_jumppad:
0x0: {  	(pc) =	sbr.rel $0x88, $3  }
0x1: {  	(tag) =	ssettag $0x0;
	lr =	simm.s32 $0x1  }
0x2: {  	[smem:$0x3F99] =	sst lr;
	_ =	strace $0xD0000000  }
0x3: {  	_ = 	snop  }
0x4: {  	_ = 	snop  }
0x5: {  	_ = 	snop  }
0x6: {  	_ = 	snop  }
0x7: {  	_ = 	snop  }
__scs_overlays_trampoline_lowered:
0x8: {  	[smem:$0x3FA8] =	sst s0  }
0x9: {  	[smem:$0x3FA9] =	sst s1  }
0xa: {  	[smem:$0x3FAA] =	sst s2  }
0xb: {  	[smem:$0x3FAB] =	sst s3  }
0xc: {  	[smem:$0x3FAC] =	sst s4  }
0xd: {  	[smem:$0x3FAD] =	sst s5  }
0xe: {  	[smem:$0x3FAE] =	sst s6  }
0xf: {  	[smem:$0x3FAF] =	sst s7  }
0x10: {  	[smem:$0x3FB0] =	sst s8  }
0x11: {  	[smem:$0x3FB1] =	sst s9;
	s0 =	simm.s32 @!p0 $0x0  }
0x12: {  	s1 =	sld [smem:$0x3F97];
	s0 =	simm.s32 @p0 $0x1  }
0x13: {  	[smem:$0x3FB2] =	sst s0;
	s0 =	simm.s32 @!p1 $0x0  }
0x14: {  	s2 =	sld [smem:$0x3F96];
	s0 =	simm.s32 @p1 $0x1  }
0x15: {  	[smem:$0x3FB3] =	sst s0;
	s0 =	simm.s32 @!p2 $0x0  }
0x16: {  	s3 =	sld [smem:$0x3FDB];
	s0 =	simm.s32 @p2 $0x1  }
0x17: {  	s4 =	simm.s32 $0x1BF5;
	[smem:$0x3FB5] =	sst s0  }
0x18: {  	s0 =	sld [smem:$0x3F98];
	_ =	swait.ge [sflag:s4], $0x0  }
0x19: {  	s7 =	sld [smem:$0x3F99]  }
0x1a: {  	s8 =	sadd.s32 $0xFFFFE003, lr  }
0x1b: {  	s9 =	sadd.s32 $0xFFFFFEF7, lr;
	s5 =	simm.s32 $0xFFFFFFFF;
	p2 =	slt.u32 s8, $0xFFFFF086  }
0x1c: {  	p1 =	slt.u32 s9, $0xF7A;
	s5 =	simm.s32 @!p2 $0x0  }
0x1d: {  	s5 =	simm.s32 @p1 $0x1;
	p0 =	seq.s32 s7, s2  }
0x1e: {  	s7 =	smul.u32 @!p0 $0xF7A, s2;
	p2 =	seq.s32 @!p0 s5, $0x0  }
0x1f: {  	s9 =	smul.u32 $0xF7A, s1;
	s8 =	simm.s32 @!p0 $0x1BF5;
	p2 =	por !p2, p0  }
0x20: {  	[sflag:s8] =	ssyncset.s32 @!p0 $0xFFFFF086;
	s6 =	sadd.s32 @!p0 s3, s7;
	s7 =	simm.s32 @!p0 $0x108  }
0x21: {  	s3 =	sadd.s32 s3, s9;
	s6 =	sadd.s32 @!p0 $0x88, s6;
	s7 =	simm.s32 @p2 $0x1082  }
0x22: {  	[simem:s7], [sflag:s8] =	dma.local @!p0 [hbm:s6], $0xF7A  }
0x23: {  	s9 =	sor.u32 $0xD0000000, s2;
	s6 =	simm.s32 $0x108;
	_ =	swait.ge @!p0 [sflag:s8], $0x0  }
0x24: {  	s3 =	sadd.s32 $0x88, s3;
	s6 =	simm.s32 @!p1 $0x1082;
	[sflag:s4] =	ssyncset.s32 $0xFFFFF086  }
0x25: {  	[simem:s6], [sflag:s4] =	dma.local [hbm:s3], $0xF7A  }
0x26: {  	[smem:$0x3F99] =	sst s1;
	(tag) =	ssettag s2;
	_ =	strace s9  }
0x27: {  	s1 =	sld [smem:$0x3FA9]  }
0x28: {  	s2 =	sld [smem:$0x3FAA]  }
0x29: {  	s4 =	sld [smem:$0x3FAC]  }
0x2a: {  	p0 =	seq.s32 s5, $0x0;
	s5 =	sld [smem:$0x3FAD]  }
0x2b: {  	s6 =	sld [smem:$0x3FAE]  }
0x2c: {  	s7 =	sld [smem:$0x3FAF]  }
0x2d: {  	s3 =	simm.s32 $0x108;
	s8 =	sld [smem:$0x3FB0]  }
0x2e: {  	s3 =	simm.s32 @!p0 $0x1082;
	s9 =	sld [smem:$0x3FB1]  }
0x2f: {  	lr =	sadd.s32 s0, s3;
	s0 =	sld [smem:$0x3FA8]  }
0x30: {  	s3 =	sld [smem:$0x3FAB]  }
0x31: {  	[smem:$0x3FB4] =	sst s10  }
0x32: {  	s10 =	sld [smem:$0x3FB2];
	_ =	sdelay $0x3  }
0x33: {  	p0 =	seq.s32 s10, $0x1;
	s10 =	sld [smem:$0x3FB4];
	_ =	sdelay $0x3  }
0x34: {  	[smem:$0x3FB4] =	sst s10  }
0x35: {  	s10 =	sld [smem:$0x3FB3];
	_ =	sdelay $0x3  }
0x36: {  	p1 =	seq.s32 s10, $0x1;
	s10 =	sld [smem:$0x3FB4];
	_ =	sdelay $0x3  }
0x37: {  	[smem:$0x3FB4] =	sst s10  }
0x38: {  	s10 =	sld [smem:$0x3FB5]  }
0x39: {  	_ = 	snop;
	(pc) =	sbr.ind lr, $3  }
0x3a: {  	_ = 	snop  }
0x3b: {  	_ = 	snop  }
0x3c: {  	p2 =	seq.s32 s10, $0x1;
	s10 =	sld [smem:$0x3FB4]  }
0x3d: {  	_ =	shalt  }
0x3e: {  	_ =	shalt  }
0x3f: {  	_ =	shalt  }
0x40: {  	_ =	shalt  }
0x41: {  	_ =	shalt  }
0x42: {  	_ =	shalt  }
0x43: {  	_ =	shalt  }
0x44: {  	_ =	shalt  }
0x45: {  	_ =	shalt  }
0x46: {  	_ =	shalt  }
0x47: {  	_ =	shalt  }
0x48: {  	_ =	shalt  }
0x49: {  	_ =	shalt  }
0x4a: {  	_ =	shalt  }
0x4b: {  	_ =	shalt  }
0x4c: {  	_ =	shalt  }
0x4d: {  	_ =	shalt  }
0x4e: {  	_ =	shalt  }
0x4f: {  	_ =	shalt  }
0x50: {  	_ =	shalt  }
0x51: {  	_ =	shalt  }
0x52: {  	_ =	shalt  }
0x53: {  	_ =	shalt  }
0x54: {  	_ =	shalt  }
0x55: {  	_ =	shalt  }
0x56: {  	_ =	shalt  }
0x57: {  	_ =	shalt  }
0x58: {  	_ =	shalt  }
0x59: {  	_ =	shalt  }
0x5a: {  	_ =	shalt  }
0x5b: {  	_ =	shalt  }
0x5c: {  	_ =	shalt  }
0x5d: {  	_ =	shalt  }
0x5e: {  	_ =	shalt  }
0x5f: {  	_ =	shalt  }
0x60: {  	_ =	shalt  }
0x61: {  	_ =	shalt  }
0x62: {  	_ =	shalt  }
0x63: {  	_ =	shalt  }
0x64: {  	_ =	shalt  }
0x65: {  	_ =	shalt  }
0x66: {  	_ =	shalt  }
0x67: {  	_ =	shalt  }
0x68: {  	_ =	shalt  }
0x69: {  	_ =	shalt  }
0x6a: {  	_ =	shalt  }
0x6b: {  	_ =	shalt  }
0x6c: {  	_ =	shalt  }
0x6d: {  	_ =	shalt  }
0x6e: {  	_ =	shalt  }
0x6f: {  	_ =	shalt  }
0x70: {  	_ =	shalt  }
0x71: {  	_ =	shalt  }
0x72: {  	_ =	shalt  }
0x73: {  	_ =	shalt  }
0x74: {  	_ =	shalt  }
0x75: {  	_ =	shalt  }
0x76: {  	_ =	shalt  }
0x77: {  	_ =	shalt  }
0x78: {  	_ =	shalt  }
0x79: {  	_ =	shalt  }
0x7a: {  	_ =	shalt  }
0x7b: {  	_ =	shalt  }
0x7c: {  	_ =	shalt  }
0x7d: {  	_ =	shalt  }
0x7e: {  	_ =	shalt  }
0x7f: {  	_ =	shalt  }
0x80: {  	_ =	shalt  }
0x81: {  	_ =	shalt  }
0x82: {  	_ =	shalt  }
0x83: {  	_ =	shalt  }
0x84: {  	_ =	shalt  }
0x85: {  	_ =	shalt  }
0x86: {  	_ =	shalt  }
0x87: {  	_ =	shalt  }
.Lfunc_end0:
.L_simem_size_0:
called_computation.1_lowered:
.L_overlay_start_0:
0x88: {  	s2 =	sld [smem:$0x3FD9]  }
0x89: {  	s3 =	sld [smem:$0x3FFE];
	_ =	sdelay $0x1  }
0x8a: {  	s1 =	srdreg.scid  }
0x8b: {  	s0 =	sand.u32 $0x1, s1  }
0x8c: {  	s17 =	sshll.u32 s0, $0xA;
	s2 =	sadd.s32 s3, s2  }
0x8d: {  	s2 =	sadd.s32 s2, s17  }
0x8e: {  	[smem:$0x3FC0] =	sst s2  }
0x8f: {  	_ = 	snop  }
0x90: {  	s2 =	sld [smem:$0x3FD0];
	(tm) =	ssettm $0x1  }
0x91: {  	s18 =	sld [smem:$0x3FFB];
	_ =	sdelay $0x3  }
0x92: {  	_ =	strace s18  }
0x93: {  	s3 =	sld [smem:$0x3FFC];
	_ =	sdelay $0x3  }
0x94: {  	_ =	strace s3  }
0x95: {  	s3 =	sld [smem:$0x3FFD];
	_ =	sdelay $0x3  }
0x96: {  	_ =	strace s3  }
0x97: {  	_ =	strace $0x8FFFFFFF  }
0x98: {  	s19 =	sld [smem:$0x3FDB];
	_ =	sdelay $0x1  }
0x99: {  	s4 =	simm.s32 $_scs_section_size  }
0x9a: {  	s5 =	simm.s32 $_size__tile_overlayer_lowered;
	s6 =	simm.s32 $_tile_overlayer_lowered  }
0x9b: {  	s22 =	simm.s32 $0x1BFF;
	s21 =	sshll.u32 s6, $0x1;
	s3 =	sadd.s32 s4, s19  }
0x9c: {  	s7 =	simm.s32 $0x0;
	s20 =	sshll.u32 s5, $0x1;
	s5 =	sadd.s32 s21, s3  }
0x9d: {  	[timem:s7], [sflag:s22] =	dma.local [hbm:s5], s20  }
0x9e: {  	_ =	swait.ge [sflag:s22], s20  }
0x9f: {  	s4 =	ssub.s32 $0x0, s20;
	[sflag:s22] =	ssyncset.done $0x0  }
0xa0: {  	[sflag:s22] =	ssyncadd.s32 s4;
	_ =	sdelay $0x1  }
0xa1: {  	s23 =	simm.s32 $0x1B8B  }
0xa2: {  	_ =	swait.ge [sflag:s23], $0x1  }
0xa3: {  	[sflag:s23] =	ssyncset.done $0x0  }
0xa4: {  	s25 =	simm.s32 $0x1B8E;
	s24 =	sld [smem:$0x3FFE];
	[sflag:s23] =	ssyncadd.s32 $0xFFFFFFFF  }
0xa5: {  	s26 =	simm.s32 $execute0_lowered;
	[smem:$0x3FD2] =	sst s25  }
0xa6: {  	s5 =	sshll.u32 s26, $0x1;
	_ =	strace $0x80000049;
	[dreg:$0x1] =	wrdreg $0xFFFFFFFF  }
0xa7: {  	s28 =	simm.s32 $_size_execute0_lowered;
	s3 =	sadd.s32 s3, s5;
	[dreg:$0x0] =	wrdreg $0x0  }
0xa8: {  	s5 =	sshll.u32 s28, $0x1;
	[dreg:$0x2] =	wrdreg s3  }
0xa9: {  	[dreg:$0x3] =	wrdreg s5  }
0xaa: {  	[dreg:$0x4] =	wrdreg $0xC0  }
0xab: {  	_ =	task [dreg:s7], $0x5FFFF  }
0xac: {  	[dreg:$0x1] =	wrdreg $0xFFFFFFFF  }
0xad: {  	[dreg:$0x0] =	wrdreg $0x60  }
0xae: {  	[dreg:$0x2] =	wrdreg s2  }
0xaf: {  	[dreg:$0x3] =	wrdreg s24  }
0xb0: {  	[dreg:$0x4] =	wrdreg $0xC0200  }
0xb1: {  	[dreg:$0x5] =	wrdreg $0x9  }
0xb2: {  	_ =	task.clear_ibuf [dreg:s7], $0x6FFFF;
	_ =	strace $0x90000049  }
0xb3: {  	s29 =	simm.s32 $0x9;
	_ =	strace $0x8000004B  }
0xb4: {  	_ =	swait.ge [sflag:s29], $0x1  }
0xb5: {  	[sflag:s29] =	ssyncadd.s32 $0xFFFFFFFF  }
0xb6: {  	_ =	strace $0x9000004B  }
0xb7: {  	_ =	sfence  }
0xb8: {  	s30 =	sld [smem:$0x0];
	_ =	sdelay $0x2  }
0xb9: {  	s31 =	sshll.u32 s1, $0xD;
	s1 =	sshrl.u32 s1, $0x2  }
0xba: {  	s3 =	sand.u32 $0x4000, s31;
	s1 =	sadd.s32 s1, s30  }
0xbb: {  	s0 =	sor.u32 s3, s0;
	s1 =	sshll.u32 s1, $0x11  }
0xbc: {  	s0 =	sor.u32 s1, s0  }
0xbd: {  	s0 =	sadd.s32 $0x8F2B, s0  }
0xbe: {  	[sflag:s0] =	ssyncadd.remote.s32 $0x1  }
0xbf: {  	_ =	sfence.sel $0xFFFF  }
0xc0: {  	[dreg:$0x0] =	wrdreg $0xFFFFFFFF;
	(pc) =	sbr.abs _section_cstart, $3  }
0xc1: {  	[dreg:$0x1] =	wrdreg $0xFFFFFFFF  }
0xc2: {  	_ =	task.clear_ibuf [dreg:s7], $0x2FFFF;
	_ =	strace $0x9FFFFFFF  }
0xc3: {  	(tm) =	ssettm $0x7FFFFFFF  }
tec
execute0_lowered:
.L_overlay_start_1:
0x0: {  	(tag) =	ssettag $0x1  }
0x1: {  	s0 =	srdreg.scid;
	s1 =	rddreg [dreg:$0x0]  }
0x2: {  	s2 =	rddreg [dreg:$0x1];
	s8 =	stileid.u32  }
0x3: {  	s3 =	rddreg [dreg:$0x2];
	s5 =	simm.s32 $0x0;
	s15 =	simm.s32 $0x5020  }
0x4: {  	s16 =	simm.s32 $0x9;
	s17 =	simm.s32 $0x7;
	s18 =	simm.s32 $0x80  }
0x5: {  	s19 =	simm.s32 $0x6020;
	s20 =	simm.s32 $0x7020;
	s29 =	simm.s32 $0xA020  }
0x6: {  	s31 =	simm.s32 $0xB020;
	s28 =	simm.s32 $0x2;
	s30 =	simm.s32 $0x3  }
0x7: {  	s14 =	simm.s32 $0x5;
	s0 =	sand.u32 $0x1, s0;
	s6 =	smul.u32 $0x14000, s8  }
0x8: {  	[smem:$0x7FF] =	sst s5;
	s23 =	smul.u32 $0x5000, s8;
	p0 =	seq.s32 s8, $0xF  }
0x9: {  	s5 =	simm.s32 $0x8;
	s4 =	sshll.u32 s0, $0x4;
	s21 =	smul.u32 $0x9C40, s0  }
0xa: {  	_ =	strace $0x8000004A;
	s0 =	ssub.s32 $0x2, s0;
	s4 =	sor.u32 s8, s4  }
0xb: {  	s22 =	sshrl.u32 s0, $0x1;
	s6 =	sshrl.u32 s6, $0x2;
	s4 =	smul.u32 $0x4E2, s4  }
0xc: {  	s0 =	ssub.s32 s0, s22;
	s24 =	sadd.s32 s6, s3;
	s22 =	simm.s32 $0x8020  }
0xd: {  	s6 =	sadd.s32 $0x1000, s24;
	s25 =	sadd.s32 $0x2000, s24;
	s26 =	sadd.s32 $0x3000, s24  }
0xe: {  	s11 =	sadd.s32 $0x4000, s24;
	s13 =	smax.u32 s0, $0x1;
	[dreg:$0x6] =	wrdreg s6  }
0xf: {  	s0 =	simm.s32 $0x4;
	s4 =	sadd.s32 s4, s2;
	[dreg:$0x7] =	wrdreg s25  }
0x10: {  	s2 =	sadd.s32 s21, s2;
	[dreg:$0x8] =	wrdreg s26;
	s26 =	simm.s32 $0x9020  }
0x11: {  	s21 =	simm.s32 $0x4E20;
	s6 =	simm.s32 $0x0;
	s7 =	sadd.s32 $0x2200, s4  }
0x12: {  	s4 =	sadd.s32 $0xBE40, s4;
	s12 =	sadd.s32 $0x15C00, s2;
	[dreg:$0x4] =	wrdreg s7  }
0x13: {  	s2 =	sshrl.u32 s23, $0x3;
	[dreg:$0x5] =	wrdreg s4;
	s7 =	sadd.s32 s23, s3  }
0x14: {  	s4 =	sadd.s32 $0x4B000, s3;
	s25 =	sadd.s32 @!p0 s2, s12;
	s2 =	simm.s32 $0x10  }
0x15: {  	v0 =	vimm.f32 $0.0e+00;
	s23 =	simm.s32 $0x1;
	s24 =	sshrl.u32 @p0 s4, $0x3;
	s4 =	simm.s32 $0x6  }
.LBB2_1:
0x16: {  	s8 =	simm.s32 $0x0;
	s9 =	rddreg [dreg:$0x4]  }
0x17: {  	[tilespmem:s8], [sflag:$0x7] =	stream.linear.gather [hbm4b:s9+s8], $0x2710, $0x38;
	[tilespmem:$0x11020] =	vst v63  }
0x18: {  	s10 =	simm.s32 $0x2710;
	s9 =	rddreg [dreg:$0x5]  }
0x19: {  	[tilespmem:s10], [sflag:$0x7] =	stream.linear.gather [hbm4b:s9+s8], $0x2710, $0x38;
	[tilespmem:$0x11020] =	vst v63  }
0x1a: {  	s8 =	simm.s32 $0x80;
	s9 =	simm.s32 $0x0  }
.LBB2_2:
0x1b: {  	p1 =	sne.s32 s8, $0x3F80;
	[tilespmem:s9+$0x5020] =	vst v0;
	s10 =	smov.u32 s8;
	s8 =	sadd.s32 $0x80, s8  }
.Ltmp0:
0x1c: {  	[tilespmem:s9+$0x5030] =	vst v0;
	(pc) =	sbr.rel @p1 .LBB2_2-.Ltmp0, $2  }
0x1d: {  	_ =	sdelay $0x2  }
0x1e: {  	s9 =	sshra.s32 s10, $0x2  }
0x1f: {  	[tilespmem:s9+$0x5020] =	vst v0  }
0x20: {  	[tilespmem:s9+$0x5030] =	vst v0  }
0x21: {  	[spmem:s7] =	stream.linear.scatter [tilespmem:s15], [sflag:$0x9], $0x1000, $0x38;
	[tilespmem:$0x11020] =	vst v63  }
0x22: {  	_ =	swait.ge [sflag:s16], $0x1000  }
0x23: {  	[sflag:s16] =	ssyncset.done $0x0  }
0x24: {  	s8 =	rddreg [dreg:$0x6];
	[sflag:s16] =	ssyncadd.s32 $0xFFFFF000  }
0x25: {  	[spmem:s8] =	stream.linear.scatter [tilespmem:s15], [sflag:$0x9], $0x1000, $0x38;
	[tilespmem:$0x11020] =	vst v63  }
0x26: {  	_ =	swait.ge [sflag:s16], $0x1000  }
0x27: {  	[sflag:s16] =	ssyncset.done $0x0  }
0x28: {  	s10 =	rddreg [dreg:$0x7];
	[sflag:s16] =	ssyncadd.s32 $0xFFFFF000  }
0x29: {  	[spmem:s10] =	stream.linear.scatter [tilespmem:s15], [sflag:$0x9], $0x1000, $0x38;
	[tilespmem:$0x11020] =	vst v63  }
0x2a: {  	_ =	swait.ge [sflag:s16], $0x1000  }
0x2b: {  	[sflag:s16] =	ssyncset.done $0x0  }
0x2c: {  	s9 =	rddreg [dreg:$0x8];
	[sflag:s16] =	ssyncadd.s32 $0xFFFFF000  }
0x2d: {  	[spmem:s9] =	stream.linear.scatter [tilespmem:s15], [sflag:$0x9], $0x1000, $0x38;
	[tilespmem:$0x11020] =	vst v63  }
0x2e: {  	_ =	swait.ge [sflag:s16], $0x1000  }
0x2f: {  	[sflag:s16] =	ssyncset.done $0x0  }
0x30: {  	[sflag:s16] =	ssyncadd.s32 $0xFFFFF000  }
0x31: {  	[spmem:s11] =	stream.linear.scatter [tilespmem:s15], [sflag:$0x9], $0x1000, $0x38;
	[tilespmem:$0x11020] =	vst v63  }
0x32: {  	_ =	swait.ge [sflag:s16], $0x1000  }
0x33: {  	[sflag:s16] =	ssyncset.done $0x0  }
0x34: {  	[sflag:s16] =	ssyncadd.s32 $0xFFFFF000  }
0x35: {  	_ =	swait.ge [sflag:s17], $0x2710  }
0x36: {  	[sflag:s17] =	ssyncset.done $0x0  }
0x37: {  	[sflag:s17] =	ssyncadd.s32 $0xFFFFD8F0  }
0x38: {  	_ =	swait.ge [sflag:s17], $0x2710  }
0x39: {  	[sflag:s17] =	ssyncset.done $0x0  }
0x3a: {  	[sflag:s17] =	ssyncadd.s32 $0xFFFFD8F0  }
0x3b: {  	s10 =	simm.s32 $0x0;
	[bflag:$0x0] =	sbarrier.arrive $0xFFFF  }
0x3c: {  	[tilespmem:s19], [sflag:$0x1] =	stream.indirect.gather [hbm4b:s1+s18], $0x20, s10, s18, $0xb8;
	[tilespmem:$0x11020] =	vst v63  }
0x3d: {  	_ = 	snop  }
0x3e: {  	[tilespmem:s20], [sflag:$0x2] =	stream.indirect.gather [hbm4b:s1+s18], $0x20, s18, s18, $0xb8;
	[tilespmem:$0x11020] =	vst v63  }
0x3f: {  	s9 =	simm.s32 $0x100  }
0x40: {  	[tilespmem:s22], [sflag:$0x3] =	stream.indirect.gather [hbm4b:s1+s18], $0x20, s9, s18, $0xb8;
	[tilespmem:$0x11020] =	vst v63  }
0x41: {  	s10 =	simm.s32 $0x180  }
0x42: {  	[tilespmem:s26], [sflag:$0x4] =	stream.indirect.gather [hbm4b:s1+s18], $0x20, s10, s18, $0xb8;
	[tilespmem:$0x11020] =	vst v63  }
0x43: {  	s9 =	simm.s32 $0x200  }
0x44: {  	[tilespmem:s29], [sflag:$0x5] =	stream.indirect.gather [hbm4b:s1+s18], $0x20, s9, s18, $0xb8;
	[tilespmem:$0x11020] =	vst v63  }
0x45: {  	s10 =	simm.s32 $0x280  }
0x46: {  	[tilespmem:s31], [sflag:$0x6] =	stream.indirect.gather [hbm4b:s1+s18], $0x20, s10, s18, $0xb8;
	[tilespmem:$0x11020] =	vst v63  }
0x47: {  	s9 =	simm.s32 $0x2700  }
0x48: {  	[tilespmem:s21], [sflag:$0x8] =	stream.indirect.gather [hbm4b:s1+s2], $0x20, s9, s2, $0xb8;
	[tilespmem:$0x11020] =	vst v63  }
0x49: {  	_ =	swait.ge [sflag:s23], $0x1000  }
0x4a: {  	[sflag:s23] =	ssyncset.done $0x0  }
0x4b: {  	s10 =	simm.s32 $0x2710;
	[sflag:s23] =	ssyncadd.s32 $0xFFFFF000  }
0x4c: {  	[spmem:s3] =	stream.indirect.scatter.add.f32 [tilespmem:s19], [sflag:$0x9], $0x20, s10, s18, $0xb8;
	[tilespmem:$0x11020] =	vst v63  }
0x4d: {  	_ =	swait.ge [sflag:s16], $0x1000  }
0x4e: {  	[sflag:s16] =	ssyncset.done $0x0  }
0x4f: {  	s9 =	simm.s32 $0x300;
	[sflag:s16] =	ssyncadd.s32 $0xFFFFF000  }
0x50: {  	[tilespmem:s19], [sflag:$0x1] =	stream.indirect.gather [hbm4b:s1+s18], $0x20, s9, s18, $0xb8;
	[tilespmem:$0x11020] =	vst v63  }
0x51: {  	_ =	swait.ge [sflag:s28], $0x1000  }
0x52: {  	[sflag:s28] =	ssyncset.done $0x0  }
0x53: {  	s10 =	simm.s32 $0x2790;
	[sflag:s28] =	ssyncadd.s32 $0xFFFFF000  }
0x54: {  	[spmem:s3] =	stream.indirect.scatter.add.f32 [tilespmem:s20], [sflag:$0x9], $0x20, s10, s18, $0xb8;
	[tilespmem:$0x11020] =	vst v63  }
0x55: {  	_ =	swait.ge [sflag:s16], $0x1000  }
0x56: {  	[sflag:s16] =	ssyncset.done $0x0  }
0x57: {  	s9 =	simm.s32 $0x380;
	[sflag:s16] =	ssyncadd.s32 $0xFFFFF000  }
0x58: {  	[tilespmem:s20], [sflag:$0x2] =	stream.indirect.gather [hbm4b:s1+s18], $0x20, s9, s18, $0xb8;
	[tilespmem:$0x11020] =	vst v63  }
0x59: {  	_ =	swait.ge [sflag:s30], $0x1000  }
0x5a: {  	[sflag:s30] =	ssyncset.done $0x0  }
0x5b: {  	s10 =	simm.s32 $0x2810;
	[sflag:s30] =	ssyncadd.s32 $0xFFFFF000  }
0x5c: {  	[spmem:s3] =	stream.indirect.scatter.add.f32 [tilespmem:s22], [sflag:$0x9], $0x20, s10, s18, $0xb8;
	[tilespmem:$0x11020] =	vst v63  }
0x5d: {  	_ =	swait.ge [sflag:s16], $0x1000  }
0x5e: {  	[sflag:s16] =	ssyncset.done $0x0  }
0x5f: {  	s9 =	simm.s32 $0x400;
	[sflag:s16] =	ssyncadd.s32 $0xFFFFF000  }
0x60: {  	[tilespmem:s22], [sflag:$0x3] =	stream.indirect.gather [hbm4b:s1+s18], $0x20, s9, s18, $0xb8;
	[tilespmem:$0x11020] =	vst v63  }
0x61: {  	_ =	swait.ge [sflag:s0], $0x1000  }
0x62: {  	[sflag:s0] =	ssyncset.done $0x0  }
0x63: {  	s10 =	simm.s32 $0x2890;
	[sflag:s0] =	ssyncadd.s32 $0xFFFFF000  }
0x64: {  	[spmem:s3] =	stream.indirect.scatter.add.f32 [tilespmem:s26], [sflag:$0x9], $0x20, s10, s18, $0xb8;
	[tilespmem:$0x11020] =	vst v63  }
0x65: {  	_ =	swait.ge [sflag:s16], $0x1000  }
0x66: {  	[sflag:s16] =	ssyncset.done $0x0  }
0x67: {  	s9 =	simm.s32 $0x480;
	[sflag:s16] =	ssyncadd.s32 $0xFFFFF000  }
0x68: {  	[tilespmem:s26], [sflag:$0x4] =	stream.indirect.gather [hbm4b:s1+s18], $0x20, s9, s18, $0xb8;
	[tilespmem:$0x11020] =	vst v63  }
0x69: {  	_ =	swait.ge [sflag:s14], $0x1000  }
0x6a: {  	[sflag:s14] =	ssyncset.done $0x0  }
0x6b: {  	s10 =	simm.s32 $0x2910;
	[sflag:s14] =	ssyncadd.s32 $0xFFFFF000  }
0x6c: {  	[spmem:s3] =	stream.indirect.scatter.add.f32 [tilespmem:s29], [sflag:$0x9], $0x20, s10, s18, $0xb8;
	[tilespmem:$0x11020] =	vst v63  }
0x6d: {  	_ =	swait.ge [sflag:s16], $0x1000  }
0x6e: {  	[sflag:s16] =	ssyncset.done $0x0  }
0x6f: {  	s9 =	simm.s32 $0x500;
	[sflag:s16] =	ssyncadd.s32 $0xFFFFF000  }
0x70: {  	[tilespmem:s29], [sflag:$0x5] =	stream.indirect.gather [hbm4b:s1+s18], $0x20, s9, s18, $0xb8;
	[tilespmem:$0x11020] =	vst v63  }
0x71: {  	_ =	swait.ge [sflag:s4], $0x1000  }
0x72: {  	[sflag:s4] =	ssyncset.done $0x0  }
0x73: {  	s10 =	simm.s32 $0x2990;
	[sflag:s4] =	ssyncadd.s32 $0xFFFFF000  }
0x74: {  	[spmem:s3] =	stream.indirect.scatter.add.f32 [tilespmem:s31], [sflag:$0x9], $0x20, s10, s18, $0xb8;
	[tilespmem:$0x11020] =	vst v63  }
0x75: {  	_ =	swait.ge [sflag:s16], $0x1000  }
0x76: {  	[sflag:s16] =	ssyncset.done $0x0  }
0x77: {  	s8 =	simm.s32 $0xC00;
	s9 =	simm.s32 $0x580;
	[sflag:s16] =	ssyncadd.s32 $0xFFFFF000  }
.LBB2_4:
0x78: {  	[tilespmem:s31], [sflag:$0x6] =	stream.indirect.gather [hbm4b:s1+s18], $0x20, s9, s18, $0xb8;
	[tilespmem:$0x11020] =	vst v63  }
0x79: {  	s9 =	smov.u32 s8  }
0x7a: {  	p1 =	sne.s32 s8, $0x8400;
	s8 =	sadd.s32 $0xC00, s8;
	_ =	swait.ge [sflag:s23], $0x1000  }
0x7b: {  	s9 =	sshra.s32 s9, $0x2;
	[sflag:s23] =	ssyncset.done $0x0  }
0x7c: {  	s10 =	sadd.s32 $0x2710, s9;
	[sflag:s23] =	ssyncadd.s32 $0xFFFFF000  }
0x7d: {  	[spmem:s3] =	stream.indirect.scatter.add.f32 [tilespmem:s19], [sflag:$0x9], $0x20, s10, s18, $0xb8;
	[tilespmem:$0x11020] =	vst v63  }
0x7e: {  	_ =	swait.ge [sflag:s16], $0x1000  }
0x7f: {  	[sflag:s16] =	ssyncset.done $0x0  }
0x80: {  	s10 =	sadd.s32 $0x300, s9;
	[sflag:s16] =	ssyncadd.s32 $0xFFFFF000  }
0x81: {  	[tilespmem:s19], [sflag:$0x1] =	stream.indirect.gather [hbm4b:s1+s18], $0x20, s10, s18, $0xb8;
	[tilespmem:$0x11020] =	vst v63  }
0x82: {  	_ =	swait.ge [sflag:s28], $0x1000  }
0x83: {  	[sflag:s28] =	ssyncset.done $0x0  }
0x84: {  	s10 =	sadd.s32 $0x2790, s9;
	[sflag:s28] =	ssyncadd.s32 $0xFFFFF000  }
0x85: {  	[spmem:s3] =	stream.indirect.scatter.add.f32 [tilespmem:s20], [sflag:$0x9], $0x20, s10, s18, $0xb8;
	[tilespmem:$0x11020] =	vst v63  }
0x86: {  	_ =	swait.ge [sflag:s16], $0x1000  }
0x87: {  	[sflag:s16] =	ssyncset.done $0x0  }
0x88: {  	s10 =	sadd.s32 $0x380, s9;
	[sflag:s16] =	ssyncadd.s32 $0xFFFFF000  }
0x89: {  	[tilespmem:s20], [sflag:$0x2] =	stream.indirect.gather [hbm4b:s1+s18], $0x20, s10, s18, $0xb8;
	[tilespmem:$0x11020] =	vst v63  }
0x8a: {  	_ =	swait.ge [sflag:s30], $0x1000  }
0x8b: {  	[sflag:s30] =	ssyncset.done $0x0  }
0x8c: {  	s10 =	sadd.s32 $0x2810, s9;
	[sflag:s30] =	ssyncadd.s32 $0xFFFFF000  }
0x8d: {  	[spmem:s3] =	stream.indirect.scatter.add.f32 [tilespmem:s22], [sflag:$0x9], $0x20, s10, s18, $0xb8;
	[tilespmem:$0x11020] =	vst v63  }
0x8e: {  	_ =	swait.ge [sflag:s16], $0x1000  }
0x8f: {  	[sflag:s16] =	ssyncset.done $0x0  }
0x90: {  	s10 =	sadd.s32 $0x400, s9;
	[sflag:s16] =	ssyncadd.s32 $0xFFFFF000  }
0x91: {  	[tilespmem:s22], [sflag:$0x3] =	stream.indirect.gather [hbm4b:s1+s18], $0x20, s10, s18, $0xb8;
	[tilespmem:$0x11020] =	vst v63  }
0x92: {  	_ =	swait.ge [sflag:s0], $0x1000  }
0x93: {  	[sflag:s0] =	ssyncset.done $0x0  }
0x94: {  	s10 =	sadd.s32 $0x2890, s9;
	[sflag:s0] =	ssyncadd.s32 $0xFFFFF000  }
0x95: {  	[spmem:s3] =	stream.indirect.scatter.add.f32 [tilespmem:s26], [sflag:$0x9], $0x20, s10, s18, $0xb8;
	[tilespmem:$0x11020] =	vst v63  }
0x96: {  	_ =	swait.ge [sflag:s16], $0x1000  }
0x97: {  	[sflag:s16] =	ssyncset.done $0x0  }
0x98: {  	s10 =	sadd.s32 $0x480, s9;
	[sflag:s16] =	ssyncadd.s32 $0xFFFFF000  }
0x99: {  	[tilespmem:s26], [sflag:$0x4] =	stream.indirect.gather [hbm4b:s1+s18], $0x20, s10, s18, $0xb8;
	[tilespmem:$0x11020] =	vst v63  }
0x9a: {  	_ =	swait.ge [sflag:s14], $0x1000  }
0x9b: {  	[sflag:s14] =	ssyncset.done $0x0  }
0x9c: {  	s10 =	sadd.s32 $0x2910, s9;
	[sflag:s14] =	ssyncadd.s32 $0xFFFFF000  }
0x9d: {  	[spmem:s3] =	stream.indirect.scatter.add.f32 [tilespmem:s29], [sflag:$0x9], $0x20, s10, s18, $0xb8;
	[tilespmem:$0x11020] =	vst v63  }
0x9e: {  	_ =	swait.ge [sflag:s16], $0x1000  }
0x9f: {  	[sflag:s16] =	ssyncset.done $0x0  }
0xa0: {  	s10 =	sadd.s32 $0x500, s9;
	[sflag:s16] =	ssyncadd.s32 $0xFFFFF000  }
0xa1: {  	[tilespmem:s29], [sflag:$0x5] =	stream.indirect.gather [hbm4b:s1+s18], $0x20, s10, s18, $0xb8;
	[tilespmem:$0x11020] =	vst v63  }
0xa2: {  	_ =	swait.ge [sflag:s4], $0x1000  }
0xa3: {  	[sflag:s4] =	ssyncset.done $0x0  }
.Ltmp1:
0xa4: {  	s10 =	sadd.s32 $0x2990, s9;
	[sflag:s4] =	ssyncadd.s32 $0xFFFFF000;
	(pc) =	sbr.rel @p1 .LBB2_4-.Ltmp1, $4  }
0xa5: {  	[spmem:s3] =	stream.indirect.scatter.add.f32 [tilespmem:s31], [sflag:$0x9], $0x20, s10, s18, $0xb8;
	[tilespmem:$0x11020] =	vst v63  }
0xa6: {  	_ =	swait.ge [sflag:s16], $0x1000  }
0xa7: {  	[sflag:s16] =	ssyncset.done $0x0  }
0xa8: {  	s9 =	sadd.s32 $0x580, s9;
	[sflag:s16] =	ssyncadd.s32 $0xFFFFF000  }
0xa9: {  	[tilespmem:s31], [sflag:$0x6] =	stream.indirect.gather [hbm4b:s1+s18], $0x20, s9, s18, $0xb8;
	[tilespmem:$0x11020] =	vst v63  }
0xaa: {  	_ =	swait.ge [sflag:s23], $0x1000  }
0xab: {  	[sflag:s23] =	ssyncset.done $0x0  }
0xac: {  	s8 =	simm.s32 $0x4B10;
	[sflag:s23] =	ssyncadd.s32 $0xFFFFF000  }
0xad: {  	[spmem:s3] =	stream.indirect.scatter.add.f32 [tilespmem:s19], [sflag:$0x9], $0x20, s8, s18, $0xb8;
	[tilespmem:$0x11020] =	vst v63  }
0xae: {  	_ =	swait.ge [sflag:s16], $0x1000  }
0xaf: {  	[sflag:s16] =	ssyncset.done $0x0  }
0xb0: {  	[sflag:s16] =	ssyncadd.s32 $0xFFFFF000  }
0xb1: {  	_ =	swait.ge [sflag:s28], $0x1000  }
0xb2: {  	[sflag:s28] =	ssyncset.done $0x0  }
0xb3: {  	s9 =	simm.s32 $0x4B90;
	[sflag:s28] =	ssyncadd.s32 $0xFFFFF000  }
0xb4: {  	[spmem:s3] =	stream.indirect.scatter.add.f32 [tilespmem:s20], [sflag:$0x9], $0x20, s9, s18, $0xb8;
	[tilespmem:$0x11020] =	vst v63  }
0xb5: {  	_ =	swait.ge [sflag:s16], $0x1000  }
0xb6: {  	[sflag:s16] =	ssyncset.done $0x0  }
0xb7: {  	[sflag:s16] =	ssyncadd.s32 $0xFFFFF000  }
0xb8: {  	_ =	swait.ge [sflag:s30], $0x1000  }
0xb9: {  	[sflag:s30] =	ssyncset.done $0x0  }
0xba: {  	s10 =	simm.s32 $0x4C10;
	[sflag:s30] =	ssyncadd.s32 $0xFFFFF000  }
0xbb: {  	[spmem:s3] =	stream.indirect.scatter.add.f32 [tilespmem:s22], [sflag:$0x9], $0x20, s10, s18, $0xb8;
	[tilespmem:$0x11020] =	vst v63  }
0xbc: {  	_ =	swait.ge [sflag:s16], $0x1000  }
0xbd: {  	[sflag:s16] =	ssyncset.done $0x0  }
0xbe: {  	[sflag:s16] =	ssyncadd.s32 $0xFFFFF000  }
0xbf: {  	_ =	swait.ge [sflag:s0], $0x1000  }
0xc0: {  	[sflag:s0] =	ssyncset.done $0x0  }
0xc1: {  	s9 =	simm.s32 $0x4C90;
	[sflag:s0] =	ssyncadd.s32 $0xFFFFF000  }
0xc2: {  	[spmem:s3] =	stream.indirect.scatter.add.f32 [tilespmem:s26], [sflag:$0x9], $0x20, s9, s18, $0xb8;
	[tilespmem:$0x11020] =	vst v63  }
0xc3: {  	_ =	swait.ge [sflag:s16], $0x1000  }
0xc4: {  	[sflag:s16] =	ssyncset.done $0x0  }
0xc5: {  	[sflag:s16] =	ssyncadd.s32 $0xFFFFF000  }
0xc6: {  	_ =	swait.ge [sflag:s14], $0x1000  }
0xc7: {  	[sflag:s14] =	ssyncset.done $0x0  }
0xc8: {  	s10 =	simm.s32 $0x4D10;
	[sflag:s14] =	ssyncadd.s32 $0xFFFFF000  }
0xc9: {  	[spmem:s3] =	stream.indirect.scatter.add.f32 [tilespmem:s29], [sflag:$0x9], $0x20, s10, s18, $0xb8;
	[tilespmem:$0x11020] =	vst v63  }
0xca: {  	_ =	swait.ge [sflag:s16], $0x1000  }
0xcb: {  	[sflag:s16] =	ssyncset.done $0x0  }
0xcc: {  	[sflag:s16] =	ssyncadd.s32 $0xFFFFF000  }
0xcd: {  	_ =	swait.ge [sflag:s4], $0x1000  }
0xce: {  	[sflag:s4] =	ssyncset.done $0x0  }
0xcf: {  	s9 =	simm.s32 $0x4D90;
	[sflag:s4] =	ssyncadd.s32 $0xFFFFF000  }
0xd0: {  	[spmem:s3] =	stream.indirect.scatter.add.f32 [tilespmem:s31], [sflag:$0x9], $0x20, s9, s18, $0xb8;
	[tilespmem:$0x11020] =	vst v63  }
0xd1: {  	_ =	swait.ge [sflag:s16], $0x1000  }
0xd2: {  	[sflag:s16] =	ssyncset.done $0x0  }
0xd3: {  	[sflag:s16] =	ssyncadd.s32 $0xFFFFF000  }
0xd4: {  	_ =	swait.ge [sflag:s5], $0x200  }
0xd5: {  	[sflag:s5] =	ssyncset.done $0x0  }
0xd6: {  	s10 =	simm.s32 $0x4E10;
	[sflag:s5] =	ssyncadd.s32 $0xFFFFFE00  }
0xd7: {  	[spmem:s3] =	stream.indirect.scatter.add.f32 [tilespmem:s21], [sflag:$0x9], $0x20, s10, s2, $0xb8;
	[tilespmem:$0x11020] =	vst v63  }
0xd8: {  	_ =	swait.ge [sflag:s16], $0x200  }
0xd9: {  	[sflag:s16] =	ssyncset.done $0x0  }
0xda: {  	[sflag:s16] =	ssyncadd.s32 $0xFFFFFE00  }
0xdb: {  	s8 =	sadd.s32 @p0 $0x9600, s12;
	s9 =	simm.s32 @p0 $0x1FC9;
	[bflag:$0x0] =	sbarrier.arrive $0xFFFF  }
0xdc: {  	[hbm:s8], [sflag:s9] =	dma.local @p0 [spmem:s24], $0x640  }
0xdd: {  	s8 =	simm.s32 @p0 $0x9  }
0xde: {  	s6 =	sadd.s32 $0x1, s6;
	s9 =	stileid.u32;
	_ =	swait.ge @p0 [sflag:s8], $0x640  }
0xdf: {  	p1 =	sne.s32 s6, s13;
	s9 =	sshll.u32 @!p0 s9, $0x6;
	[sflag:s8] =	ssyncset.done @p0 $0x0  }
0xe0: {  	[sflag:s8] =	ssyncadd.s32 @p0 $0xFFFFF9C0;
	s8 =	sor.u32 @!p0 $0x1C09, s9;
	s9 =	sshrl.u32 @!p0 s7, $0x3  }
0xe1: {  	[hbm:s25], [sflag:s8] =	dma.local @!p0 [spmem:s9], $0xA00  }
.Ltmp2:
0xe2: {  	_ = 	snop;
	(pc) =	sbr.rel @p1 .LBB2_1-.Ltmp2, $4  }
0xe3: {  	s8 =	simm.s32 @!p0 $0x9  }
0xe4: {  	_ =	swait.ge @!p0 [sflag:s8], $0xA00  }
0xe5: {  	[sflag:s8] =	ssyncset.done @!p0 $0x0  }
0xe6: {  	[sflag:s8] =	ssyncadd.s32 @!p0 $0xFFFFF600  }
0xe7: {  	_ =	sfence.sel $0x180000  }
0xe8: {  	[bflag:$0x0] =	sbarrier.arrive $0xFFFF  }
0xe9: {  	_ =	strace $0x9000004A  }
0xea: {  	s0 =	stileid.u32;
	[bflag:$0x2] =	sbarrier.arrive $0xFFFF  }
0xeb: {  	p0 =	sne.s32 s0, $0x0;
	s0 =	rddreg [dreg:$0x3]  }
0xec: {  	s0 =	sadd.s32 @!p0 $0x100000, s0  }
0xed: {  	[sflag:s0] =	ssyncadd.tile.s32 @!p0 $0x1;
	_ =	shalt  }
.Lfunc_end2:
_tile_overlayer_lowered:
.L_overlay_start_2:
0xee: {  	(tag) =	ssettag $0x2  }
0xef: {  	s0 =	rddreg [dreg:$0x0];
	s2 =	stileid.u32  }
0xf0: {  	s1 =	rddreg [dreg:$0x1];
	p0 =	sne.s32 s2, $0x0  }
0xf1: {  	s3 =	rddreg [dreg:$0x2];
	[bflag:$0x3] =	sbarrier.arrive $0xFFFF;
	s2 =	simm.s32 @!p0 $0x1C09  }
0xf2: {  	[timem:s3], [sflag:s2] =	dma.local @!p0 [hbm:s0], s1  }
0xf3: {  	s0 =	simm.s32 @!p0 $0x9  }
0xf4: {  	_ =	swait.ge @!p0 [sflag:s0], s1  }
0xf5: {  	s1 =	ssub.s32 @!p0 $0x0, s1;
	[sflag:s0] =	ssyncset.done @!p0 $0x0  }
0xf6: {  	[sflag:s0] =	ssyncadd.s32 @!p0 s1  }
0xf7: {  	[bflag:$0x3] =	sbarrier.arrive $0xFFFF  }
0xf8: {  	_ =	shalt  }

// kernel: kernel.14.cloned.1.call-start
scs
__scs_entry_jumppad:
0x0: {  	(pc) =	sbr.rel $0x88, $3  }
0x1: {  	(tag) =	ssettag $0x0;
	lr =	simm.s32 $0x1  }
0x2: {  	[smem:$0x3F99] =	sst lr;
	_ =	strace $0xD0000000  }
0x3: {  	_ = 	snop  }
0x4: {  	_ = 	snop  }
0x5: {  	_ = 	snop  }
0x6: {  	_ = 	snop  }
0x7: {  	_ = 	snop  }
__scs_overlays_trampoline_lowered:
0x8: {  	[smem:$0x3FA8] =	sst s0  }
0x9: {  	[smem:$0x3FA9] =	sst s1  }
0xa: {  	[smem:$0x3FAA] =	sst s2  }
0xb: {  	[smem:$0x3FAB] =	sst s3  }
0xc: {  	[smem:$0x3FAC] =	sst s4  }
0xd: {  	[smem:$0x3FAD] =	sst s5  }
0xe: {  	[smem:$0x3FAE] =	sst s6  }
0xf: {  	[smem:$0x3FAF] =	sst s7  }
0x10: {  	[smem:$0x3FB0] =	sst s8  }
0x11: {  	[smem:$0x3FB1] =	sst s9;
	s0 =	simm.s32 @!p0 $0x0  }
0x12: {  	s1 =	sld [smem:$0x3F97];
	s0 =	simm.s32 @p0 $0x1  }
0x13: {  	[smem:$0x3FB2] =	sst s0;
	s0 =	simm.s32 @!p1 $0x0  }
0x14: {  	s2 =	sld [smem:$0x3F96];
	s0 =	simm.s32 @p1 $0x1  }
0x15: {  	[smem:$0x3FB3] =	sst s0;
	s0 =	simm.s32 @!p2 $0x0  }
0x16: {  	s3 =	sld [smem:$0x3FDB];
	s0 =	simm.s32 @p2 $0x1  }
0x17: {  	s4 =	simm.s32 $0x1BF5;
	[smem:$0x3FB5] =	sst s0  }
0x18: {  	s0 =	sld [smem:$0x3F98];
	_ =	swait.ge [sflag:s4], $0x0  }
0x19: {  	s7 =	sld [smem:$0x3F99]  }
0x1a: {  	s8 =	sadd.s32 $0xFFFFE003, lr  }
0x1b: {  	s9 =	sadd.s32 $0xFFFFFEF7, lr;
	s5 =	simm.s32 $0xFFFFFFFF;
	p2 =	slt.u32 s8, $0xFFFFF086  }
0x1c: {  	p1 =	slt.u32 s9, $0xF7A;
	s5 =	simm.s32 @!p2 $0x0  }
0x1d: {  	s5 =	simm.s32 @p1 $0x1;
	p0 =	seq.s32 s7, s2  }
0x1e: {  	s7 =	smul.u32 @!p0 $0xF7A, s2;
	p2 =	seq.s32 @!p0 s5, $0x0  }
0x1f: {  	s9 =	smul.u32 $0xF7A, s1;
	s8 =	simm.s32 @!p0 $0x1BF5;
	p2 =	por !p2, p0  }
0x20: {  	[sflag:s8] =	ssyncset.s32 @!p0 $0xFFFFF086;
	s6 =	sadd.s32 @!p0 s3, s7;
	s7 =	simm.s32 @!p0 $0x108  }
0x21: {  	s3 =	sadd.s32 s3, s9;
	s6 =	sadd.s32 @!p0 $0x88, s6;
	s7 =	simm.s32 @p2 $0x1082  }
0x22: {  	[simem:s7], [sflag:s8] =	dma.local @!p0 [hbm:s6], $0xF7A  }
0x23: {  	s9 =	sor.u32 $0xD0000000, s2;
	s6 =	simm.s32 $0x108;
	_ =	swait.ge @!p0 [sflag:s8], $0x0  }
0x24: {  	s3 =	sadd.s32 $0x88, s3;
	s6 =	simm.s32 @!p1 $0x1082;
	[sflag:s4] =	ssyncset.s32 $0xFFFFF086  }
0x25: {  	[simem:s6], [sflag:s4] =	dma.local [hbm:s3], $0xF7A  }
0x26: {  	[smem:$0x3F99] =	sst s1;
	(tag) =	ssettag s2;
	_ =	strace s9  }
0x27: {  	s1 =	sld [smem:$0x3FA9]  }
0x28: {  	s2 =	sld [smem:$0x3FAA]  }
0x29: {  	s4 =	sld [smem:$0x3FAC]  }
0x2a: {  	p0 =	seq.s32 s5, $0x0;
	s5 =	sld [smem:$0x3FAD]  }
0x2b: {  	s6 =	sld [smem:$0x3FAE]  }
0x2c: {  	s7 =	sld [smem:$0x3FAF]  }
0x2d: {  	s3 =	simm.s32 $0x108;
	s8 =	sld [smem:$0x3FB0]  }
0x2e: {  	s3 =	simm.s32 @!p0 $0x1082;
	s9 =	sld [smem:$0x3FB1]  }
0x2f: {  	lr =	sadd.s32 s0, s3;
	s0 =	sld [smem:$0x3FA8]  }
0x30: {  	s3 =	sld [smem:$0x3FAB]  }
0x31: {  	[smem:$0x3FB4] =	sst s10  }
0x32: {  	s10 =	sld [smem:$0x3FB2];
	_ =	sdelay $0x3  }
0x33: {  	p0 =	seq.s32 s10, $0x1;
	s10 =	sld [smem:$0x3FB4];
	_ =	sdelay $0x3  }
0x34: {  	[smem:$0x3FB4] =	sst s10  }
0x35: {  	s10 =	sld [smem:$0x3FB3];
	_ =	sdelay $0x3  }
0x36: {  	p1 =	seq.s32 s10, $0x1;
	s10 =	sld [smem:$0x3FB4];
	_ =	sdelay $0x3  }
0x37: {  	[smem:$0x3FB4] =	sst s10  }
0x38: {  	s10 =	sld [smem:$0x3FB5]  }
0x39: {  	_ = 	snop;
	(pc) =	sbr.ind lr, $3  }
0x3a: {  	_ = 	snop  }
0x3b: {  	_ = 	snop  }
0x3c: {  	p2 =	seq.s32 s10, $0x1;
	s10 =	sld [smem:$0x3FB4]  }
0x3d: {  	_ =	shalt  }
0x3e: {  	_ =	shalt  }
0x3f: {  	_ =	shalt  }
0x40: {  	_ =	shalt  }
0x41: {  	_ =	shalt  }
0x42: {  	_ =	shalt  }
0x43: {  	_ =	shalt  }
0x44: {  	_ =	shalt  }
0x45: {  	_ =	shalt  }
0x46: {  	_ =	shalt  }
0x47: {  	_ =	shalt  }
0x48: {  	_ =	shalt  }
0x49: {  	_ =	shalt  }
0x4a: {  	_ =	shalt  }
0x4b: {  	_ =	shalt  }
0x4c: {  	_ =	shalt  }
0x4d: {  	_ =	shalt  }
0x4e: {  	_ =	shalt  }
0x4f: {  	_ =	shalt  }
0x50: {  	_ =	shalt  }
0x51: {  	_ =	shalt  }
0x52: {  	_ =	shalt  }
0x53: {  	_ =	shalt  }
0x54: {  	_ =	shalt  }
0x55: {  	_ =	shalt  }
0x56: {  	_ =	shalt  }
0x57: {  	_ =	shalt  }
0x58: {  	_ =	shalt  }
0x59: {  	_ =	shalt  }
0x5a: {  	_ =	shalt  }
0x5b: {  	_ =	shalt  }
0x5c: {  	_ =	shalt  }
0x5d: {  	_ =	shalt  }
0x5e: {  	_ =	shalt  }
0x5f: {  	_ =	shalt  }
0x60: {  	_ =	shalt  }
0x61: {  	_ =	shalt  }
0x62: {  	_ =	shalt  }
0x63: {  	_ =	shalt  }
0x64: {  	_ =	shalt  }
0x65: {  	_ =	shalt  }
0x66: {  	_ =	shalt  }
0x67: {  	_ =	shalt  }
0x68: {  	_ =	shalt  }
0x69: {  	_ =	shalt  }
0x6a: {  	_ =	shalt  }
0x6b: {  	_ =	shalt  }
0x6c: {  	_ =	shalt  }
0x6d: {  	_ =	shalt  }
0x6e: {  	_ =	shalt  }
0x6f: {  	_ =	shalt  }
0x70: {  	_ =	shalt  }
0x71: {  	_ =	shalt  }
0x72: {  	_ =	shalt  }
0x73: {  	_ =	shalt  }
0x74: {  	_ =	shalt  }
0x75: {  	_ =	shalt  }
0x76: {  	_ =	shalt  }
0x77: {  	_ =	shalt  }
0x78: {  	_ =	shalt  }
0x79: {  	_ =	shalt  }
0x7a: {  	_ =	shalt  }
0x7b: {  	_ =	shalt  }
0x7c: {  	_ =	shalt  }
0x7d: {  	_ =	shalt  }
0x7e: {  	_ =	shalt  }
0x7f: {  	_ =	shalt  }
0x80: {  	_ =	shalt  }
0x81: {  	_ =	shalt  }
0x82: {  	_ =	shalt  }
0x83: {  	_ =	shalt  }
0x84: {  	_ =	shalt  }
0x85: {  	_ =	shalt  }
0x86: {  	_ =	shalt  }
0x87: {  	_ =	shalt  }
.Lfunc_end0:
.L_simem_size_0:
called_computation.2_lowered:
.L_overlay_start_0:
0x88: {  	s2 =	sld [smem:$0x3FD9]  }
0x89: {  	s3 =	sld [smem:$0x3FFE];
	_ =	sdelay $0x1  }
0x8a: {  	s1 =	srdreg.scid  }
0x8b: {  	s0 =	sand.u32 $0x1, s1  }
0x8c: {  	s16 =	sshll.u32 s0, $0xA;
	s2 =	sadd.s32 s3, s2  }
0x8d: {  	s2 =	sadd.s32 s2, s16  }
0x8e: {  	[smem:$0x3FC0] =	sst s2  }
0x8f: {  	_ = 	snop  }
0x90: {  	(tm) =	ssettm $0x1  }
0x91: {  	s17 =	sld [smem:$0x3FFB];
	_ =	sdelay $0x3  }
0x92: {  	_ =	strace s17  }
0x93: {  	s2 =	sld [smem:$0x3FFC];
	_ =	sdelay $0x3  }
0x94: {  	_ =	strace s2  }
0x95: {  	s2 =	sld [smem:$0x3FFD];
	_ =	sdelay $0x3  }
0x96: {  	_ =	strace s2  }
0x97: {  	_ =	strace $0x8FFFFFFF  }
0x98: {  	s18 =	sld [smem:$0x3FDB];
	_ =	sdelay $0x1  }
0x99: {  	s19 =	simm.s32 $_scs_section_size  }
0x9a: {  	s4 =	simm.s32 $_size__tile_overlayer_lowered;
	s5 =	simm.s32 $_tile_overlayer_lowered  }
0x9b: {  	s22 =	simm.s32 $0x1BFF;
	s21 =	sshll.u32 s5, $0x1;
	s2 =	sadd.s32 s19, s18  }
0x9c: {  	s6 =	simm.s32 $0x0;
	s20 =	sshll.u32 s4, $0x1;
	s4 =	sadd.s32 s21, s2  }
0x9d: {  	[timem:s6], [sflag:s22] =	dma.local [hbm:s4], s20  }
0x9e: {  	_ =	swait.ge [sflag:s22], s20  }
0x9f: {  	s3 =	ssub.s32 $0x0, s20;
	[sflag:s22] =	ssyncset.done $0x0  }
0xa0: {  	[sflag:s22] =	ssyncadd.s32 s3;
	_ =	sdelay $0x1  }
0xa1: {  	s23 =	simm.s32 $0x1B8B  }
0xa2: {  	_ =	swait.ge [sflag:s23], $0x1  }
0xa3: {  	[sflag:s23] =	ssyncset.done $0x0  }
0xa4: {  	s25 =	simm.s32 $0x1B8E;
	s24 =	sld [smem:$0x3FFE];
	[sflag:s23] =	ssyncadd.s32 $0xFFFFFFFF  }
0xa5: {  	s26 =	simm.s32 $execute0_lowered;
	[smem:$0x3FD2] =	sst s25  }
0xa6: {  	s4 =	sshll.u32 s26, $0x1;
	_ =	strace $0x8000004C;
	[dreg:$0x1] =	wrdreg $0xFFFFFFFF  }
0xa7: {  	s28 =	simm.s32 $_size_execute0_lowered;
	s2 =	sadd.s32 s2, s4;
	[dreg:$0x0] =	wrdreg $0x0  }
0xa8: {  	s4 =	sshll.u32 s28, $0x1;
	[dreg:$0x2] =	wrdreg s2  }
0xa9: {  	[dreg:$0x3] =	wrdreg s4  }
0xaa: {  	[dreg:$0x4] =	wrdreg $0xC0  }
0xab: {  	_ =	task [dreg:s6], $0x5FFFF  }
0xac: {  	[dreg:$0x1] =	wrdreg $0xFFFFFFFF  }
0xad: {  	[dreg:$0x0] =	wrdreg $0x60  }
0xae: {  	[dreg:$0x2] =	wrdreg s24  }
0xaf: {  	[dreg:$0x3] =	wrdreg $0xF9200  }
0xb0: {  	[dreg:$0x4] =	wrdreg $0x9  }
0xb1: {  	_ =	task.clear_ibuf [dreg:s6], $0x5FFFF;
	_ =	strace $0x9000004C  }
0xb2: {  	s29 =	simm.s32 $0x9;
	_ =	strace $0x8000004E  }
0xb3: {  	_ =	swait.ge [sflag:s29], $0x1  }
0xb4: {  	[sflag:s29] =	ssyncadd.s32 $0xFFFFFFFF  }
0xb5: {  	_ =	strace $0x9000004E  }
0xb6: {  	_ =	sfence  }
0xb7: {  	s30 =	sld [smem:$0x0];
	_ =	sdelay $0x2  }
0xb8: {  	s31 =	sshll.u32 s1, $0xD;
	s1 =	sshrl.u32 s1, $0x2  }
0xb9: {  	s3 =	sand.u32 $0x4000, s31;
	s1 =	sadd.s32 s1, s30  }
0xba: {  	s0 =	sor.u32 s3, s0;
	s1 =	sshll.u32 s1, $0x11  }
0xbb: {  	s0 =	sor.u32 s1, s0  }
0xbc: {  	s0 =	sadd.s32 $0x8F2B, s0  }
0xbd: {  	[sflag:s0] =	ssyncadd.remote.s32 $0x1  }
0xbe: {  	_ =	sfence.sel $0xFFFF  }
0xbf: {  	[dreg:$0x0] =	wrdreg $0xFFFFFFFF;
	(pc) =	sbr.abs _section_cstart, $3  }
0xc0: {  	[dreg:$0x1] =	wrdreg $0xFFFFFFFF  }
0xc1: {  	_ =	task.clear_ibuf [dreg:s6], $0x2FFFF;
	_ =	strace $0x9FFFFFFF  }
0xc2: {  	(tm) =	ssettm $0x7FFFFFFF  }
0xc3: {  	_ =	shalt  }
tec
execute0_lowered:
.L_overlay_start_1:
0x0: {  	(tag) =	ssettag $0x1  }
0x1: {  	s0 =	srdreg.scid;
	s1 =	rddreg [dreg:$0x0]  }
0x2: {  	s2 =	rddreg [dreg:$0x1];
	s8 =	stileid.u32  }
0x3: {  	s4 =	simm.s32 $0x0;
	s15 =	simm.s32 $0x5120;
	s16 =	simm.s32 $0x9  }
0x4: {  	s17 =	simm.s32 $0x7;
	s18 =	simm.s32 $0x80;
	s19 =	simm.s32 $0x6920  }
0x5: {  	s20 =	simm.s32 $0x8120;
	s29 =	simm.s32 $0xC920;
	s31 =	simm.s32 $0xE120  }
0x6: {  	s21 =	simm.s32 $0x4E20;
	s28 =	simm.s32 $0x2;
	s30 =	simm.s32 $0x3  }
0x7: {  	s14 =	simm.s32 $0x5;
	s0 =	sand.u32 $0x1, s0;
	s6 =	smul.u32 $0x1E000, s8  }
0x8: {  	[smem:$0x7FF] =	sst s4;
	s4 =	sadd.s32 $0x15C00, s1;
	s23 =	smul.u32 $0x7800, s8  }
0x9: {  	p0 =	seq.s32 s8, $0xF;
	s3 =	sshll.u32 s0, $0x4;
	_ =	strace $0x8000004D  }
0xa: {  	s5 =	smul.u32 $0xEA60, s0;
	s0 =	ssub.s32 $0x2, s0;
	s3 =	sor.u32 s8, s3  }
0xb: {  	s22 =	sshrl.u32 s0, $0x1;
	s6 =	sshrl.u32 s6, $0x2;
	s3 =	smul.u32 $0x4E2, s3  }
0xc: {  	s0 =	ssub.s32 s0, s22;
	s24 =	sadd.s32 s6, s2;
	s22 =	simm.s32 $0x9920  }
0xd: {  	s6 =	sadd.s32 $0x1800, s24;
	s25 =	sadd.s32 $0x3000, s24;
	s26 =	sadd.s32 $0x4800, s24  }
0xe: {  	s11 =	sadd.s32 $0x6000, s24;
	s13 =	smax.u32 s0, $0x1;
	[dreg:$0x5] =	wrdreg s6  }
0xf: {  	s0 =	simm.s32 $0x10;
	s3 =	sadd.s32 s3, s1;
	[dreg:$0x6] =	wrdreg s25  }
0x10: {  	s1 =	sadd.s32 s5, s1;
	[dreg:$0x7] =	wrdreg s26;
	s26 =	simm.s32 $0xB120  }
0x11: {  	s5 =	simm.s32 $0x8;
	s6 =	simm.s32 $0x0;
	s7 =	sadd.s32 $0x2200, s3  }
0x12: {  	s3 =	sadd.s32 $0xBE40, s3;
	s12 =	sadd.s32 $0x24800, s1;
	[dreg:$0x3] =	wrdreg s7  }
0x13: {  	s1 =	sshrl.u32 s23, $0x3;
	[dreg:$0x4] =	wrdreg s3;
	s7 =	sadd.s32 s23, s2  }
0x14: {  	s3 =	sadd.s32 $0x70800, s2;
	s25 =	sadd.s32 @!p0 s1, s12;
	s23 =	simm.s32 $0x1  }
0x15: {  	v0 =	vimm.f32 $0.0e+00;
	s1 =	simm.s32 $0x4;
	s24 =	sshrl.u32 @p0 s3, $0x3;
	s3 =	simm.s32 $0x6  }
.LBB2_1:
0x16: {  	s8 =	simm.s32 $0x0;
	s9 =	rddreg [dreg:$0x3]  }
0x17: {  	[tilespmem:s8], [sflag:$0x7] =	stream.linear.gather [hbm4b:s9+s8], $0x2710, $0x38;
	[tilespmem:$0x17120] =	vst v63  }
0x18: {  	s10 =	simm.s32 $0x2710;
	s9 =	rddreg [dreg:$0x4]  }
0x19: {  	[tilespmem:s10], [sflag:$0x7] =	stream.linear.gather [hbm4b:s9+s8], $0x2710, $0x38;
	[tilespmem:$0x17120] =	vst v63  }
0x1a: {  	s8 =	simm.s32 $0xC0;
	s9 =	simm.s32 $0x0  }
.LBB2_2:
0x1b: {  	p1 =	sne.s32 s8, $0x5F40;
	[tilespmem:s9+$0x5140] =	vst v0;
	s10 =	smov.u32 s8;
	s8 =	sadd.s32 $0xC0, s8  }
.Ltmp0:
0x1c: {  	[tilespmem:s9+$0x5120] =	vst v0;
	(pc) =	sbr.rel @p1 .LBB2_2-.Ltmp0, $2  }
0x1d: {  	[tilespmem:s9+$0x5130] =	vst v0;
	_ =	sdelay $0x2  }
0x1e: {  	s9 =	sshra.s32 s10, $0x2  }
0x1f: {  	[tilespmem:s9+$0x5140] =	vst v0  }
0x20: {  	[tilespmem:s9+$0x5120] =	vst v0  }
0x21: {  	[tilespmem:s9+$0x5130] =	vst v0  }
0x22: {  	[spmem:s7] =	stream.linear.scatter [tilespmem:s15], [sflag:$0x9], $0x1800, $0x38;
	[tilespmem:$0x17120] =	vst v63  }
0x23: {  	_ =	swait.ge [sflag:s16], $0x1800  }
0x24: {  	[sflag:s16] =	ssyncset.done $0x0  }
0x25: {  	s8 =	rddreg [dreg:$0x5];
	[sflag:s16] =	ssyncadd.s32 $0xFFFFE800  }
0x26: {  	[spmem:s8] =	stream.linear.scatter [tilespmem:s15], [sflag:$0x9], $0x1800, $0x38;
	[tilespmem:$0x17120] =	vst v63  }
0x27: {  	_ =	swait.ge [sflag:s16], $0x1800  }
0x28: {  	[sflag:s16] =	ssyncset.done $0x0  }
0x29: {  	s10 =	rddreg [dreg:$0x6];
	[sflag:s16] =	ssyncadd.s32 $0xFFFFE800  }
0x2a: {  	[spmem:s10] =	stream.linear.scatter [tilespmem:s15], [sflag:$0x9], $0x1800, $0x38;
	[tilespmem:$0x17120] =	vst v63  }
0x2b: {  	_ =	swait.ge [sflag:s16], $0x1800  }
0x2c: {  	[sflag:s16] =	ssyncset.done $0x0  }
0x2d: {  	s9 =	rddreg [dreg:$0x7];
	[sflag:s16] =	ssyncadd.s32 $0xFFFFE800  }
0x2e: {  	[spmem:s9] =	stream.linear.scatter [tilespmem:s15], [sflag:$0x9], $0x1800, $0x38;
	[tilespmem:$0x17120] =	vst v63  }
0x2f: {  	_ =	swait.ge [sflag:s16], $0x1800  }
0x30: {  	[sflag:s16] =	ssyncset.done $0x0  }
0x31: {  	[sflag:s16] =	ssyncadd.s32 $0xFFFFE800  }
0x32: {  	[spmem:s11] =	stream.linear.scatter [tilespmem:s15], [sflag:$0x9], $0x1800, $0x38;
	[tilespmem:$0x17120] =	vst v63  }
0x33: {  	_ =	swait.ge [sflag:s16], $0x1800  }
0x34: {  	[sflag:s16] =	ssyncset.done $0x0  }
0x35: {  	[sflag:s16] =	ssyncadd.s32 $0xFFFFE800  }
0x36: {  	_ =	swait.ge [sflag:s17], $0x2710  }
0x37: {  	[sflag:s17] =	ssyncset.done $0x0  }
0x38: {  	[sflag:s17] =	ssyncadd.s32 $0xFFFFD8F0  }
0x39: {  	_ =	swait.ge [sflag:s17], $0x2710  }
0x3a: {  	[sflag:s17] =	ssyncset.done $0x0  }
0x3b: {  	[sflag:s17] =	ssyncadd.s32 $0xFFFFD8F0  }
0x3c: {  	s10 =	simm.s32 $0x0;
	[bflag:$0x0] =	sbarrier.arrive $0xFFFF  }
0x3d: {  	[tilespmem:s19], [sflag:$0x1] =	stream.indirect.gather [hbm4b:s4+s18], $0x30, s10, s18, $0xb8;
	[tilespmem:$0x17120] =	vst v63  }
0x3e: {  	_ = 	snop  }
0x3f: {  	[tilespmem:s20], [sflag:$0x2] =	stream.indirect.gather [hbm4b:s4+s18], $0x30, s18, s18, $0xb8;
	[tilespmem:$0x17120] =	vst v63  }
0x40: {  	s9 =	simm.s32 $0x100  }
0x41: {  	[tilespmem:s22], [sflag:$0x3] =	stream.indirect.gather [hbm4b:s4+s18], $0x30, s9, s18, $0xb8;
	[tilespmem:$0x17120] =	vst v63  }
0x42: {  	s10 =	simm.s32 $0x180  }
0x43: {  	[tilespmem:s26], [sflag:$0x4] =	stream.indirect.gather [hbm4b:s4+s18], $0x30, s10, s18, $0xb8;
	[tilespmem:$0x17120] =	vst v63  }
0x44: {  	s9 =	simm.s32 $0x200  }
0x45: {  	[tilespmem:s29], [sflag:$0x5] =	stream.indirect.gather [hbm4b:s4+s18], $0x30, s9, s18, $0xb8;
	[tilespmem:$0x17120] =	vst v63  }
0x46: {  	s10 =	simm.s32 $0x280  }
0x47: {  	[tilespmem:s31], [sflag:$0x6] =	stream.indirect.gather [hbm4b:s4+s18], $0x30, s10, s18, $0xb8;
	[tilespmem:$0x17120] =	vst v63  }
0x48: {  	s9 =	simm.s32 $0x2700  }
0x49: {  	[tilespmem:s21], [sflag:$0x8] =	stream.indirect.gather [hbm4b:s4+s0], $0x30, s9, s0, $0xb8;
	[tilespmem:$0x17120] =	vst v63  }
0x4a: {  	_ =	swait.ge [sflag:s23], $0x1800  }
0x4b: {  	[sflag:s23] =	ssyncset.done $0x0  }
0x4c: {  	s10 =	simm.s32 $0x2710;
	[sflag:s23] =	ssyncadd.s32 $0xFFFFE800  }
0x4d: {  	[spmem:s2] =	stream.indirect.scatter.add.f32 [tilespmem:s19], [sflag:$0x9], $0x30, s10, s18, $0xb8;
	[tilespmem:$0x17120] =	vst v63  }
0x4e: {  	_ =	swait.ge [sflag:s16], $0x1800  }
0x4f: {  	[sflag:s16] =	ssyncset.done $0x0  }
0x50: {  	s9 =	simm.s32 $0x300;
	[sflag:s16] =	ssyncadd.s32 $0xFFFFE800  }
0x51: {  	[tilespmem:s19], [sflag:$0x1] =	stream.indirect.gather [hbm4b:s4+s18], $0x30, s9, s18, $0xb8;
	[tilespmem:$0x17120] =	vst v63  }
0x52: {  	_ =	swait.ge [sflag:s28], $0x1800  }
0x53: {  	[sflag:s28] =	ssyncset.done $0x0  }
0x54: {  	s10 =	simm.s32 $0x2790;
	[sflag:s28] =	ssyncadd.s32 $0xFFFFE800  }
0x55: {  	[spmem:s2] =	stream.indirect.scatter.add.f32 [tilespmem:s20], [sflag:$0x9], $0x30, s10, s18, $0xb8;
	[tilespmem:$0x17120] =	vst v63  }
0x56: {  	_ =	swait.ge [sflag:s16], $0x1800  }
0x57: {  	[sflag:s16] =	ssyncset.done $0x0  }
0x58: {  	s9 =	simm.s32 $0x380;
	[sflag:s16] =	ssyncadd.s32 $0xFFFFE800  }
0x59: {  	[tilespmem:s20], [sflag:$0x2] =	stream.indirect.gather [hbm4b:s4+s18], $0x30, s9, s18, $0xb8;
	[tilespmem:$0x17120] =	vst v63  }
0x5a: {  	_ =	swait.ge [sflag:s30], $0x1800  }
0x5b: {  	[sflag:s30] =	ssyncset.done $0x0  }
0x5c: {  	s10 =	simm.s32 $0x2810;
	[sflag:s30] =	ssyncadd.s32 $0xFFFFE800  }
0x5d: {  	[spmem:s2] =	stream.indirect.scatter.add.f32 [tilespmem:s22], [sflag:$0x9], $0x30, s10, s18, $0xb8;
	[tilespmem:$0x17120] =	vst v63  }
0x5e: {  	_ =	swait.ge [sflag:s16], $0x1800  }
0x5f: {  	[sflag:s16] =	ssyncset.done $0x0  }
0x60: {  	s9 =	simm.s32 $0x400;
	[sflag:s16] =	ssyncadd.s32 $0xFFFFE800  }
0x61: {  	[tilespmem:s22], [sflag:$0x3] =	stream.indirect.gather [hbm4b:s4+s18], $0x30, s9, s18, $0xb8;
	[tilespmem:$0x17120] =	vst v63  }
0x62: {  	_ =	swait.ge [sflag:s1], $0x1800  }
0x63: {  	[sflag:s1] =	ssyncset.done $0x0  }
0x64: {  	s10 =	simm.s32 $0x2890;
	[sflag:s1] =	ssyncadd.s32 $0xFFFFE800  }
0x65: {  	[spmem:s2] =	stream.indirect.scatter.add.f32 [tilespmem:s26], [sflag:$0x9], $0x30, s10, s18, $0xb8;
	[tilespmem:$0x17120] =	vst v63  }
0x66: {  	_ =	swait.ge [sflag:s16], $0x1800  }
0x67: {  	[sflag:s16] =	ssyncset.done $0x0  }
0x68: {  	s9 =	simm.s32 $0x480;
	[sflag:s16] =	ssyncadd.s32 $0xFFFFE800  }
0x69: {  	[tilespmem:s26], [sflag:$0x4] =	stream.indirect.gather [hbm4b:s4+s18], $0x30, s9, s18, $0xb8;
	[tilespmem:$0x17120] =	vst v63  }
0x6a: {  	_ =	swait.ge [sflag:s14], $0x1800  }
0x6b: {  	[sflag:s14] =	ssyncset.done $0x0  }
0x6c: {  	s10 =	simm.s32 $0x2910;
	[sflag:s14] =	ssyncadd.s32 $0xFFFFE800  }
0x6d: {  	[spmem:s2] =	stream.indirect.scatter.add.f32 [tilespmem:s29], [sflag:$0x9], $0x30, s10, s18, $0xb8;
	[tilespmem:$0x17120] =	vst v63  }
0x6e: {  	_ =	swait.ge [sflag:s16], $0x1800  }
0x6f: {  	[sflag:s16] =	ssyncset.done $0x0  }
0x70: {  	s9 =	simm.s32 $0x500;
	[sflag:s16] =	ssyncadd.s32 $0xFFFFE800  }
0x71: {  	[tilespmem:s29], [sflag:$0x5] =	stream.indirect.gather [hbm4b:s4+s18], $0x30, s9, s18, $0xb8;
	[tilespmem:$0x17120] =	vst v63  }
0x72: {  	_ =	swait.ge [sflag:s3], $0x1800  }
0x73: {  	[sflag:s3] =	ssyncset.done $0x0  }
0x74: {  	s10 =	simm.s32 $0x2990;
	[sflag:s3] =	ssyncadd.s32 $0xFFFFE800  }
0x75: {  	[spmem:s2] =	stream.indirect.scatter.add.f32 [tilespmem:s31], [sflag:$0x9], $0x30, s10, s18, $0xb8;
	[tilespmem:$0x17120] =	vst v63  }
0x76: {  	_ =	swait.ge [sflag:s16], $0x1800  }
0x77: {  	[sflag:s16] =	ssyncset.done $0x0  }
0x78: {  	s8 =	simm.s32 $0xC00;
	s9 =	simm.s32 $0x580;
	[sflag:s16] =	ssyncadd.s32 $0xFFFFE800  }
.LBB2_4:
0x79: {  	[tilespmem:s31], [sflag:$0x6] =	stream.indirect.gather [hbm4b:s4+s18], $0x30, s9, s18, $0xb8;
	[tilespmem:$0x17120] =	vst v63  }
0x7a: {  	s9 =	smov.u32 s8  }
0x7b: {  	p1 =	sne.s32 s8, $0x8400;
	s8 =	sadd.s32 $0xC00, s8;
	_ =	swait.ge [sflag:s23], $0x1800  }
0x7c: {  	s9 =	sshra.s32 s9, $0x2;
	[sflag:s23] =	ssyncset.done $0x0  }
0x7d: {  	s10 =	sadd.s32 $0x2710, s9;
	[sflag:s23] =	ssyncadd.s32 $0xFFFFE800  }
0x7e: {  	[spmem:s2] =	stream.indirect.scatter.add.f32 [tilespmem:s19], [sflag:$0x9], $0x30, s10, s18, $0xb8;
	[tilespmem:$0x17120] =	vst v63  }
0x7f: {  	_ =	swait.ge [sflag:s16], $0x1800  }
0x80: {  	[sflag:s16] =	ssyncset.done $0x0  }
0x81: {  	s10 =	sadd.s32 $0x300, s9;
	[sflag:s16] =	ssyncadd.s32 $0xFFFFE800  }
0x82: {  	[tilespmem:s19], [sflag:$0x1] =	stream.indirect.gather [hbm4b:s4+s18], $0x30, s10, s18, $0xb8;
	[tilespmem:$0x17120] =	vst v63  }
0x83: {  	_ =	swait.ge [sflag:s28], $0x1800  }
0x84: {  	[sflag:s28] =	ssyncset.done $0x0  }
0x85: {  	s10 =	sadd.s32 $0x2790, s9;
	[sflag:s28] =	ssyncadd.s32 $0xFFFFE800  }
0x86: {  	[spmem:s2] =	stream.indirect.scatter.add.f32 [tilespmem:s20], [sflag:$0x9], $0x30, s10, s18, $0xb8;
	[tilespmem:$0x17120] =	vst v63  }
0x87: {  	_ =	swait.ge [sflag:s16], $0x1800  }
0x88: {  	[sflag:s16] =	ssyncset.done $0x0  }
0x89: {  	s10 =	sadd.s32 $0x380, s9;
	[sflag:s16] =	ssyncadd.s32 $0xFFFFE800  }
0x8a: {  	[tilespmem:s20], [sflag:$0x2] =	stream.indirect.gather [hbm4b:s4+s18], $0x30, s10, s18, $0xb8;
	[tilespmem:$0x17120] =	vst v63  }
0x8b: {  	_ =	swait.ge [sflag:s30], $0x1800  }
0x8c: {  	[sflag:s30] =	ssyncset.done $0x0  }
0x8d: {  	s10 =	sadd.s32 $0x2810, s9;
	[sflag:s30] =	ssyncadd.s32 $0xFFFFE800  }
0x8e: {  	[spmem:s2] =	stream.indirect.scatter.add.f32 [tilespmem:s22], [sflag:$0x9], $0x30, s10, s18, $0xb8;
	[tilespmem:$0x17120] =	vst v63  }
0x8f: {  	_ =	swait.ge [sflag:s16], $0x1800  }
0x90: {  	[sflag:s16] =	ssyncset.done $0x0  }
0x91: {  	s10 =	sadd.s32 $0x400, s9;
	[sflag:s16] =	ssyncadd.s32 $0xFFFFE800  }
0x92: {  	[tilespmem:s22], [sflag:$0x3] =	stream.indirect.gather [hbm4b:s4+s18], $0x30, s10, s18, $0xb8;
	[tilespmem:$0x17120] =	vst v63  }
0x93: {  	_ =	swait.ge [sflag:s1], $0x1800  }
0x94: {  	[sflag:s1] =	ssyncset.done $0x0  }
0x95: {  	s10 =	sadd.s32 $0x2890, s9;
	[sflag:s1] =	ssyncadd.s32 $0xFFFFE800  }
0x96: {  	[spmem:s2] =	stream.indirect.scatter.add.f32 [tilespmem:s26], [sflag:$0x9], $0x30, s10, s18, $0xb8;
	[tilespmem:$0x17120] =	vst v63  }
0x97: {  	_ =	swait.ge [sflag:s16], $0x1800  }
0x98: {  	[sflag:s16] =	ssyncset.done $0x0  }
0x99: {  	s10 =	sadd.s32 $0x480, s9;
	[sflag:s16] =	ssyncadd.s32 $0xFFFFE800  }
0x9a: {  	[tilespmem:s26], [sflag:$0x4] =	stream.indirect.gather [hbm4b:s4+s18], $0x30, s10, s18, $0xb8;
	[tilespmem:$0x17120] =	vst v63  }
0x9b: {  	_ =	swait.ge [sflag:s14], $0x1800  }
0x9c: {  	[sflag:s14] =	ssyncset.done $0x0  }
0x9d: {  	s10 =	sadd.s32 $0x2910, s9;
	[sflag:s14] =	ssyncadd.s32 $0xFFFFE800  }
0x9e: {  	[spmem:s2] =	stream.indirect.scatter.add.f32 [tilespmem:s29], [sflag:$0x9], $0x30, s10, s18, $0xb8;
	[tilespmem:$0x17120] =	vst v63  }
0x9f: {  	_ =	swait.ge [sflag:s16], $0x1800  }
0xa0: {  	[sflag:s16] =	ssyncset.done $0x0  }
0xa1: {  	s10 =	sadd.s32 $0x500, s9;
	[sflag:s16] =	ssyncadd.s32 $0xFFFFE800  }
0xa2: {  	[tilespmem:s29], [sflag:$0x5] =	stream.indirect.gather [hbm4b:s4+s18], $0x30, s10, s18, $0xb8;
	[tilespmem:$0x17120] =	vst v63  }
0xa3: {  	_ =	swait.ge [sflag:s3], $0x1800  }
0xa4: {  	[sflag:s3] =	ssyncset.done $0x0  }
.Ltmp1:
0xa5: {  	s10 =	sadd.s32 $0x2990, s9;
	[sflag:s3] =	ssyncadd.s32 $0xFFFFE800;
	(pc) =	sbr.rel @p1 .LBB2_4-.Ltmp1, $4  }
0xa6: {  	[spmem:s2] =	stream.indirect.scatter.add.f32 [tilespmem:s31], [sflag:$0x9], $0x30, s10, s18, $0xb8;
	[tilespmem:$0x17120] =	vst v63  }
0xa7: {  	_ =	swait.ge [sflag:s16], $0x1800  }
0xa8: {  	[sflag:s16] =	ssyncset.done $0x0  }
0xa9: {  	s9 =	sadd.s32 $0x580, s9;
	[sflag:s16] =	ssyncadd.s32 $0xFFFFE800  }
0xaa: {  	[tilespmem:s31], [sflag:$0x6] =	stream.indirect.gather [hbm4b:s4+s18], $0x30, s9, s18, $0xb8;
	[tilespmem:$0x17120] =	vst v63  }
0xab: {  	_ =	swait.ge [sflag:s23], $0x1800  }
0xac: {  	[sflag:s23] =	ssyncset.done $0x0  }
0xad: {  	s8 =	simm.s32 $0x4B10;
	[sflag:s23] =	ssyncadd.s32 $0xFFFFE800  }
0xae: {  	[spmem:s2] =	stream.indirect.scatter.add.f32 [tilespmem:s19], [sflag:$0x9], $0x30, s8, s18, $0xb8;
	[tilespmem:$0x17120] =	vst v63  }
0xaf: {  	_ =	swait.ge [sflag:s16], $0x1800  }
0xb0: {  	[sflag:s16] =	ssyncset.done $0x0  }
0xb1: {  	[sflag:s16] =	ssyncadd.s32 $0xFFFFE800  }
0xb2: {  	_ =	swait.ge [sflag:s28], $0x1800  }
0xb3: {  	[sflag:s28] =	ssyncset.done $0x0  }
0xb4: {  	s9 =	simm.s32 $0x4B90;
	[sflag:s28] =	ssyncadd.s32 $0xFFFFE800  }
0xb5: {  	[spmem:s2] =	stream.indirect.scatter.add.f32 [tilespmem:s20], [sflag:$0x9], $0x30, s9, s18, $0xb8;
	[tilespmem:$0x17120] =	vst v63  }
0xb6: {  	_ =	swait.ge [sflag:s16], $0x1800  }
0xb7: {  	[sflag:s16] =	ssyncset.done $0x0  }
0xb8: {  	[sflag:s16] =	ssyncadd.s32 $0xFFFFE800  }
0xb9: {  	_ =	swait.ge [sflag:s30], $0x1800  }
0xba: {  	[sflag:s30] =	ssyncset.done $0x0  }
0xbb: {  	s10 =	simm.s32 $0x4C10;
	[sflag:s30] =	ssyncadd.s32 $0xFFFFE800  }
0xbc: {  	[spmem:s2] =	stream.indirect.scatter.add.f32 [tilespmem:s22], [sflag:$0x9], $0x30, s10, s18, $0xb8;
	[tilespmem:$0x17120] =	vst v63  }
0xbd: {  	_ =	swait.ge [sflag:s16], $0x1800  }
0xbe: {  	[sflag:s16] =	ssyncset.done $0x0  }
0xbf: {  	[sflag:s16] =	ssyncadd.s32 $0xFFFFE800  }
0xc0: {  	_ =	swait.ge [sflag:s1], $0x1800  }
0xc1: {  	[sflag:s1] =	ssyncset.done $0x0  }
0xc2: {  	s9 =	simm.s32 $0x4C90;
	[sflag:s1] =	ssyncadd.s32 $0xFFFFE800  }
0xc3: {  	[spmem:s2] =	stream.indirect.scatter.add.f32 [tilespmem:s26], [sflag:$0x9], $0x30, s9, s18, $0xb8;
	[tilespmem:$0x17120] =	vst v63  }
0xc4: {  	_ =	swait.ge [sflag:s16], $0x1800  }
0xc5: {  	[sflag:s16] =	ssyncset.done $0x0  }
0xc6: {  	[sflag:s16] =	ssyncadd.s32 $0xFFFFE800  }
0xc7: {  	_ =	swait.ge [sflag:s14], $0x1800  }
0xc8: {  	[sflag:s14] =	ssyncset.done $0x0  }
0xc9: {  	s10 =	simm.s32 $0x4D10;
	[sflag:s14] =	ssyncadd.s32 $0xFFFFE800  }
0xca: {  	[spmem:s2] =	stream.indirect.scatter.add.f32 [tilespmem:s29], [sflag:$0x9], $0x30, s10, s18, $0xb8;
	[tilespmem:$0x17120] =	vst v63  }
0xcb: {  	_ =	swait.ge [sflag:s16], $0x1800  }
0xcc: {  	[sflag:s16] =	ssyncset.done $0x0  }
0xcd: {  	[sflag:s16] =	ssyncadd.s32 $0xFFFFE800  }
0xce: {  	_ =	swait.ge [sflag:s3], $0x1800  }
0xcf: {  	[sflag:s3] =	ssyncset.done $0x0  }
0xd0: {  	s9 =	simm.s32 $0x4D90;
	[sflag:s3] =	ssyncadd.s32 $0xFFFFE800  }
0xd1: {  	[spmem:s2] =	stream.indirect.scatter.add.f32 [tilespmem:s31], [sflag:$0x9], $0x30, s9, s18, $0xb8;
	[tilespmem:$0x17120] =	vst v63  }
0xd2: {  	_ =	swait.ge [sflag:s16], $0x1800  }
0xd3: {  	[sflag:s16] =	ssyncset.done $0x0  }
0xd4: {  	[sflag:s16] =	ssyncadd.s32 $0xFFFFE800  }
0xd5: {  	_ =	swait.ge [sflag:s5], $0x300  }
0xd6: {  	[sflag:s5] =	ssyncset.done $0x0  }
0xd7: {  	s10 =	simm.s32 $0x4E10;
	[sflag:s5] =	ssyncadd.s32 $0xFFFFFD00  }
0xd8: {  	[spmem:s2] =	stream.indirect.scatter.add.f32 [tilespmem:s21], [sflag:$0x9], $0x30, s10, s0, $0xb8;
	[tilespmem:$0x17120] =	vst v63  }
0xd9: {  	_ =	swait.ge [sflag:s16], $0x300  }
0xda: {  	[sflag:s16] =	ssyncset.done $0x0  }
0xdb: {  	[sflag:s16] =	ssyncadd.s32 $0xFFFFFD00  }
0xdc: {  	s8 =	sadd.s32 @p0 $0xE100, s12;
	s9 =	simm.s32 @p0 $0x1FC9;
	[bflag:$0x0] =	sbarrier.arrive $0xFFFF  }
0xdd: {  	[hbm:s8], [sflag:s9] =	dma.local @p0 [spmem:s24], $0x960  }
0xde: {  	s8 =	simm.s32 @p0 $0x9  }
0xdf: {  	s6 =	sadd.s32 $0x1, s6;
	s9 =	stileid.u32;
	_ =	swait.ge @p0 [sflag:s8], $0x960  }
0xe0: {  	p1 =	sne.s32 s6, s13;
	s9 =	sshll.u32 @!p0 s9, $0x6;
	[sflag:s8] =	ssyncset.done @p0 $0x0  }
0xe1: {  	[sflag:s8] =	ssyncadd.s32 @p0 $0xFFFFF6A0;
	s8 =	sor.u32 @!p0 $0x1C09, s9;
	s9 =	sshrl.u32 @!p0 s7, $0x3  }
0xe2: {  	[hbm:s25], [sflag:s8] =	dma.local @!p0 [spmem:s9], $0xF00  }
.Ltmp2:
0xe3: {  	_ = 	snop;
	(pc) =	sbr.rel @p1 .LBB2_1-.Ltmp2, $4  }
0xe4: {  	s8 =	simm.s32 @!p0 $0x9  }
0xe5: {  	_ =	swait.ge @!p0 [sflag:s8], $0xF00  }
0xe6: {  	[sflag:s8] =	ssyncset.done @!p0 $0x0  }
0xe7: {  	[sflag:s8] =	ssyncadd.s32 @!p0 $0xFFFFF100  }
0xe8: {  	_ =	sfence.sel $0x180000  }
0xe9: {  	[bflag:$0x0] =	sbarrier.arrive $0xFFFF  }
0xea: {  	_ =	strace $0x9000004D  }
0xeb: {  	s0 =	stileid.u32;
	[bflag:$0x2] =	sbarrier.arrive $0xFFFF  }
0xec: {  	p0 =	sne.s32 s0, $0x0;
	s0 =	rddreg [dreg:$0x2]  }
0xed: {  	s0 =	sadd.s32 @!p0 $0x100000, s0  }
0xee: {  	[sflag:s0] =	ssyncadd.tile.s32 @!p0 $0x1;
	_ =	shalt  }
.Lfunc_end2:
_tile_overlayer_lowered:
.L_overlay_start_2:
0xef: {  	(tag) =	ssettag $0x2  }
0xf0: {  	s0 =	rddreg [dreg:$0x0];
	s2 =	stileid.u32  }
0xf1: {  	s1 =	rddreg [dreg:$0x1];
	p0 =	sne.s32 s2, $0x0  }
0xf2: {  	s3 =	rddreg [dreg:$0x2];
	[bflag:$0x3] =	sbarrier.arrive $0xFFFF;
	s2 =	simm.s32 @!p0 $0x1C09  }
0xf3: {  	[timem:s3], [sflag:s2] =	dma.local @!p0 [hbm:s0], s1  }
0xf4: {  	s0 =	simm.s32 @!p0 $0x9  }
0xf5: {  	_ =	swait.ge @!p0 [sflag:s0], s1  }
0xf6: {  	s1 =	ssub.s32 @!p0 $0x0, s1;
	[sflag:s0] =	ssyncset.done @!p0 $0x0  }
0xf7: {  	[sflag:s0] =	ssyncadd.s32 @!p0 s1  }
0xf8: {  	[bflag:$0x3] =	sbarrier.arrive $0xFFFF  }
0xf9: {  	_ =	shalt  }

// kernel: kernel.8.cloned.1.call-start
scs
__scs_entry_jumppad:
0x0: {  	(pc) =	sbr.rel $0x88, $3  }
0x1: {  	(tag) =	ssettag $0x0;
	lr =	simm.s32 $0x1  }
0x2: {  	[smem:$0x3F99] =	sst lr;
	_ =	strace $0xD0000000  }
0x3: {  	_ = 	snop  }
0x4: {  	_ = 	snop  }
0x5: {  	_ = 	snop  }
0x6: {  	_ = 	snop  }
0x7: {  	_ = 	snop  }
__scs_overlays_trampoline_lowered:
0x8: {  	[smem:$0x3FA8] =	sst s0  }
0x9: {  	[smem:$0x3FA9] =	sst s1  }
0xa: {  	[smem:$0x3FAA] =	sst s2  }
0xb: {  	[smem:$0x3FAB] =	sst s3  }
0xc: {  	[smem:$0x3FAC] =	sst s4  }
0xd: {  	[smem:$0x3FAD] =	sst s5  }
0xe: {  	[smem:$0x3FAE] =	sst s6  }
0xf: {  	[smem:$0x3FAF] =	sst s7  }
0x10: {  	[smem:$0x3FB0] =	sst s8  }
0x11: {  	[smem:$0x3FB1] =	sst s9;
	s0 =	simm.s32 @!p0 $0x0  }
0x12: {  	s1 =	sld [smem:$0x3F97];
	s0 =	simm.s32 @p0 $0x1  }
0x13: {  	[smem:$0x3FB2] =	sst s0;
	s0 =	simm.s32 @!p1 $0x0  }
0x14: {  	s2 =	sld [smem:$0x3F96];
	s0 =	simm.s32 @p1 $0x1  }
0x15: {  	[smem:$0x3FB3] =	sst s0;
	s0 =	simm.s32 @!p2 $0x0  }
0x16: {  	s3 =	sld [smem:$0x3FDB];
	s0 =	simm.s32 @p2 $0x1  }
0x17: {  	s4 =	simm.s32 $0x1BF5;
	[smem:$0x3FB5] =	sst s0  }
0x18: {  	s0 =	sld [smem:$0x3F98];
	_ =	swait.ge [sflag:s4], $0x0  }
0x19: {  	s7 =	sld [smem:$0x3F99]  }
0x1a: {  	s8 =	sadd.s32 $0xFFFFE003, lr  }
0x1b: {  	s9 =	sadd.s32 $0xFFFFFEF7, lr;
	s5 =	simm.s32 $0xFFFFFFFF;
	p2 =	slt.u32 s8, $0xFFFFF086  }
0x1c: {  	p1 =	slt.u32 s9, $0xF7A;
	s5 =	simm.s32 @!p2 $0x0  }
0x1d: {  	s5 =	simm.s32 @p1 $0x1;
	p0 =	seq.s32 s7, s2  }
0x1e: {  	s7 =	smul.u32 @!p0 $0xF7A, s2;
	p2 =	seq.s32 @!p0 s5, $0x0  }
0x1f: {  	s9 =	smul.u32 $0xF7A, s1;
	s8 =	simm.s32 @!p0 $0x1BF5;
	p2 =	por !p2, p0  }
0x20: {  	[sflag:s8] =	ssyncset.s32 @!p0 $0xFFFFF086;
	s6 =	sadd.s32 @!p0 s3, s7;
	s7 =	simm.s32 @!p0 $0x108  }
0x21: {  	s3 =	sadd.s32 s3, s9;
	s6 =	sadd.s32 @!p0 $0x88, s6;
	s7 =	simm.s32 @p2 $0x1082  }
0x22: {  	[simem:s7], [sflag:s8] =	dma.local @!p0 [hbm:s6], $0xF7A  }
0x23: {  	s9 =	sor.u32 $0xD0000000, s2;
	s6 =	simm.s32 $0x108;
	_ =	swait.ge @!p0 [sflag:s8], $0x0  }
0x24: {  	s3 =	sadd.s32 $0x88, s3;
	s6 =	simm.s32 @!p1 $0x1082;
	[sflag:s4] =	ssyncset.s32 $0xFFFFF086  }
0x25: {  	[simem:s6], [sflag:s4] =	dma.local [hbm:s3], $0xF7A  }
0x26: {  	[smem:$0x3F99] =	sst s1;
	(tag) =	ssettag s2;
	_ =	strace s9  }
0x27: {  	s1 =	sld [smem:$0x3FA9]  }
0x28: {  	s2 =	sld [smem:$0x3FAA]  }
0x29: {  	s4 =	sld [smem:$0x3FAC]  }
0x2a: {  	p0 =	seq.s32 s5, $0x0;
	s5 =	sld [smem:$0x3FAD]  }
0x2b: {  	s6 =	sld [smem:$0x3FAE]  }
0x2c: {  	s7 =	sld [smem:$0x3FAF]  }
0x2d: {  	s3 =	simm.s32 $0x108;
	s8 =	sld [smem:$0x3FB0]  }
0x2e: {  	s3 =	simm.s32 @!p0 $0x1082;
	s9 =	sld [smem:$0x3FB1]  }
0x2f: {  	lr =	sadd.s32 s0, s3;
	s0 =	sld [smem:$0x3FA8]  }
0x30: {  	s3 =	sld [smem:$0x3FAB]  }
0x31: {  	[smem:$0x3FB4] =	sst s10  }
0x32: {  	s10 =	sld [smem:$0x3FB2];
	_ =	sdelay $0x3  }
0x33: {  	p0 =	seq.s32 s10, $0x1;
	s10 =	sld [smem:$0x3FB4];
	_ =	sdelay $0x3  }
0x34: {  	[smem:$0x3FB4] =	sst s10  }
0x35: {  	s10 =	sld [smem:$0x3FB3];
	_ =	sdelay $0x3  }
0x36: {  	p1 =	seq.s32 s10, $0x1;
	s10 =	sld [smem:$0x3FB4];
	_ =	sdelay $0x3  }
0x37: {  	[smem:$0x3FB4] =	sst s10  }
0x38: {  	s10 =	sld [smem:$0x3FB5]  }
0x39: {  	_ = 	snop;
	(pc) =	sbr.ind lr, $3  }
0x3a: {  	_ = 	snop  }
0x3b: {  	_ = 	snop  }
0x3c: {  	p2 =	seq.s32 s10, $0x1;
	s10 =	sld [smem:$0x3FB4]  }
0x3d: {  	_ =	shalt  }
0x3e: {  	_ =	shalt  }
0x3f: {  	_ =	shalt  }
0x40: {  	_ =	shalt  }
0x41: {  	_ =	shalt  }
0x42: {  	_ =	shalt  }
0x43: {  	_ =	shalt  }
0x44: {  	_ =	shalt  }
0x45: {  	_ =	shalt  }
0x46: {  	_ =	shalt  }
0x47: {  	_ =	shalt  }
0x48: {  	_ =	shalt  }
0x49: {  	_ =	shalt  }
0x4a: {  	_ =	shalt  }
0x4b: {  	_ =	shalt  }
0x4c: {  	_ =	shalt  }
0x4d: {  	_ =	shalt  }
0x4e: {  	_ =	shalt  }
0x4f: {  	_ =	shalt  }
0x50: {  	_ =	shalt  }
0x51: {  	_ =	shalt  }
0x52: {  	_ =	shalt  }
0x53: {  	_ =	shalt  }
0x54: {  	_ =	shalt  }
0x55: {  	_ =	shalt  }
0x56: {  	_ =	shalt  }
0x57: {  	_ =	shalt  }
0x58: {  	_ =	shalt  }
0x59: {  	_ =	shalt  }
0x5a: {  	_ =	shalt  }
0x5b: {  	_ =	shalt  }
0x5c: {  	_ =	shalt  }
0x5d: {  	_ =	shalt  }
0x5e: {  	_ =	shalt  }
0x5f: {  	_ =	shalt  }
0x60: {  	_ =	shalt  }
0x61: {  	_ =	shalt  }
0x62: {  	_ =	shalt  }
0x63: {  	_ =	shalt  }
0x64: {  	_ =	shalt  }
0x65: {  	_ =	shalt  }
0x66: {  	_ =	shalt  }
0x67: {  	_ =	shalt  }
0x68: {  	_ =	shalt  }
0x69: {  	_ =	shalt  }
0x6a: {  	_ =	shalt  }
0x6b: {  	_ =	shalt  }
0x6c: {  	_ =	shalt  }
0x6d: {  	_ =	shalt  }
0x6e: {  	_ =	shalt  }
0x6f: {  	_ =	shalt  }
0x70: {  	_ =	shalt  }
0x71: {  	_ =	shalt  }
0x72: {  	_ =	shalt  }
0x73: {  	_ =	shalt  }
0x74: {  	_ =	shalt  }
0x75: {  	_ =	shalt  }
0x76: {  	_ =	shalt  }
0x77: {  	_ =	shalt  }
0x78: {  	_ =	shalt  }
0x79: {  	_ =	shalt  }
0x7a: {  	_ =	shalt  }
0x7b: {  	_ =	shalt  }
0x7c: {  	_ =	shalt  }
0x7d: {  	_ =	shalt  }
0x7e: {  	_ =	shalt  }
0x7f: {  	_ =	shalt  }
0x80: {  	_ =	shalt  }
0x81: {  	_ =	shalt  }
0x82: {  	_ =	shalt  }
0x83: {  	_ =	shalt  }
0x84: {  	_ =	shalt  }
0x85: {  	_ =	shalt  }
0x86: {  	_ =	shalt  }
0x87: {  	_ =	shalt  }
.Lfunc_end0:
.L_simem_size_0:
called_computation_lowered:
.L_overlay_start_0:
0x88: {  	s2 =	sld [smem:$0x3FD9]  }
0x89: {  	s3 =	sld [smem:$0x3FFE];
	_ =	sdelay $0x1  }
0x8a: {  	s1 =	srdreg.scid  }
0x8b: {  	s0 =	sand.u32 $0x1, s1  }
0x8c: {  	s17 =	sshll.u32 s0, $0xA;
	s2 =	sadd.s32 s3, s2  }
0x8d: {  	s2 =	sadd.s32 s2, s17  }
0x8e: {  	[smem:$0x3FC0] =	sst s2  }
0x8f: {  	_ = 	snop  }
0x90: {  	s2 =	sld [smem:$0x3FD0];
	(tm) =	ssettm $0x1  }
0x91: {  	s18 =	sld [smem:$0x3FFB];
	_ =	sdelay $0x3  }
0x92: {  	_ =	strace s18  }
0x93: {  	s3 =	sld [smem:$0x3FFC];
	_ =	sdelay $0x3  }
0x94: {  	_ =	strace s3  }
0x95: {  	s3 =	sld [smem:$0x3FFD];
	_ =	sdelay $0x3  }
0x96: {  	_ =	strace s3  }
0x97: {  	_ =	strace $0x8FFFFFFF  }
0x98: {  	s19 =	sld [smem:$0x3FDB];
	_ =	sdelay $0x1  }
0x99: {  	s4 =	simm.s32 $_scs_section_size  }
0x9a: {  	s5 =	simm.s32 $_size__tile_overlayer_lowered;
	s6 =	simm.s32 $_tile_overlayer_lowered  }
0x9b: {  	s22 =	simm.s32 $0x1BFF;
	s21 =	sshll.u32 s6, $0x1;
	s3 =	sadd.s32 s4, s19  }
0x9c: {  	s7 =	simm.s32 $0x0;
	s20 =	sshll.u32 s5, $0x1;
	s5 =	sadd.s32 s21, s3  }
0x9d: {  	[timem:s7], [sflag:s22] =	dma.local [hbm:s5], s20  }
0x9e: {  	_ =	swait.ge [sflag:s22], s20  }
0x9f: {  	s4 =	ssub.s32 $0x0, s20;
	[sflag:s22] =	ssyncset.done $0x0  }
0xa0: {  	[sflag:s22] =	ssyncadd.s32 s4;
	_ =	sdelay $0x1  }
0xa1: {  	s23 =	simm.s32 $0x1B8B  }
0xa2: {  	_ =	swait.ge [sflag:s23], $0x1  }
0xa3: {  	[sflag:s23] =	ssyncset.done $0x0  }
0xa4: {  	s25 =	simm.s32 $0x1B8E;
	s24 =	sld [smem:$0x3FFE];
	[sflag:s23] =	ssyncadd.s32 $0xFFFFFFFF  }
0xa5: {  	s26 =	simm.s32 $execute0_lowered;
	[smem:$0x3FD2] =	sst s25  }
0xa6: {  	s5 =	sshll.u32 s26, $0x1;
	_ =	strace $0x80000046;
	[dreg:$0x1] =	wrdreg $0xFFFFFFFF  }
0xa7: {  	s28 =	simm.s32 $_size_execute0_lowered;
	s3 =	sadd.s32 s3, s5;
	[dreg:$0x0] =	wrdreg $0x0  }
0xa8: {  	s5 =	sshll.u32 s28, $0x1;
	[dreg:$0x2] =	wrdreg s3  }
0xa9: {  	[dreg:$0x3] =	wrdreg s5  }
0xaa: {  	[dreg:$0x4] =	wrdreg $0xC0  }
0xab: {  	_ =	task [dreg:s7], $0x5FFFF  }
0xac: {  	[dreg:$0x1] =	wrdreg $0xFFFFFFFF  }
0xad: {  	[dreg:$0x0] =	wrdreg $0x60  }
0xae: {  	[dreg:$0x2] =	wrdreg s24  }
0xaf: {  	[dreg:$0x3] =	wrdreg s2  }
0xb0: {  	[dreg:$0x4] =	wrdreg $0x37100  }
0xb1: {  	[dreg:$0x5] =	wrdreg $0x9  }
0xb2: {  	_ =	task.clear_ibuf [dreg:s7], $0x6FFFF;
	_ =	strace $0x90000046  }
0xb3: {  	s29 =	simm.s32 $0x9;
	_ =	strace $0x80000048  }
0xb4: {  	_ =	swait.ge [sflag:s29], $0x1  }
0xb5: {  	[sflag:s29] =	ssyncadd.s32 $0xFFFFFFFF  }
0xb6: {  	_ =	strace $0x90000048  }
0xb7: {  	_ =	sfence  }
0xb8: {  	s30 =	sld [smem:$0x0];
	_ =	sdelay $0x2  }
0xb9: {  	s31 =	sshll.u32 s1, $0xD;
	s1 =	sshrl.u32 s1, $0x2  }
0xba: {  	s3 =	sand.u32 $0x4000, s31;
	s1 =	sadd.s32 s1, s30  }
0xbb: {  	s0 =	sor.u32 s3, s0;
	s1 =	sshll.u32 s1, $0x11  }
0xbc: {  	s0 =	sor.u32 s1, s0  }
0xbd: {  	s0 =	sadd.s32 $0x8F2B, s0  }
0xbe: {  	[sflag:s0] =	ssyncadd.remote.s32 $0x1  }
0xbf: {  	_ =	sfence.sel $0xFFFF  }
0xc0: {  	[dreg:$0x0] =	wrdreg $0xFFFFFFFF;
	(pc) =	sbr.abs _section_cstart, $3  }
0xc1: {  	[dreg:$0x1] =	wrdreg $0xFFFFFFFF  }
0xc2: {  	_ =	task.clear_ibuf [dreg:s7], $0x2FFFF;
	_ =	strace $0x9FFFFFFF  }
0xc3: {  	(tm) =	ssettm $0x7FFFFFFF  }
tec
execute0_lowered:
.L_overlay_start_1:
0x0: {  	(tag) =	ssettag $0x1  }
0x1: {  	s4 =	rddreg [dreg:$0x0]  }
0x2: {  	s10 =	rddreg [dreg:$0x1]  }
0x3: {  	s0 =	srdreg.scid;
	s2 =	rddreg [dreg:$0x2]  }
0x4: {  	s3 =	simm.s32 $0x0;
	s14 =	simm.s32 $0x1;
	s15 =	simm.s32 $0x80  }
0x5: {  	s16 =	simm.s32 $0x2710;
	s17 =	simm.s32 $0x10;
	s18 =	simm.s32 $0x2700  }
0x6: {  	s21 =	simm.s32 $0x0;
	s7 =	sand.u32 $0x1, s0;
	s0 =	stileid.u32  }
0x7: {  	[smem:$0x7FF] =	sst s3;
	s19 =	sadd.s32 $0x25800, s2;
	s6 =	smul.u32 $0xA000, s0  }
0x8: {  	s1 =	sshll.u32 s7, $0x4;
	s31 =	ssub.s32 $0x2, s7;
	s11 =	smul.u32 $0x2800, s0  }
0x9: {  	s13 =	smul.u32 $0x4E20, s7;
	p0 =	seq.s32 s0, $0xF;
	s5 =	sor.u32 s0, s1  }
0xa: {  	s1 =	rddreg [dreg:$0x3];
	_ =	strace $0x80000047;
	s8 =	sshrl.u32 s31, $0x1  }
0xb: {  	s19 =	sshrl.u32 @p0 s19, $0x3;
	s5 =	smul.u32 $0x4E2, s5;
	s6 =	sshrl.u32 s6, $0x2  }
0xc: {  	s12 =	ssub.s32 s31, s8;
	s10 =	sadd.s32 s10, s13;
	s20 =	sshrl.u32 s11, $0x3  }
0xd: {  	s13 =	simm.s32 $0x2;
	s9 =	sadd.s32 s6, s2;
	s20 =	sadd.s32 @!p0 s20, s10  }
0xe: {  	s4 =	sadd.s32 s5, s4;
	s5 =	sadd.s32 s11, s2;
	s6 =	sadd.s32 $0x800, s9  }
0xf: {  	s7 =	sadd.s32 $0x1000, s9;
	s8 =	sadd.s32 $0x1800, s9;
	s9 =	sadd.s32 $0x2000, s9  }
0x10: {  	v0 =	vimm.f32 $1.000000000e+00;
	v1 =	vimm.f32 $0.0e+00;
	s11 =	smax.u32 s12, $0x1;
	s12 =	simm.s32 $0x2F10;
	s4 =	sadd.s32 $0xBE40, s4  }
.LBB2_1:
0x11: {  	[tilespmem:s3], [sflag:$0x1] =	stream.linear.gather [hbm4b:s4+s3], $0x2710, $0x38;
	[tilespmem:$0x5F10] =	vst v63  }
0x12: {  	s22 =	simm.s32 $0x0  }
.LBB2_2:
0x13: {  	p1 =	sne.s32 s22, $0x1FC0  }
.Ltmp0:
0x14: {  	_ = 	snop;
	(pc) =	sbr.rel @p1 .LBB2_2-.Ltmp0, $3  }
0x15: {  	_ =	sdelay $0x1  }
0x16: {  	s23 =	sshra.s32 s22, $0x2  }
0x17: {  	s22 =	sadd.s32 $0x40, s22;
	[tilespmem:s23+$0x2710] =	vst v0  }
0x18: {  	s22 =	simm.s32 $0x40;
	s23 =	simm.s32 $0x0  }
.LBB2_4:
0x19: {  	p1 =	sne.s32 s22, $0x1FC0;
	[tilespmem:s23+$0x2F10] =	vst v1;
	s23 =	smov.u32 s22;
	s22 =	sadd.s32 $0x40, s22  }
.Ltmp1:
0x1a: {  	(pc) =	sbr.rel @p1 .LBB2_4-.Ltmp1, $2  }
0x1b: {  	_ =	sdelay $0x2  }
0x1c: {  	s23 =	sshra.s32 s23, $0x2  }
0x1d: {  	[tilespmem:s23+$0x2F10] =	vst v1  }
0x1e: {  	[spmem:s5] =	stream.linear.scatter [tilespmem:s12], [sflag:$0x2], $0x800, $0x38;
	[tilespmem:$0x5F10] =	vst v63  }
0x1f: {  	_ =	swait.ge [sflag:s13], $0x800  }
0x20: {  	[sflag:s13] =	ssyncset.done $0x0  }
0x21: {  	[sflag:s13] =	ssyncadd.s32 $0xFFFFF800  }
0x22: {  	[spmem:s6] =	stream.linear.scatter [tilespmem:s12], [sflag:$0x2], $0x800, $0x38;
	[tilespmem:$0x5F10] =	vst v63  }
0x23: {  	_ =	swait.ge [sflag:s13], $0x800  }
0x24: {  	[sflag:s13] =	ssyncset.done $0x0  }
0x25: {  	[sflag:s13] =	ssyncadd.s32 $0xFFFFF800  }
0x26: {  	[spmem:s7] =	stream.linear.scatter [tilespmem:s12], [sflag:$0x2], $0x800, $0x38;
	[tilespmem:$0x5F10] =	vst v63  }
0x27: {  	_ =	swait.ge [sflag:s13], $0x800  }
0x28: {  	[sflag:s13] =	ssyncset.done $0x0  }
0x29: {  	[sflag:s13] =	ssyncadd.s32 $0xFFFFF800  }
0x2a: {  	[spmem:s8] =	stream.linear.scatter [tilespmem:s12], [sflag:$0x2], $0x800, $0x38;
	[tilespmem:$0x5F10] =	vst v63  }
0x2b: {  	_ =	swait.ge [sflag:s13], $0x800  }
0x2c: {  	[sflag:s13] =	ssyncset.done $0x0  }
0x2d: {  	[sflag:s13] =	ssyncadd.s32 $0xFFFFF800  }
0x2e: {  	[spmem:s9] =	stream.linear.scatter [tilespmem:s12], [sflag:$0x2], $0x800, $0x38;
	[tilespmem:$0x5F10] =	vst v63  }
0x2f: {  	_ =	swait.ge [sflag:s13], $0x800  }
0x30: {  	[sflag:s13] =	ssyncset.done $0x0  }
0x31: {  	[sflag:s13] =	ssyncadd.s32 $0xFFFFF800  }
0x32: {  	_ =	swait.ge [sflag:s14], $0x2710  }
0x33: {  	[sflag:s14] =	ssyncset.done $0x0  }
0x34: {  	[sflag:s14] =	ssyncadd.s32 $0xFFFFD8F0  }
0x35: {  	s22 =	simm.s32 $0x0;
	[bflag:$0x0] =	sbarrier.arrive $0xFFFF  }
0x36: {  	[spmem:s2] =	stream.indirect.scatter.add.f32 [tilespmem:s16], [sflag:$0x1], $0x10, s22, s15, $0xb8;
	[tilespmem:$0x5F10] =	vst v63  }
0x37: {  	s26 =	simm.s32 $0x80  }
0x38: {  	[spmem:s2] =	stream.indirect.scatter.add.f32 [tilespmem:s16], [sflag:$0x1], $0x10, s26, s15, $0xb8;
	[tilespmem:$0x5F10] =	vst v63  }
0x39: {  	s28 =	simm.s32 $0x100  }
0x3a: {  	[spmem:s2] =	stream.indirect.scatter.add.f32 [tilespmem:s16], [sflag:$0x1], $0x10, s28, s15, $0xb8;
	[tilespmem:$0x5F10] =	vst v63  }
0x3b: {  	s29 =	simm.s32 $0x180  }
0x3c: {  	[spmem:s2] =	stream.indirect.scatter.add.f32 [tilespmem:s16], [sflag:$0x1], $0x10, s29, s15, $0xb8;
	[tilespmem:$0x5F10] =	vst v63  }
0x3d: {  	s30 =	simm.s32 $0x200  }
0x3e: {  	[spmem:s2] =	stream.indirect.scatter.add.f32 [tilespmem:s16], [sflag:$0x1], $0x10, s30, s15, $0xb8;
	[tilespmem:$0x5F10] =	vst v63  }
0x3f: {  	s31 =	simm.s32 $0x280  }
0x40: {  	[spmem:s2] =	stream.indirect.scatter.add.f32 [tilespmem:s16], [sflag:$0x1], $0x10, s31, s15, $0xb8;
	[tilespmem:$0x5F10] =	vst v63  }
0x41: {  	_ =	swait.ge [sflag:s14], $0x800  }
0x42: {  	[sflag:s14] =	ssyncset.done $0x0  }
0x43: {  	[sflag:s14] =	ssyncadd.s32 $0xFFFFF800  }
0x44: {  	_ =	swait.ge [sflag:s14], $0x800  }
0x45: {  	[sflag:s14] =	ssyncset.done $0x0  }
0x46: {  	[sflag:s14] =	ssyncadd.s32 $0xFFFFF800  }
0x47: {  	_ =	swait.ge [sflag:s14], $0x800  }
0x48: {  	[sflag:s14] =	ssyncset.done $0x0  }
0x49: {  	[sflag:s14] =	ssyncadd.s32 $0xFFFFF800  }
0x4a: {  	_ =	swait.ge [sflag:s14], $0x800  }
0x4b: {  	[sflag:s14] =	ssyncset.done $0x0  }
0x4c: {  	[sflag:s14] =	ssyncadd.s32 $0xFFFFF800  }
0x4d: {  	_ =	swait.ge [sflag:s14], $0x800  }
0x4e: {  	[sflag:s14] =	ssyncset.done $0x0  }
0x4f: {  	[sflag:s14] =	ssyncadd.s32 $0xFFFFF800  }
0x50: {  	_ =	swait.ge [sflag:s14], $0x800  }
0x51: {  	s23 =	simm.s32 $0x1800;
	s22 =	simm.s32 $0xC00;
	[sflag:s14] =	ssyncset.done $0x0  }
.LBB2_6:
0x52: {  	s24 =	sshra.s32 s22, $0x2  }
0x53: {  	[sflag:s14] =	ssyncadd.s32 $0xFFFFF800;
	s22 =	smov.u32 s23;
	s25 =	sadd.s32 $0xC00, s23  }
0x54: {  	[spmem:s2] =	stream.indirect.scatter.add.f32 [tilespmem:s16], [sflag:$0x1], $0x10, s24, s15, $0xb8;
	[tilespmem:$0x5F10] =	vst v63  }
0x55: {  	p1 =	sne.s32 s23, $0x9000;
	s23 =	sadd.s32 $0x80, s24  }
0x56: {  	[spmem:s2] =	stream.indirect.scatter.add.f32 [tilespmem:s16], [sflag:$0x1], $0x10, s23, s15, $0xb8;
	[tilespmem:$0x5F10] =	vst v63  }
0x57: {  	s23 =	sadd.s32 $0x100, s24  }
0x58: {  	[spmem:s2] =	stream.indirect.scatter.add.f32 [tilespmem:s16], [sflag:$0x1], $0x10, s23, s15, $0xb8;
	[tilespmem:$0x5F10] =	vst v63  }
0x59: {  	s23 =	sadd.s32 $0x180, s24  }
0x5a: {  	[spmem:s2] =	stream.indirect.scatter.add.f32 [tilespmem:s16], [sflag:$0x1], $0x10, s23, s15, $0xb8;
	[tilespmem:$0x5F10] =	vst v63  }
0x5b: {  	s23 =	sadd.s32 $0x200, s24  }
0x5c: {  	[spmem:s2] =	stream.indirect.scatter.add.f32 [tilespmem:s16], [sflag:$0x1], $0x10, s23, s15, $0xb8;
	[tilespmem:$0x5F10] =	vst v63  }
0x5d: {  	s23 =	sadd.s32 $0x280, s24  }
0x5e: {  	[spmem:s2] =	stream.indirect.scatter.add.f32 [tilespmem:s16], [sflag:$0x1], $0x10, s23, s15, $0xb8;
	[tilespmem:$0x5F10] =	vst v63  }
0x5f: {  	_ =	swait.ge [sflag:s14], $0x800  }
0x60: {  	[sflag:s14] =	ssyncset.done $0x0  }
0x61: {  	[sflag:s14] =	ssyncadd.s32 $0xFFFFF800  }
0x62: {  	_ =	swait.ge [sflag:s14], $0x800  }
0x63: {  	[sflag:s14] =	ssyncset.done $0x0  }
0x64: {  	[sflag:s14] =	ssyncadd.s32 $0xFFFFF800  }
0x65: {  	_ =	swait.ge [sflag:s14], $0x800  }
0x66: {  	[sflag:s14] =	ssyncset.done $0x0  }
0x67: {  	[sflag:s14] =	ssyncadd.s32 $0xFFFFF800  }
0x68: {  	_ =	swait.ge [sflag:s14], $0x800  }
0x69: {  	[sflag:s14] =	ssyncset.done $0x0  }
0x6a: {  	[sflag:s14] =	ssyncadd.s32 $0xFFFFF800  }
.Ltmp2:
0x6b: {  	_ =	swait.ge [sflag:s14], $0x800;
	(pc) =	sbr.rel @p1 .LBB2_6-.Ltmp2, $4  }
0x6c: {  	[sflag:s14] =	ssyncset.done $0x0  }
0x6d: {  	[sflag:s14] =	ssyncadd.s32 $0xFFFFF800  }
0x6e: {  	_ =	swait.ge [sflag:s14], $0x800  }
0x6f: {  	s23 =	smov.u32 s25;
	[sflag:s14] =	ssyncset.done $0x0  }
0x70: {  	s22 =	sshra.s32 s22, $0x2;
	[sflag:s14] =	ssyncadd.s32 $0xFFFFF800  }
0x71: {  	[spmem:s2] =	stream.indirect.scatter.add.f32 [tilespmem:s16], [sflag:$0x1], $0x10, s22, s15, $0xb8;
	[tilespmem:$0x5F10] =	vst v63  }
0x72: {  	s23 =	sadd.s32 $0x80, s22  }
0x73: {  	[spmem:s2] =	stream.indirect.scatter.add.f32 [tilespmem:s16], [sflag:$0x1], $0x10, s23, s15, $0xb8;
	[tilespmem:$0x5F10] =	vst v63  }
0x74: {  	s29 =	sadd.s32 $0x100, s22  }
0x75: {  	[spmem:s2] =	stream.indirect.scatter.add.f32 [tilespmem:s16], [sflag:$0x1], $0x10, s29, s15, $0xb8;
	[tilespmem:$0x5F10] =	vst v63  }
0x76: {  	s30 =	sadd.s32 $0x180, s22  }
0x77: {  	[spmem:s2] =	stream.indirect.scatter.add.f32 [tilespmem:s16], [sflag:$0x1], $0x10, s30, s15, $0xb8;
	[tilespmem:$0x5F10] =	vst v63  }
0x78: {  	s31 =	sadd.s32 $0x200, s22  }
0x79: {  	[spmem:s2] =	stream.indirect.scatter.add.f32 [tilespmem:s16], [sflag:$0x1], $0x10, s31, s15, $0xb8;
	[tilespmem:$0x5F10] =	vst v63  }
0x7a: {  	s22 =	sadd.s32 $0x280, s22  }
0x7b: {  	[spmem:s2] =	stream.indirect.scatter.add.f32 [tilespmem:s16], [sflag:$0x1], $0x10, s22, s15, $0xb8;
	[tilespmem:$0x5F10] =	vst v63  }
0x7c: {  	_ =	swait.ge [sflag:s14], $0x800  }
0x7d: {  	[sflag:s14] =	ssyncset.done $0x0  }
0x7e: {  	[sflag:s14] =	ssyncadd.s32 $0xFFFFF800  }
0x7f: {  	_ =	swait.ge [sflag:s14], $0x800  }
0x80: {  	[sflag:s14] =	ssyncset.done $0x0  }
0x81: {  	[sflag:s14] =	ssyncadd.s32 $0xFFFFF800  }
0x82: {  	_ =	swait.ge [sflag:s14], $0x800  }
0x83: {  	[sflag:s14] =	ssyncset.done $0x0  }
0x84: {  	[sflag:s14] =	ssyncadd.s32 $0xFFFFF800  }
0x85: {  	_ =	swait.ge [sflag:s14], $0x800  }
0x86: {  	[sflag:s14] =	ssyncset.done $0x0  }
0x87: {  	[sflag:s14] =	ssyncadd.s32 $0xFFFFF800  }
0x88: {  	_ =	swait.ge [sflag:s14], $0x800  }
0x89: {  	[sflag:s14] =	ssyncset.done $0x0  }
0x8a: {  	[sflag:s14] =	ssyncadd.s32 $0xFFFFF800  }
0x8b: {  	_ =	swait.ge [sflag:s14], $0x800  }
0x8c: {  	[sflag:s14] =	ssyncset.done $0x0  }
0x8d: {  	[sflag:s14] =	ssyncadd.s32 $0xFFFFF800  }
0x8e: {  	[spmem:s2] =	stream.indirect.scatter.add.f32 [tilespmem:s16], [sflag:$0x2], $0x10, s18, s17, $0xb8;
	[tilespmem:$0x5F10] =	vst v63  }
0x8f: {  	_ =	swait.ge [sflag:s13], $0x100  }
0x90: {  	[sflag:s13] =	ssyncset.done $0x0  }
0x91: {  	[sflag:s13] =	ssyncadd.s32 $0xFFFFFF00  }
0x92: {  	s23 =	simm.s32 @p0 $0x1FC2;
	s22 =	sadd.s32 @p0 $0x4B00, s10;
	[bflag:$0x0] =	sbarrier.arrive $0xFFFF  }
0x93: {  	[hbm:s22], [sflag:s23] =	dma.local @p0 [spmem:s19], $0x320  }
0x94: {  	s22 =	simm.s32 @p0 $0x2  }
0x95: {  	s21 =	sadd.s32 $0x1, s21;
	_ =	swait.ge @p0 [sflag:s22], $0x320  }
0x96: {  	p1 =	sne.s32 s21, s11;
	s23 =	sshll.u32 @!p0 s0, $0x6;
	[sflag:s22] =	ssyncset.done @p0 $0x0  }
0x97: {  	[sflag:s22] =	ssyncadd.s32 @p0 $0xFFFFFCE0;
	s22 =	sor.u32 @!p0 $0x1C02, s23;
	s23 =	sshrl.u32 @!p0 s5, $0x3  }
0x98: {  	[hbm:s20], [sflag:s22] =	dma.local @!p0 [spmem:s23], $0x500  }
.Ltmp3:
0x99: {  	_ = 	snop;
	(pc) =	sbr.rel @p1 .LBB2_1-.Ltmp3, $4  }
0x9a: {  	s22 =	simm.s32 @!p0 $0x2  }
0x9b: {  	_ =	swait.ge @!p0 [sflag:s22], $0x500  }
0x9c: {  	[sflag:s22] =	ssyncset.done @!p0 $0x0  }
0x9d: {  	[sflag:s22] =	ssyncadd.s32 @!p0 $0xFFFFFB00  }
0x9e: {  	_ =	sfence.sel $0x180000  }
0x9f: {  	[bflag:$0x0] =	sbarrier.arrive $0xFFFF  }
0xa0: {  	p0 =	sne.s32 s0, $0x0;
	_ =	strace $0x90000047  }
0xa1: {  	s0 =	sadd.s32 @!p0 $0x100000, s1;
	[bflag:$0x2] =	sbarrier.arrive $0xFFFF  }
0xa2: {  	[sflag:s0] =	ssyncadd.tile.s32 @!p0 $0x1;
	_ =	shalt  }
.Lfunc_end2:
_tile_overlayer_lowered:
.L_overlay_start_2:
0xa3: {  	(tag) =	ssettag $0x2  }
0xa4: {  	s0 =	rddreg [dreg:$0x0];
	s2 =	stileid.u32  }
0xa5: {  	s1 =	rddreg [dreg:$0x1];
	p0 =	sne.s32 s2, $0x0  }
0xa6: {  	s3 =	rddreg [dreg:$0x2];
	[bflag:$0x3] =	sbarrier.arrive $0xFFFF;
	s2 =	simm.s32 @!p0 $0x1C02  }
0xa7: {  	[timem:s3], [sflag:s2] =	dma.local @!p0 [hbm:s0], s1  }
0xa8: {  	s0 =	simm.s32 @!p0 $0x2  }
0xa9: {  	_ =	swait.ge @!p0 [sflag:s0], s1  }
0xaa: {  	s1 =	ssub.s32 @!p0 $0x0, s1;
	[sflag:s0] =	ssyncset.done @!p0 $0x0  }
0xab: {  	[sflag:s0] =	ssyncadd.s32 @!p0 s1  }
0xac: {  	[bflag:$0x3] =	sbarrier.arrive $0xFFFF  }
0xad: {  	_ =	shalt  }

</sc_bundles>
